<compile_context>
chip_gen: v7x
topology: tpu7x:2x2x1
jax: 0.10.2.dev20260603
libtpu: 0.0.44.dev20260713+nightly
codegen_flags: <defaults>
</compile_context>

<pallas_src>
import functools

import jax
import jax.numpy as jnp
from jax import lax
from jax.experimental import pallas as pl
from jax.experimental.pallas import tpu as pltpu
from jax.experimental.pallas import tpu_sc as plsc

BATCH = 2
NUM_NODES = 10000
N = BATCH * NUM_NODES
E = 320000
H = 128
BN_EPS = 1e-5

NUM_TILES = 16
EC = 128
SEG = 32
ROWS_PER_TILE = 160
NSEG = ROWS_PER_TILE // SEG
E_PAD = NUM_TILES * ROWS_PER_TILE * EC
NHALF = N // 2
TRASH = 752
ACC = NHALF + TRASH
APT = ACC // NUM_TILES
CPA = NHALF // NUM_TILES // 8 * 8
CP_TAIL = NHALF - NUM_TILES * CPA



def _sc_agg_body(h, combo, zer, out, idx_v, rows_a, rows_b, agg_sh,
                 sem_a, sem_b):
    c = lax.axis_index("c")
    t = lax.axis_index("s")

    pltpu.sync_copy(zer, agg_sh.at[pl.ds(t * APT, APT)])

    plsc.subcore_barrier()

    blk = c * NUM_TILES + t

    def seg_body(sg, carry):
        pltpu.sync_copy(combo.at[blk, pl.ds(sg * 2 * SEG, 2 * SEG)], idx_v)
        rows = (rows_a, rows_b)
        sems = (sem_a, sem_b)
        cps = [pltpu.async_copy(h.at[idx_v.at[0]], rows[0], sems[0]), None]
        for j in range(SEG):
            if j + 1 < SEG:
                cps[(j + 1) % 2] = pltpu.async_copy(
                    h.at[idx_v.at[j + 1]], rows[(j + 1) % 2],
                    sems[(j + 1) % 2])
            cps[j % 2].wait()
            pltpu.sync_copy(rows[j % 2], agg_sh.at[idx_v.at[SEG + j]],
                            add=True)
        return carry

    lax.fori_loop(0, NSEG, seg_body, 0)

    plsc.subcore_barrier()

    pltpu.sync_copy(agg_sh.at[pl.ds(t * CPA, CPA)],
                    out.at[pl.ds(c * NHALF + t * CPA, CPA)])

    @pl.when(t == NUM_TILES - 1)
    def _():
        pltpu.sync_copy(agg_sh.at[pl.ds(NUM_TILES * CPA, CP_TAIL)],
                        out.at[pl.ds(c * NHALF + NUM_TILES * CPA, CP_TAIL)])


_sc_agg = functools.partial(
    pl.kernel,
    out_type=jax.ShapeDtypeStruct((N, H), jnp.float32),
    mesh=plsc.VectorSubcoreMesh(core_axis_name="c", subcore_axis_name="s"),
    scratch_types=[
        pltpu.VMEM((2 * SEG, EC), jnp.int32),
        pltpu.VMEM((EC, H), jnp.float32),
        pltpu.VMEM((EC, H), jnp.float32),
        pltpu.VMEM_SHARED((ACC, H), jnp.float32),
        pltpu.SemaphoreType.DMA,
        pltpu.SemaphoreType.DMA,
    ],
)(_sc_agg_body)



def _embed_body(state_ref, embed_ref, out_ref):
    s = state_ref[...]
    e0 = embed_ref[0:1, :]
    e1 = embed_ref[1:2, :]
    out_ref[...] = jnp.where(s == 0, e0, e1)


def _tc_embed(state2d, embed):
    return pl.pallas_call(
        _embed_body,
        out_shape=jax.ShapeDtypeStruct((N, H), jnp.float32),
    )(state2d, embed)


def _bn_relu(t, g, b):
    mean = jnp.mean(t, axis=0, keepdims=True)
    var = jnp.mean((t - mean) * (t - mean), axis=0, keepdims=True)
    return jnp.maximum(g * (t - mean) / jnp.sqrt(var + BN_EPS) + b, 0.0)


def _layer_body(h_ref, agg_ref,
                w1_ref, w2_ref, bng_ref, bnb_ref, obng_ref, obnb_ref,
                out_ref):
    z = h_ref[...] + agg_ref[...]
    t = jnp.dot(z, w1_ref[...], preferred_element_type=jnp.float32)
    r = _bn_relu(t, bng_ref[...], bnb_ref[...])
    t2 = jnp.dot(r, w2_ref[...], preferred_element_type=jnp.float32)
    out_ref[...] = _bn_relu(t2, obng_ref[...], obnb_ref[...])


def _tc_layer(h, agg, w1, w2, bng, bnb, obng, obnb):
    return pl.pallas_call(
        _layer_body,
        out_shape=jax.ShapeDtypeStruct((N, H), jnp.float32),
    )(h, agg, w1, w2, bng, bnb, obng, obnb)


def _final_body(h_ref, h1_ref, h2_ref,
                rw1h_ref, rw1a_ref, rw1b_ref, rb1_ref, rw2_ref, rb2_ref,
                s_ref, pool_ref):
    q = (jnp.dot(h_ref[...], rw1h_ref[...], preferred_element_type=jnp.float32)
         + jnp.dot(h1_ref[...], rw1a_ref[...], preferred_element_type=jnp.float32)
         + jnp.dot(h2_ref[...], rw1b_ref[...], preferred_element_type=jnp.float32))
    q = jnp.maximum(q + rb1_ref[...], 0.0)
    sc = jnp.sum(q * rw2_ref[...], axis=1, keepdims=True) + rb2_ref[...]
    s_ref[...] = sc
    sv = sc.reshape(BATCH, NUM_NODES)
    pool_ref[...] = jnp.max(sv, axis=1, keepdims=True)


def _tc_final(h, h1, h2, rw1h, rw1a, rw1b, rb1, rw2, rb2):
    return pl.pallas_call(
        _final_body,
        out_shape=[jax.ShapeDtypeStruct((N, 1), jnp.float32),
                   jax.ShapeDtypeStruct((BATCH, 1), jnp.float32)],
    )(h, h1, h2, rw1h, rw1a, rw1b, rb1, rw2, rb2)



def kernel(params, state, edge_index):
    p = params
    state2d = state.reshape(N, 1)
    pad = E_PAD - E
    src = jnp.concatenate([edge_index[0], jnp.zeros((pad,), jnp.int32)])
    src = src.reshape(NUM_TILES, NSEG, SEG, EC)
    dst = jnp.concatenate(
        [edge_index[1], jnp.full((pad,), N, jnp.int32)])
    spill = NHALF + (dst % TRASH)
    dstl = jnp.stack([
        jnp.where(dst < NHALF, dst, spill),
        jnp.where((dst >= NHALF) & (dst < N), dst - NHALF, spill),
    ]).reshape(2, NUM_TILES, NSEG, SEG, EC)
    combo = jnp.concatenate(
        [jnp.broadcast_to(src[None], (2, NUM_TILES, NSEG, SEG, EC)),
         dstl], axis=3).reshape(2 * NUM_TILES, 2 * ROWS_PER_TILE, EC)
    zer = jnp.zeros((APT, H), jnp.float32)
    row = lambda v: v.reshape(1, H)

    h = _tc_embed(state2d, p['embed'])

    xs = (jnp.stack([p['w1_0'], p['w1_1']]),
          jnp.stack([p['w2_0'], p['w2_1']]),
          jnp.stack([row(p['bn_g_0']), row(p['bn_g_1'])]),
          jnp.stack([row(p['bn_b_0']), row(p['bn_b_1'])]),
          jnp.stack([row(p['obn_g_0']), row(p['obn_g_1'])]),
          jnp.stack([row(p['obn_b_0']), row(p['obn_b_1'])]))

    def step(hc, x):
        w1, w2, bng, bnb, obng, obnb = x
        agg = _sc_agg(hc, combo, zer)
        hn = _tc_layer(hc, agg, w1, w2, bng, bnb, obng, obnb)
        return hn, hn

    _, hs = lax.scan(step, h, xs)
    s, pooled = _tc_final(h, hs[0], hs[1],
                          p['rw1'][:H], p['rw1'][H:2 * H], p['rw1'][2 * H:],
                          row(p['rb1']), p['rw2'].reshape(1, H),
                          p['rb2'].reshape(1, 1))
    return (s.reshape(BATCH, NUM_NODES), pooled)

# --- scband reference (transcript-rebuilt; emitter-appended) ---
"""Pipeline reference for scband-gfnsample-12704513261597 (READ-ONLY COPY).

The authoritative reference and input builder live on the scoring server;
editing this copy changes nothing except your own understanding.
"""

import jax, jax.numpy as jnp
import numpy as np

BATCH = 2
NUM_NODES = 10000
N_TOTAL = BATCH * NUM_NODES
N_EDGES = 320000
HIDDEN = 128
NUM_LAYERS = 3
EPS_GIN = 0.0
BN_EPS = 1e-5


def _batch_norm(x, g, b):
    mean = x.mean(axis=0)
    var = x.var(axis=0)
    return g * (x - mean) / jnp.sqrt(var + BN_EPS) + b


def setup_inputs(seed: int = 0) -> dict:
    key = jax.random.key(seed)
    ks = jax.random.split(key, 32)
    state = jax.random.randint(ks[0], (BATCH, NUM_NODES), 0, 2, dtype=jnp.int32)
    edge_index = jax.random.randint(ks[1], (2, N_EDGES), 0, N_TOTAL, dtype=jnp.int32)
    params = {}
    params['embed'] = jax.random.normal(ks[2], (2, HIDDEN), dtype=jnp.float32) * 0.02
    for i in range(NUM_LAYERS - 1):
        params[f'w1_{i}'] = jax.random.normal(ks[3 + 4 * i], (HIDDEN, HIDDEN), dtype=jnp.float32) * (1.0 / np.sqrt(HIDDEN))
        params[f'w2_{i}'] = jax.random.normal(ks[4 + 4 * i], (HIDDEN, HIDDEN), dtype=jnp.float32) * (1.0 / np.sqrt(HIDDEN))
        params[f'bn_g_{i}'] = jnp.ones((HIDDEN,), dtype=jnp.float32)
        params[f'bn_b_{i}'] = jnp.zeros((HIDDEN,), dtype=jnp.float32)
        params[f'obn_g_{i}'] = jnp.ones((HIDDEN,), dtype=jnp.float32)
        params[f'obn_b_{i}'] = jnp.zeros((HIDDEN,), dtype=jnp.float32)
    cat_dim = NUM_LAYERS * HIDDEN
    params['rw1'] = jax.random.normal(ks[20], (cat_dim, HIDDEN), dtype=jnp.float32) * (1.0 / np.sqrt(cat_dim))
    params['rb1'] = jnp.zeros((HIDDEN,), dtype=jnp.float32)
    params['rw2'] = jax.random.normal(ks[21], (HIDDEN, 1), dtype=jnp.float32) * (1.0 / np.sqrt(HIDDEN))
    params['rb2'] = jnp.zeros((1,), dtype=jnp.float32)
    return {'params': params, 'state': state, 'edge_index': edge_index}


def reference(params, state, edge_index):
    # h = embedding lookup on binary state
    h = params['embed'][state]                      # (B, N, H)
    h = h.reshape(N_TOTAL, HIDDEN)                  # flatten batch of graphs
    graph_batch = jnp.repeat(jnp.arange(BATCH), NUM_NODES)
    src = edge_index[0]
    dst = edge_index[1]
    hidden_rep = [h]
    for i in range(NUM_LAYERS - 1):
        # GINConv: nn((1+eps)*x + sum_{j in N(i)} x_j)
        agg = jnp.zeros_like(h).at[dst].add(h[src])
        z = (1.0 + EPS_GIN) * h + agg
        # MLP_GIN: Linear -> BN -> ReLU -> Linear
        t = z @ params[f'w1_{i}']
        t = jax.nn.relu(_batch_norm(t, params[f'bn_g_{i}'], params[f'bn_b_{i}']))
        t = t @ params[f'w2_{i}']
        # outer BN + ReLU
        h = jax.nn.relu(_batch_norm(t, params[f'obn_g_{i}'], params[f'obn_b_{i}']))
        hidden_rep.append(h)
    cat = jnp.concatenate(hidden_rep, axis=-1)      # (BN, num_layers*H)
    s = jax.nn.relu(cat @ params['rw1'] + params['rb1']) @ params['rw2'] + params['rb2']  # (BN, 1)
    score_view = s.reshape(BATCH, -1)               # (B, N)
    pooled = jax.ops.segment_max(s, graph_batch, num_segments=BATCH)  # (B, 1) global_max_pool
    return (score_view, pooled)

if __name__ == "__main__":
    import jax
    _d = setup_inputs()
    print(jax.jit(kernel)(*tuple(_d.values())))

</pallas_src>

<mosaic_0001>
#map = affine_map<(d0, d1) -> (0, 0)>
#map1 = affine_map<(d0, d1) -> (0, 0, 0)>
module attributes {stable_mosaic.version = 14 : i64} {
  func.func @_sc_agg_body(%arg0: i32, %arg1: i32, %arg2: memref<20000x128xf32, #tpu.memory_space<hbm>>, %arg3: memref<32x320x128xi32, #tpu.memory_space<hbm>>, %arg4: memref<672x128xf32, #tpu.memory_space<hbm>>, %arg5: memref<20000x128xf32, #tpu.memory_space<hbm>>, %arg6: memref<64x128xi32, #tpu.memory_space<vmem>>, %arg7: memref<128x128xf32, #tpu.memory_space<vmem>>, %arg8: memref<128x128xf32, #tpu.memory_space<vmem>>, %arg9: memref<10752x128xf32, #tpu.memory_space<vmem_shared>>, %arg10: memref<!tpu.dma_semaphore, #tpu.memory_space<semaphore_mem>>, %arg11: memref<!tpu.dma_semaphore, #tpu.memory_space<semaphore_mem>>) attributes {dimension_semantics = [#tpu.dimension_semantics<core_parallel>, #tpu.dimension_semantics<subcore_parallel>], iteration_bounds = array<i64: 2, 16>, scalar_prefetch = 0 : i64, scratch_operands = 6 : i64, tpu.core_type = #tpu.core_type<sc_vector_subcore>, window_params = [{transform_indices = #map}, {transform_indices = #map1}, {transform_indices = #map}, {transform_indices = #map}]} {
    %mul3A = arith.constant 672 : i32
    %mul3A_0 = arith.muli %arg1, %mul3A : i32
    "tpu.region"() ({
      %run_scoped3A = tpu.sem_alloc : memref<!tpu.dma_semaphore, #tpu.memory_space<semaphore_mem>>
      %dma_start3A = arith.constant 0 : i32
      %dma_start3A_18 = tpu.memref_slice %arg9[%mul3A_0, %dma_start3A] : memref<10752x128xf32, #tpu.memory_space<vmem_shared>> -> memref<672x128xf32, #tpu.memory_space<vmem_shared>>
      tpu.enqueue_dma source(%arg4 : memref<672x128xf32, #tpu.memory_space<hbm>>) target(%dma_start3A_18 : memref<672x128xf32, #tpu.memory_space<vmem_shared>>) target_semaphore(%run_scoped3A : memref<!tpu.dma_semaphore, #tpu.memory_space<semaphore_mem>>)
      %dma_wait3A = arith.constant 0 : i32
      %dma_wait3A_19 = tpu.memref_slice %arg9[%mul3A_0, %dma_wait3A] : memref<10752x128xf32, #tpu.memory_space<vmem_shared>> -> memref<672x128xf32, #tpu.memory_space<vmem_shared>>
      tpu.wait_dma2 semaphore(%run_scoped3A : memref<!tpu.dma_semaphore, #tpu.memory_space<semaphore_mem>>) src(%arg4 : memref<672x128xf32, #tpu.memory_space<hbm>>) dst(%dma_wait3A_19 : memref<672x128xf32, #tpu.memory_space<vmem_shared>>)
      tpu.yield
    }) : () -> ()
    %barrier3A = arith.constant 0 : index
    tpu.barrier barrier_id(%barrier3A)
    %mul3A_1 = arith.constant 16 : i32
    %mul3A_2 = arith.muli %arg0, %mul3A_1 : i32
    %add3A = arith.addi %mul3A_2, %arg1 : i32
    %scan3A = arith.constant 0 : i32
    %scan3A_3 = arith.constant 0 : i32
    %scan3A_4 = arith.constant 5 : i32
    %scan3A_5 = arith.addi %scan3A_3, %scan3A_4 : i32
    %scan3A_6 = arith.constant 1 : i32
    scf.for %scan3A_18 = %scan3A_3 to %scan3A_5 step %scan3A_6  : i32 {
      %mul3A_19 = arith.constant 2 : i32
      %mul3A_20 = arith.muli %scan3A_18, %mul3A_19 : i32
      %mul3A_21 = arith.constant 32 : i32
      %mul3A_22 = arith.muli %mul3A_20, %mul3A_21 : i32
      "tpu.region"() ({
        %run_scoped3A_500 = tpu.sem_alloc : memref<!tpu.dma_semaphore, #tpu.memory_space<semaphore_mem>>
        %dma_start3A_501 = arith.constant 0 : i32
        %dma_start3A_502 = tpu.memref_slice %arg3[%add3A, %mul3A_22, %dma_start3A_501] : memref<32x320x128xi32, #tpu.memory_space<hbm>> -> memref<1x64x128xi32, #tpu.memory_space<hbm>>
        %dma_start3A_503 = tpu.memref_squeeze %dma_start3A_502 : memref<1x64x128xi32, #tpu.memory_space<hbm>> -> memref<64x128xi32, #tpu.memory_space<hbm>>
        %dma_start3A_504 = arith.constant 0 : i32
        %dma_start3A_505 = tpu.memref_slice %arg3[%add3A, %mul3A_22, %dma_start3A_504] : memref<32x320x128xi32, #tpu.memory_space<hbm>> -> memref<1x64x128xi32, #tpu.memory_space<hbm>>
        %dma_start3A_506 = tpu.memref_squeeze %dma_start3A_505 : memref<1x64x128xi32, #tpu.memory_space<hbm>> -> memref<64x128xi32, #tpu.memory_space<hbm>>
        tpu.enqueue_dma source(%dma_start3A_506 : memref<64x128xi32, #tpu.memory_space<hbm>>) target(%arg6 : memref<64x128xi32, #tpu.memory_space<vmem>>) target_semaphore(%run_scoped3A_500 : memref<!tpu.dma_semaphore, #tpu.memory_space<semaphore_mem>>)
        %dma_wait3A_507 = arith.constant 0 : i32
        %dma_wait3A_508 = tpu.memref_slice %arg3[%add3A, %mul3A_22, %dma_wait3A_507] : memref<32x320x128xi32, #tpu.memory_space<hbm>> -> memref<1x64x128xi32, #tpu.memory_space<hbm>>
        %dma_wait3A_509 = tpu.memref_squeeze %dma_wait3A_508 : memref<1x64x128xi32, #tpu.memory_space<hbm>> -> memref<64x128xi32, #tpu.memory_space<hbm>>
        %dma_wait3A_510 = arith.constant 0 : i32
        %dma_wait3A_511 = tpu.memref_slice %arg3[%add3A, %mul3A_22, %dma_wait3A_510] : memref<32x320x128xi32, #tpu.memory_space<hbm>> -> memref<1x64x128xi32, #tpu.memory_space<hbm>>
        %dma_wait3A_512 = tpu.memref_squeeze %dma_wait3A_511 : memref<1x64x128xi32, #tpu.memory_space<hbm>> -> memref<64x128xi32, #tpu.memory_space<hbm>>
        tpu.wait_dma2 semaphore(%run_scoped3A_500 : memref<!tpu.dma_semaphore, #tpu.memory_space<semaphore_mem>>) src(%dma_wait3A_512 : memref<64x128xi32, #tpu.memory_space<hbm>>) dst(%arg6 : memref<64x128xi32, #tpu.memory_space<vmem>>)
        tpu.yield
      }) : () -> ()
      %dma_start3A = arith.constant 0 : i32
      %dma_start3A_23 = arith.constant 0 : i32
      %dma_start3A_24 = tpu.memref_slice %arg6[%dma_start3A, %dma_start3A_23] : memref<64x128xi32, #tpu.memory_space<vmem>> -> memref<1x128xi32, #tpu.memory_space<vmem>>
      %dma_start3A_25 = tpu.memref_squeeze %dma_start3A_24 : memref<1x128xi32, #tpu.memory_space<vmem>> -> memref<128xi32, #tpu.memory_space<vmem>>
      %dma_start3A_26 = arith.constant 0 : i32
      %dma_start3A_27 = arith.constant 0 : i32
      %dma_start3A_28 = tpu.memref_slice %arg2[%dma_start3A_26, %dma_start3A_27] : memref<20000x128xf32, #tpu.memory_space<hbm>> -> memref<20000x128xf32, #tpu.memory_space<hbm>>
      tpu.enqueue_indirect_dma source(%dma_start3A_28 : memref<20000x128xf32, #tpu.memory_space<hbm>>) target(%arg7 : memref<128x128xf32, #tpu.memory_space<vmem>>) offsets(%dma_start3A_25 : memref<128xi32, #tpu.memory_space<vmem>>) semaphore(%arg10 : memref<!tpu.dma_semaphore, #tpu.memory_space<semaphore_mem>>)
      %dma_start3A_29 = arith.constant 1 : i32
      %dma_start3A_30 = arith.constant 0 : i32
      %dma_start3A_31 = tpu.memref_slice %arg6[%dma_start3A_29, %dma_start3A_30] : memref<64x128xi32, #tpu.memory_space<vmem>> -> memref<1x128xi32, #tpu.memory_space<vmem>>
      %dma_start3A_32 = tpu.memref_squeeze %dma_start3A_31 : memref<1x128xi32, #tpu.memory_space<vmem>> -> memref<128xi32, #tpu.memory_space<vmem>>
      %dma_start3A_33 = arith.constant 0 : i32
      %dma_start3A_34 = arith.constant 0 : i32
      %dma_start3A_35 = tpu.memref_slice %arg2[%dma_start3A_33, %dma_start3A_34] : memref<20000x128xf32, #tpu.memory_space<hbm>> -> memref<20000x128xf32, #tpu.memory_space<hbm>>
      tpu.enqueue_indirect_dma source(%dma_start3A_35 : memref<20000x128xf32, #tpu.memory_space<hbm>>) target(%arg8 : memref<128x128xf32, #tpu.memory_space<vmem>>) offsets(%dma_start3A_32 : memref<128xi32, #tpu.memory_space<vmem>>) semaphore(%arg11 : memref<!tpu.dma_semaphore, #tpu.memory_space<semaphore_mem>>)
      %dma_wait3A = arith.constant 0 : i32
      %dma_wait3A_36 = arith.constant 0 : i32
      %dma_wait3A_37 = tpu.memref_slice %arg6[%dma_wait3A, %dma_wait3A_36] : memref<64x128xi32, #tpu.memory_space<vmem>> -> memref<1x128xi32, #tpu.memory_space<vmem>>
      %dma_wait3A_38 = tpu.memref_squeeze %dma_wait3A_37 : memref<1x128xi32, #tpu.memory_space<vmem>> -> memref<128xi32, #tpu.memory_space<vmem>>
      %dma_wait3A_39 = arith.constant 0 : i32
      %dma_wait3A_40 = arith.constant 0 : i32
      %dma_wait3A_41 = tpu.memref_slice %arg2[%dma_wait3A_39, %dma_wait3A_40] : memref<20000x128xf32, #tpu.memory_space<hbm>> -> memref<20000x128xf32, #tpu.memory_space<hbm>>
      tpu.wait_indirect_dma semaphore(%arg10 : memref<!tpu.dma_semaphore, #tpu.memory_space<semaphore_mem>>) src(%dma_wait3A_41 : memref<20000x128xf32, #tpu.memory_space<hbm>>) dst(%arg7 : memref<128x128xf32, #tpu.memory_space<vmem>>)
      %run_scoped3A = arith.constant 32 : i32
      "tpu.region"() ({
        %run_scoped3A_500 = tpu.sem_alloc : memref<!tpu.dma_semaphore, #tpu.memory_space<semaphore_mem>>
        %dma_start3A_501 = arith.constant 0 : i32
        %dma_start3A_502 = tpu.memref_slice %arg6[%run_scoped3A, %dma_start3A_501] : memref<64x128xi32, #tpu.memory_space<vmem>> -> memref<1x128xi32, #tpu.memory_space<vmem>>
        %dma_start3A_503 = tpu.memref_squeeze %dma_start3A_502 : memref<1x128xi32, #tpu.memory_space<vmem>> -> memref<128xi32, #tpu.memory_space<vmem>>
        %dma_start3A_504 = arith.constant 0 : i32
        %dma_start3A_505 = arith.constant 0 : i32
        %dma_start3A_506 = tpu.memref_slice %arg9[%dma_start3A_504, %dma_start3A_505] : memref<10752x128xf32, #tpu.memory_space<vmem_shared>> -> memref<10752x128xf32, #tpu.memory_space<vmem_shared>>
        tpu.enqueue_indirect_dma source(%arg7 : memref<128x128xf32, #tpu.memory_space<vmem>>) target(%dma_start3A_506 : memref<10752x128xf32, #tpu.memory_space<vmem_shared>>) offsets(%dma_start3A_503 : memref<128xi32, #tpu.memory_space<vmem>>) semaphore(%run_scoped3A_500 : memref<!tpu.dma_semaphore, #tpu.memory_space<semaphore_mem>>) {add = true}
        %dma_wait3A_507 = arith.constant 0 : i32
        %dma_wait3A_508 = tpu.memref_slice %arg6[%run_scoped3A, %dma_wait3A_507] : memref<64x128xi32, #tpu.memory_space<vmem>> -> memref<1x128xi32, #tpu.memory_space<vmem>>
        %dma_wait3A_509 = tpu.memref_squeeze %dma_wait3A_508 : memref<1x128xi32, #tpu.memory_space<vmem>> -> memref<128xi32, #tpu.memory_space<vmem>>
        %dma_wait3A_510 = arith.constant 0 : i32
        %dma_wait3A_511 = arith.constant 0 : i32
        %dma_wait3A_512 = tpu.memref_slice %arg9[%dma_wait3A_510, %dma_wait3A_511] : memref<10752x128xf32, #tpu.memory_space<vmem_shared>> -> memref<10752x128xf32, #tpu.memory_space<vmem_shared>>
        tpu.wait_indirect_dma semaphore(%run_scoped3A_500 : memref<!tpu.dma_semaphore, #tpu.memory_space<semaphore_mem>>) src(%arg7 : memref<128x128xf32, #tpu.memory_space<vmem>>) dst(%dma_wait3A_512 : memref<10752x128xf32, #tpu.memory_space<vmem_shared>>)
        tpu.yield
      }) : () -> ()
      %dma_start3A_42 = arith.constant 2 : i32
      %dma_start3A_43 = arith.constant 0 : i32
      %dma_start3A_44 = tpu.memref_slice %arg6[%dma_start3A_42, %dma_start3A_43] : memref<64x128xi32, #tpu.memory_space<vmem>> -> memref<1x128xi32, #tpu.memory_space<vmem>>
      %dma_start3A_45 = tpu.memref_squeeze %dma_start3A_44 : memref<1x128xi32, #tpu.memory_space<vmem>> -> memref<128xi32, #tpu.memory_space<vmem>>
      %dma_start3A_46 = arith.constant 0 : i32
      %dma_start3A_47 = arith.constant 0 : i32
      %dma_start3A_48 = tpu.memref_slice %arg2[%dma_start3A_46, %dma_start3A_47] : memref<20000x128xf32, #tpu.memory_space<hbm>> -> memref<20000x128xf32, #tpu.memory_space<hbm>>
      tpu.enqueue_indirect_dma source(%dma_start3A_48 : memref<20000x128xf32, #tpu.memory_space<hbm>>) target(%arg7 : memref<128x128xf32, #tpu.memory_space<vmem>>) offsets(%dma_start3A_45 : memref<128xi32, #tpu.memory_space<vmem>>) semaphore(%arg10 : memref<!tpu.dma_semaphore, #tpu.memory_space<semaphore_mem>>)
      %dma_wait3A_49 = arith.constant 1 : i32
      %dma_wait3A_50 = arith.constant 0 : i32
      %dma_wait3A_51 = tpu.memref_slice %arg6[%dma_wait3A_49, %dma_wait3A_50] : memref<64x128xi32, #tpu.memory_space<vmem>> -> memref<1x128xi32, #tpu.memory_space<vmem>>
      %dma_wait3A_52 = tpu.memref_squeeze %dma_wait3A_51 : memref<1x128xi32, #tpu.memory_space<vmem>> -> memref<128xi32, #tpu.memory_space<vmem>>
      %dma_wait3A_53 = arith.constant 0 : i32
      %dma_wait3A_54 = arith.constant 0 : i32
      %dma_wait3A_55 = tpu.memref_slice %arg2[%dma_wait3A_53, %dma_wait3A_54] : memref<20000x128xf32, #tpu.memory_space<hbm>> -> memref<20000x128xf32, #tpu.memory_space<hbm>>
      tpu.wait_indirect_dma semaphore(%arg11 : memref<!tpu.dma_semaphore, #tpu.memory_space<semaphore_mem>>) src(%dma_wait3A_55 : memref<20000x128xf32, #tpu.memory_space<hbm>>) dst(%arg8 : memref<128x128xf32, #tpu.memory_space<vmem>>)
      %run_scoped3A_56 = arith.constant 33 : i32
      "tpu.region"() ({
        %run_scoped3A_500 = tpu.sem_alloc : memref<!tpu.dma_semaphore, #tpu.memory_space<semaphore_mem>>
        %dma_start3A_501 = arith.constant 0 : i32
        %dma_start3A_502 = tpu.memref_slice %arg6[%run_scoped3A_56, %dma_start3A_501] : memref<64x128xi32, #tpu.memory_space<vmem>> -> memref<1x128xi32, #tpu.memory_space<vmem>>
        %dma_start3A_503 = tpu.memref_squeeze %dma_start3A_502 : memref<1x128xi32, #tpu.memory_space<vmem>> -> memref<128xi32, #tpu.memory_space<vmem>>
        %dma_start3A_504 = arith.constant 0 : i32
        %dma_start3A_505 = arith.constant 0 : i32
        %dma_start3A_506 = tpu.memref_slice %arg9[%dma_start3A_504, %dma_start3A_505] : memref<10752x128xf32, #tpu.memory_space<vmem_shared>> -> memref<10752x128xf32, #tpu.memory_space<vmem_shared>>
        tpu.enqueue_indirect_dma source(%arg8 : memref<128x128xf32, #tpu.memory_space<vmem>>) target(%dma_start3A_506 : memref<10752x128xf32, #tpu.memory_space<vmem_shared>>) offsets(%dma_start3A_503 : memref<128xi32, #tpu.memory_space<vmem>>) semaphore(%run_scoped3A_500 : memref<!tpu.dma_semaphore, #tpu.memory_space<semaphore_mem>>) {add = true}
        %dma_wait3A_507 = arith.constant 0 : i32
        %dma_wait3A_508 = tpu.memref_slice %arg6[%run_scoped3A_56, %dma_wait3A_507] : memref<64x128xi32, #tpu.memory_space<vmem>> -> memref<1x128xi32, #tpu.memory_space<vmem>>
        %dma_wait3A_509 = tpu.memref_squeeze %dma_wait3A_508 : memref<1x128xi32, #tpu.memory_space<vmem>> -> memref<128xi32, #tpu.memory_space<vmem>>
        %dma_wait3A_510 = arith.constant 0 : i32
        %dma_wait3A_511 = arith.constant 0 : i32
        %dma_wait3A_512 = tpu.memref_slice %arg9[%dma_wait3A_510, %dma_wait3A_511] : memref<10752x128xf32, #tpu.memory_space<vmem_shared>> -> memref<10752x128xf32, #tpu.memory_space<vmem_shared>>
        tpu.wait_indirect_dma semaphore(%run_scoped3A_500 : memref<!tpu.dma_semaphore, #tpu.memory_space<semaphore_mem>>) src(%arg8 : memref<128x128xf32, #tpu.memory_space<vmem>>) dst(%dma_wait3A_512 : memref<10752x128xf32, #tpu.memory_space<vmem_shared>>)
        tpu.yield
      }) : () -> ()
      %dma_start3A_57 = arith.constant 3 : i32
      %dma_start3A_58 = arith.constant 0 : i32
      %dma_start3A_59 = tpu.memref_slice %arg6[%dma_start3A_57, %dma_start3A_58] : memref<64x128xi32, #tpu.memory_space<vmem>> -> memref<1x128xi32, #tpu.memory_space<vmem>>
      %dma_start3A_60 = tpu.memref_squeeze %dma_start3A_59 : memref<1x128xi32, #tpu.memory_space<vmem>> -> memref<128xi32, #tpu.memory_space<vmem>>
      %dma_start3A_61 = arith.constant 0 : i32
      %dma_start3A_62 = arith.constant 0 : i32
      %dma_start3A_63 = tpu.memref_slice %arg2[%dma_start3A_61, %dma_start3A_62] : memref<20000x128xf32, #tpu.memory_space<hbm>> -> memref<20000x128xf32, #tpu.memory_space<hbm>>
      tpu.enqueue_indirect_dma source(%dma_start3A_63 : memref<20000x128xf32, #tpu.memory_space<hbm>>) target(%arg8 : memref<128x128xf32, #tpu.memory_space<vmem>>) offsets(%dma_start3A_60 : memref<128xi32, #tpu.memory_space<vmem>>) semaphore(%arg11 : memref<!tpu.dma_semaphore, #tpu.memory_space<semaphore_mem>>)
      %dma_wait3A_64 = arith.constant 2 : i32
      %dma_wait3A_65 = arith.constant 0 : i32
      %dma_wait3A_66 = tpu.memref_slice %arg6[%dma_wait3A_64, %dma_wait3A_65] : memref<64x128xi32, #tpu.memory_space<vmem>> -> memref<1x128xi32, #tpu.memory_space<vmem>>
      %dma_wait3A_67 = tpu.memref_squeeze %dma_wait3A_66 : memref<1x128xi32, #tpu.memory_space<vmem>> -> memref<128xi32, #tpu.memory_space<vmem>>
      %dma_wait3A_68 = arith.constant 0 : i32
      %dma_wait3A_69 = arith.constant 0 : i32
      %dma_wait3A_70 = tpu.memref_slice %arg2[%dma_wait3A_68, %dma_wait3A_69] : memref<20000x128xf32, #tpu.memory_space<hbm>> -> memref<20000x128xf32, #tpu.memory_space<hbm>>
      tpu.wait_indirect_dma semaphore(%arg10 : memref<!tpu.dma_semaphore, #tpu.memory_space<semaphore_mem>>) src(%dma_wait3A_70 : memref<20000x128xf32, #tpu.memory_space<hbm>>) dst(%arg7 : memref<128x128xf32, #tpu.memory_space<vmem>>)
      %run_scoped3A_71 = arith.constant 34 : i32
      "tpu.region"() ({
        %run_scoped3A_500 = tpu.sem_alloc : memref<!tpu.dma_semaphore, #tpu.memory_space<semaphore_mem>>
        %dma_start3A_501 = arith.constant 0 : i32
        %dma_start3A_502 = tpu.memref_slice %arg6[%run_scoped3A_71, %dma_start3A_501] : memref<64x128xi32, #tpu.memory_space<vmem>> -> memref<1x128xi32, #tpu.memory_space<vmem>>
        %dma_start3A_503 = tpu.memref_squeeze %dma_start3A_502 : memref<1x128xi32, #tpu.memory_space<vmem>> -> memref<128xi32, #tpu.memory_space<vmem>>
        %dma_start3A_504 = arith.constant 0 : i32
        %dma_start3A_505 = arith.constant 0 : i32
        %dma_start3A_506 = tpu.memref_slice %arg9[%dma_start3A_504, %dma_start3A_505] : memref<10752x128xf32, #tpu.memory_space<vmem_shared>> -> memref<10752x128xf32, #tpu.memory_space<vmem_shared>>
        tpu.enqueue_indirect_dma source(%arg7 : memref<128x128xf32, #tpu.memory_space<vmem>>) target(%dma_start3A_506 : memref<10752x128xf32, #tpu.memory_space<vmem_shared>>) offsets(%dma_start3A_503 : memref<128xi32, #tpu.memory_space<vmem>>) semaphore(%run_scoped3A_500 : memref<!tpu.dma_semaphore, #tpu.memory_space<semaphore_mem>>) {add = true}
        %dma_wait3A_507 = arith.constant 0 : i32
        %dma_wait3A_508 = tpu.memref_slice %arg6[%run_scoped3A_71, %dma_wait3A_507] : memref<64x128xi32, #tpu.memory_space<vmem>> -> memref<1x128xi32, #tpu.memory_space<vmem>>
        %dma_wait3A_509 = tpu.memref_squeeze %dma_wait3A_508 : memref<1x128xi32, #tpu.memory_space<vmem>> -> memref<128xi32, #tpu.memory_space<vmem>>
        %dma_wait3A_510 = arith.constant 0 : i32
        %dma_wait3A_511 = arith.constant 0 : i32
        %dma_wait3A_512 = tpu.memref_slice %arg9[%dma_wait3A_510, %dma_wait3A_511] : memref<10752x128xf32, #tpu.memory_space<vmem_shared>> -> memref<10752x128xf32, #tpu.memory_space<vmem_shared>>
        tpu.wait_indirect_dma semaphore(%run_scoped3A_500 : memref<!tpu.dma_semaphore, #tpu.memory_space<semaphore_mem>>) src(%arg7 : memref<128x128xf32, #tpu.memory_space<vmem>>) dst(%dma_wait3A_512 : memref<10752x128xf32, #tpu.memory_space<vmem_shared>>)
        tpu.yield
      }) : () -> ()
      %dma_start3A_72 = arith.constant 4 : i32
      %dma_start3A_73 = arith.constant 0 : i32
      %dma_start3A_74 = tpu.memref_slice %arg6[%dma_start3A_72, %dma_start3A_73] : memref<64x128xi32, #tpu.memory_space<vmem>> -> memref<1x128xi32, #tpu.memory_space<vmem>>
      %dma_start3A_75 = tpu.memref_squeeze %dma_start3A_74 : memref<1x128xi32, #tpu.memory_space<vmem>> -> memref<128xi32, #tpu.memory_space<vmem>>
      %dma_start3A_76 = arith.constant 0 : i32
      %dma_start3A_77 = arith.constant 0 : i32
      %dma_start3A_78 = tpu.memref_slice %arg2[%dma_start3A_76, %dma_start3A_77] : memref<20000x128xf32, #tpu.memory_space<hbm>> -> memref<20000x128xf32, #tpu.memory_space<hbm>>
      tpu.enqueue_indirect_dma source(%dma_start3A_78 : memref<20000x128xf32, #tpu.memory_space<hbm>>) target(%arg7 : memref<128x128xf32, #tpu.memory_space<vmem>>) offsets(%dma_start3A_75 : memref<128xi32, #tpu.memory_space<vmem>>) semaphore(%arg10 : memref<!tpu.dma_semaphore, #tpu.memory_space<semaphore_mem>>)
      %dma_wait3A_79 = arith.constant 3 : i32
      %dma_wait3A_80 = arith.constant 0 : i32
      %dma_wait3A_81 = tpu.memref_slice %arg6[%dma_wait3A_79, %dma_wait3A_80] : memref<64x128xi32, #tpu.memory_space<vmem>> -> memref<1x128xi32, #tpu.memory_space<vmem>>
      %dma_wait3A_82 = tpu.memref_squeeze %dma_wait3A_81 : memref<1x128xi32, #tpu.memory_space<vmem>> -> memref<128xi32, #tpu.memory_space<vmem>>
      %dma_wait3A_83 = arith.constant 0 : i32
      %dma_wait3A_84 = arith.constant 0 : i32
      %dma_wait3A_85 = tpu.memref_slice %arg2[%dma_wait3A_83, %dma_wait3A_84] : memref<20000x128xf32, #tpu.memory_space<hbm>> -> memref<20000x128xf32, #tpu.memory_space<hbm>>
      tpu.wait_indirect_dma semaphore(%arg11 : memref<!tpu.dma_semaphore, #tpu.memory_space<semaphore_mem>>) src(%dma_wait3A_85 : memref<20000x128xf32, #tpu.memory_space<hbm>>) dst(%arg8 : memref<128x128xf32, #tpu.memory_space<vmem>>)
      %run_scoped3A_86 = arith.constant 35 : i32
      "tpu.region"() ({
        %run_scoped3A_500 = tpu.sem_alloc : memref<!tpu.dma_semaphore, #tpu.memory_space<semaphore_mem>>
        %dma_start3A_501 = arith.constant 0 : i32
        %dma_start3A_502 = tpu.memref_slice %arg6[%run_scoped3A_86, %dma_start3A_501] : memref<64x128xi32, #tpu.memory_space<vmem>> -> memref<1x128xi32, #tpu.memory_space<vmem>>
        %dma_start3A_503 = tpu.memref_squeeze %dma_start3A_502 : memref<1x128xi32, #tpu.memory_space<vmem>> -> memref<128xi32, #tpu.memory_space<vmem>>
        %dma_start3A_504 = arith.constant 0 : i32
        %dma_start3A_505 = arith.constant 0 : i32
        %dma_start3A_506 = tpu.memref_slice %arg9[%dma_start3A_504, %dma_start3A_505] : memref<10752x128xf32, #tpu.memory_space<vmem_shared>> -> memref<10752x128xf32, #tpu.memory_space<vmem_shared>>
        tpu.enqueue_indirect_dma source(%arg8 : memref<128x128xf32, #tpu.memory_space<vmem>>) target(%dma_start3A_506 : memref<10752x128xf32, #tpu.memory_space<vmem_shared>>) offsets(%dma_start3A_503 : memref<128xi32, #tpu.memory_space<vmem>>) semaphore(%run_scoped3A_500 : memref<!tpu.dma_semaphore, #tpu.memory_space<semaphore_mem>>) {add = true}
        %dma_wait3A_507 = arith.constant 0 : i32
        %dma_wait3A_508 = tpu.memref_slice %arg6[%run_scoped3A_86, %dma_wait3A_507] : memref<64x128xi32, #tpu.memory_space<vmem>> -> memref<1x128xi32, #tpu.memory_space<vmem>>
        %dma_wait3A_509 = tpu.memref_squeeze %dma_wait3A_508 : memref<1x128xi32, #tpu.memory_space<vmem>> -> memref<128xi32, #tpu.memory_space<vmem>>
        %dma_wait3A_510 = arith.constant 0 : i32
        %dma_wait3A_511 = arith.constant 0 : i32
        %dma_wait3A_512 = tpu.memref_slice %arg9[%dma_wait3A_510, %dma_wait3A_511] : memref<10752x128xf32, #tpu.memory_space<vmem_shared>> -> memref<10752x128xf32, #tpu.memory_space<vmem_shared>>
        tpu.wait_indirect_dma semaphore(%run_scoped3A_500 : memref<!tpu.dma_semaphore, #tpu.memory_space<semaphore_mem>>) src(%arg8 : memref<128x128xf32, #tpu.memory_space<vmem>>) dst(%dma_wait3A_512 : memref<10752x128xf32, #tpu.memory_space<vmem_shared>>)
        tpu.yield
      }) : () -> ()
      %dma_start3A_87 = arith.constant 5 : i32
      %dma_start3A_88 = arith.constant 0 : i32
      %dma_start3A_89 = tpu.memref_slice %arg6[%dma_start3A_87, %dma_start3A_88] : memref<64x128xi32, #tpu.memory_space<vmem>> -> memref<1x128xi32, #tpu.memory_space<vmem>>
      %dma_start3A_90 = tpu.memref_squeeze %dma_start3A_89 : memref<1x128xi32, #tpu.memory_space<vmem>> -> memref<128xi32, #tpu.memory_space<vmem>>
      %dma_start3A_91 = arith.constant 0 : i32
      %dma_start3A_92 = arith.constant 0 : i32
      %dma_start3A_93 = tpu.memref_slice %arg2[%dma_start3A_91, %dma_start3A_92] : memref<20000x128xf32, #tpu.memory_space<hbm>> -> memref<20000x128xf32, #tpu.memory_space<hbm>>
      tpu.enqueue_indirect_dma source(%dma_start3A_93 : memref<20000x128xf32, #tpu.memory_space<hbm>>) target(%arg8 : memref<128x128xf32, #tpu.memory_space<vmem>>) offsets(%dma_start3A_90 : memref<128xi32, #tpu.memory_space<vmem>>) semaphore(%arg11 : memref<!tpu.dma_semaphore, #tpu.memory_space<semaphore_mem>>)
      %dma_wait3A_94 = arith.constant 4 : i32
      %dma_wait3A_95 = arith.constant 0 : i32
      %dma_wait3A_96 = tpu.memref_slice %arg6[%dma_wait3A_94, %dma_wait3A_95] : memref<64x128xi32, #tpu.memory_space<vmem>> -> memref<1x128xi32, #tpu.memory_space<vmem>>
      %dma_wait3A_97 = tpu.memref_squeeze %dma_wait3A_96 : memref<1x128xi32, #tpu.memory_space<vmem>> -> memref<128xi32, #tpu.memory_space<vmem>>
      %dma_wait3A_98 = arith.constant 0 : i32
      %dma_wait3A_99 = arith.constant 0 : i32
      %dma_wait3A_100 = tpu.memref_slice %arg2[%dma_wait3A_98, %dma_wait3A_99] : memref<20000x128xf32, #tpu.memory_space<hbm>> -> memref<20000x128xf32, #tpu.memory_space<hbm>>
      tpu.wait_indirect_dma semaphore(%arg10 : memref<!tpu.dma_semaphore, #tpu.memory_space<semaphore_mem>>) src(%dma_wait3A_100 : memref<20000x128xf32, #tpu.memory_space<hbm>>) dst(%arg7 : memref<128x128xf32, #tpu.memory_space<vmem>>)
      %run_scoped3A_101 = arith.constant 36 : i32
      "tpu.region"() ({
        %run_scoped3A_500 = tpu.sem_alloc : memref<!tpu.dma_semaphore, #tpu.memory_space<semaphore_mem>>
        %dma_start3A_501 = arith.constant 0 : i32
        %dma_start3A_502 = tpu.memref_slice %arg6[%run_scoped3A_101, %dma_start3A_501] : memref<64x128xi32, #tpu.memory_space<vmem>> -> memref<1x128xi32, #tpu.memory_space<vmem>>
        %dma_start3A_503 = tpu.memref_squeeze %dma_start3A_502 : memref<1x128xi32, #tpu.memory_space<vmem>> -> memref<128xi32, #tpu.memory_space<vmem>>
        %dma_start3A_504 = arith.constant 0 : i32
        %dma_start3A_505 = arith.constant 0 : i32
        %dma_start3A_506 = tpu.memref_slice %arg9[%dma_start3A_504, %dma_start3A_505] : memref<10752x128xf32, #tpu.memory_space<vmem_shared>> -> memref<10752x128xf32, #tpu.memory_space<vmem_shared>>
        tpu.enqueue_indirect_dma source(%arg7 : memref<128x128xf32, #tpu.memory_space<vmem>>) target(%dma_start3A_506 : memref<10752x128xf32, #tpu.memory_space<vmem_shared>>) offsets(%dma_start3A_503 : memref<128xi32, #tpu.memory_space<vmem>>) semaphore(%run_scoped3A_500 : memref<!tpu.dma_semaphore, #tpu.memory_space<semaphore_mem>>) {add = true}
        %dma_wait3A_507 = arith.constant 0 : i32
        %dma_wait3A_508 = tpu.memref_slice %arg6[%run_scoped3A_101, %dma_wait3A_507] : memref<64x128xi32, #tpu.memory_space<vmem>> -> memref<1x128xi32, #tpu.memory_space<vmem>>
        %dma_wait3A_509 = tpu.memref_squeeze %dma_wait3A_508 : memref<1x128xi32, #tpu.memory_space<vmem>> -> memref<128xi32, #tpu.memory_space<vmem>>
        %dma_wait3A_510 = arith.constant 0 : i32
        %dma_wait3A_511 = arith.constant 0 : i32
        %dma_wait3A_512 = tpu.memref_slice %arg9[%dma_wait3A_510, %dma_wait3A_511] : memref<10752x128xf32, #tpu.memory_space<vmem_shared>> -> memref<10752x128xf32, #tpu.memory_space<vmem_shared>>
        tpu.wait_indirect_dma semaphore(%run_scoped3A_500 : memref<!tpu.dma_semaphore, #tpu.memory_space<semaphore_mem>>) src(%arg7 : memref<128x128xf32, #tpu.memory_space<vmem>>) dst(%dma_wait3A_512 : memref<10752x128xf32, #tpu.memory_space<vmem_shared>>)
        tpu.yield
      }) : () -> ()
      %dma_start3A_102 = arith.constant 6 : i32
      %dma_start3A_103 = arith.constant 0 : i32
      %dma_start3A_104 = tpu.memref_slice %arg6[%dma_start3A_102, %dma_start3A_103] : memref<64x128xi32, #tpu.memory_space<vmem>> -> memref<1x128xi32, #tpu.memory_space<vmem>>
      %dma_start3A_105 = tpu.memref_squeeze %dma_start3A_104 : memref<1x128xi32, #tpu.memory_space<vmem>> -> memref<128xi32, #tpu.memory_space<vmem>>
      %dma_start3A_106 = arith.constant 0 : i32
      %dma_start3A_107 = arith.constant 0 : i32
      %dma_start3A_108 = tpu.memref_slice %arg2[%dma_start3A_106, %dma_start3A_107] : memref<20000x128xf32, #tpu.memory_space<hbm>> -> memref<20000x128xf32, #tpu.memory_space<hbm>>
      tpu.enqueue_indirect_dma source(%dma_start3A_108 : memref<20000x128xf32, #tpu.memory_space<hbm>>) target(%arg7 : memref<128x128xf32, #tpu.memory_space<vmem>>) offsets(%dma_start3A_105 : memref<128xi32, #tpu.memory_space<vmem>>) semaphore(%arg10 : memref<!tpu.dma_semaphore, #tpu.memory_space<semaphore_mem>>)
      %dma_wait3A_109 = arith.constant 5 : i32
      %dma_wait3A_110 = arith.constant 0 : i32
      %dma_wait3A_111 = tpu.memref_slice %arg6[%dma_wait3A_109, %dma_wait3A_110] : memref<64x128xi32, #tpu.memory_space<vmem>> -> memref<1x128xi32, #tpu.memory_space<vmem>>
      %dma_wait3A_112 = tpu.memref_squeeze %dma_wait3A_111 : memref<1x128xi32, #tpu.memory_space<vmem>> -> memref<128xi32, #tpu.memory_space<vmem>>
      %dma_wait3A_113 = arith.constant 0 : i32
      %dma_wait3A_114 = arith.constant 0 : i32
      %dma_wait3A_115 = tpu.memref_slice %arg2[%dma_wait3A_113, %dma_wait3A_114] : memref<20000x128xf32, #tpu.memory_space<hbm>> -> memref<20000x128xf32, #tpu.memory_space<hbm>>
      tpu.wait_indirect_dma semaphore(%arg11 : memref<!tpu.dma_semaphore, #tpu.memory_space<semaphore_mem>>) src(%dma_wait3A_115 : memref<20000x128xf32, #tpu.memory_space<hbm>>) dst(%arg8 : memref<128x128xf32, #tpu.memory_space<vmem>>)
      %run_scoped3A_116 = arith.constant 37 : i32
      "tpu.region"() ({
        %run_scoped3A_500 = tpu.sem_alloc : memref<!tpu.dma_semaphore, #tpu.memory_space<semaphore_mem>>
        %dma_start3A_501 = arith.constant 0 : i32
        %dma_start3A_502 = tpu.memref_slice %arg6[%run_scoped3A_116, %dma_start3A_501] : memref<64x128xi32, #tpu.memory_space<vmem>> -> memref<1x128xi32, #tpu.memory_space<vmem>>
        %dma_start3A_503 = tpu.memref_squeeze %dma_start3A_502 : memref<1x128xi32, #tpu.memory_space<vmem>> -> memref<128xi32, #tpu.memory_space<vmem>>
        %dma_start3A_504 = arith.constant 0 : i32
        %dma_start3A_505 = arith.constant 0 : i32
        %dma_start3A_506 = tpu.memref_slice %arg9[%dma_start3A_504, %dma_start3A_505] : memref<10752x128xf32, #tpu.memory_space<vmem_shared>> -> memref<10752x128xf32, #tpu.memory_space<vmem_shared>>
        tpu.enqueue_indirect_dma source(%arg8 : memref<128x128xf32, #tpu.memory_space<vmem>>) target(%dma_start3A_506 : memref<10752x128xf32, #tpu.memory_space<vmem_shared>>) offsets(%dma_start3A_503 : memref<128xi32, #tpu.memory_space<vmem>>) semaphore(%run_scoped3A_500 : memref<!tpu.dma_semaphore, #tpu.memory_space<semaphore_mem>>) {add = true}
        %dma_wait3A_507 = arith.constant 0 : i32
        %dma_wait3A_508 = tpu.memref_slice %arg6[%run_scoped3A_116, %dma_wait3A_507] : memref<64x128xi32, #tpu.memory_space<vmem>> -> memref<1x128xi32, #tpu.memory_space<vmem>>
        %dma_wait3A_509 = tpu.memref_squeeze %dma_wait3A_508 : memref<1x128xi32, #tpu.memory_space<vmem>> -> memref<128xi32, #tpu.memory_space<vmem>>
        %dma_wait3A_510 = arith.constant 0 : i32
        %dma_wait3A_511 = arith.constant 0 : i32
        %dma_wait3A_512 = tpu.memref_slice %arg9[%dma_wait3A_510, %dma_wait3A_511] : memref<10752x128xf32, #tpu.memory_space<vmem_shared>> -> memref<10752x128xf32, #tpu.memory_space<vmem_shared>>
        tpu.wait_indirect_dma semaphore(%run_scoped3A_500 : memref<!tpu.dma_semaphore, #tpu.memory_space<semaphore_mem>>) src(%arg8 : memref<128x128xf32, #tpu.memory_space<vmem>>) dst(%dma_wait3A_512 : memref<10752x128xf32, #tpu.memory_space<vmem_shared>>)
        tpu.yield
      }) : () -> ()
      %dma_start3A_117 = arith.constant 7 : i32
      %dma_start3A_118 = arith.constant 0 : i32
      %dma_start3A_119 = tpu.memref_slice %arg6[%dma_start3A_117, %dma_start3A_118] : memref<64x128xi32, #tpu.memory_space<vmem>> -> memref<1x128xi32, #tpu.memory_space<vmem>>
      %dma_start3A_120 = tpu.memref_squeeze %dma_start3A_119 : memref<1x128xi32, #tpu.memory_space<vmem>> -> memref<128xi32, #tpu.memory_space<vmem>>
      %dma_start3A_121 = arith.constant 0 : i32
      %dma_start3A_122 = arith.constant 0 : i32
      %dma_start3A_123 = tpu.memref_slice %arg2[%dma_start3A_121, %dma_start3A_122] : memref<20000x128xf32, #tpu.memory_space<hbm>> -> memref<20000x128xf32, #tpu.memory_space<hbm>>
      tpu.enqueue_indirect_dma source(%dma_start3A_123 : memref<20000x128xf32, #tpu.memory_space<hbm>>) target(%arg8 : memref<128x128xf32, #tpu.memory_space<vmem>>) offsets(%dma_start3A_120 : memref<128xi32, #tpu.memory_space<vmem>>) semaphore(%arg11 : memref<!tpu.dma_semaphore, #tpu.memory_space<semaphore_mem>>)
      %dma_wait3A_124 = arith.constant 6 : i32
      %dma_wait3A_125 = arith.constant 0 : i32
      %dma_wait3A_126 = tpu.memref_slice %arg6[%dma_wait3A_124, %dma_wait3A_125] : memref<64x128xi32, #tpu.memory_space<vmem>> -> memref<1x128xi32, #tpu.memory_space<vmem>>
      %dma_wait3A_127 = tpu.memref_squeeze %dma_wait3A_126 : memref<1x128xi32, #tpu.memory_space<vmem>> -> memref<128xi32, #tpu.memory_space<vmem>>
      %dma_wait3A_128 = arith.constant 0 : i32
      %dma_wait3A_129 = arith.constant 0 : i32
      %dma_wait3A_130 = tpu.memref_slice %arg2[%dma_wait3A_128, %dma_wait3A_129] : memref<20000x128xf32, #tpu.memory_space<hbm>> -> memref<20000x128xf32, #tpu.memory_space<hbm>>
      tpu.wait_indirect_dma semaphore(%arg10 : memref<!tpu.dma_semaphore, #tpu.memory_space<semaphore_mem>>) src(%dma_wait3A_130 : memref<20000x128xf32, #tpu.memory_space<hbm>>) dst(%arg7 : memref<128x128xf32, #tpu.memory_space<vmem>>)
      %run_scoped3A_131 = arith.constant 38 : i32
      "tpu.region"() ({
        %run_scoped3A_500 = tpu.sem_alloc : memref<!tpu.dma_semaphore, #tpu.memory_space<semaphore_mem>>
        %dma_start3A_501 = arith.constant 0 : i32
        %dma_start3A_502 = tpu.memref_slice %arg6[%run_scoped3A_131, %dma_start3A_501] : memref<64x128xi32, #tpu.memory_space<vmem>> -> memref<1x128xi32, #tpu.memory_space<vmem>>
        %dma_start3A_503 = tpu.memref_squeeze %dma_start3A_502 : memref<1x128xi32, #tpu.memory_space<vmem>> -> memref<128xi32, #tpu.memory_space<vmem>>
        %dma_start3A_504 = arith.constant 0 : i32
        %dma_start3A_505 = arith.constant 0 : i32
        %dma_start3A_506 = tpu.memref_slice %arg9[%dma_start3A_504, %dma_start3A_505] : memref<10752x128xf32, #tpu.memory_space<vmem_shared>> -> memref<10752x128xf32, #tpu.memory_space<vmem_shared>>
        tpu.enqueue_indirect_dma source(%arg7 : memref<128x128xf32, #tpu.memory_space<vmem>>) target(%dma_start3A_506 : memref<10752x128xf32, #tpu.memory_space<vmem_shared>>) offsets(%dma_start3A_503 : memref<128xi32, #tpu.memory_space<vmem>>) semaphore(%run_scoped3A_500 : memref<!tpu.dma_semaphore, #tpu.memory_space<semaphore_mem>>) {add = true}
        %dma_wait3A_507 = arith.constant 0 : i32
        %dma_wait3A_508 = tpu.memref_slice %arg6[%run_scoped3A_131, %dma_wait3A_507] : memref<64x128xi32, #tpu.memory_space<vmem>> -> memref<1x128xi32, #tpu.memory_space<vmem>>
        %dma_wait3A_509 = tpu.memref_squeeze %dma_wait3A_508 : memref<1x128xi32, #tpu.memory_space<vmem>> -> memref<128xi32, #tpu.memory_space<vmem>>
        %dma_wait3A_510 = arith.constant 0 : i32
        %dma_wait3A_511 = arith.constant 0 : i32
        %dma_wait3A_512 = tpu.memref_slice %arg9[%dma_wait3A_510, %dma_wait3A_511] : memref<10752x128xf32, #tpu.memory_space<vmem_shared>> -> memref<10752x128xf32, #tpu.memory_space<vmem_shared>>
        tpu.wait_indirect_dma semaphore(%run_scoped3A_500 : memref<!tpu.dma_semaphore, #tpu.memory_space<semaphore_mem>>) src(%arg7 : memref<128x128xf32, #tpu.memory_space<vmem>>) dst(%dma_wait3A_512 : memref<10752x128xf32, #tpu.memory_space<vmem_shared>>)
        tpu.yield
      }) : () -> ()
      %dma_start3A_132 = arith.constant 8 : i32
      %dma_start3A_133 = arith.constant 0 : i32
      %dma_start3A_134 = tpu.memref_slice %arg6[%dma_start3A_132, %dma_start3A_133] : memref<64x128xi32, #tpu.memory_space<vmem>> -> memref<1x128xi32, #tpu.memory_space<vmem>>
      %dma_start3A_135 = tpu.memref_squeeze %dma_start3A_134 : memref<1x128xi32, #tpu.memory_space<vmem>> -> memref<128xi32, #tpu.memory_space<vmem>>
      %dma_start3A_136 = arith.constant 0 : i32
      %dma_start3A_137 = arith.constant 0 : i32
      %dma_start3A_138 = tpu.memref_slice %arg2[%dma_start3A_136, %dma_start3A_137] : memref<20000x128xf32, #tpu.memory_space<hbm>> -> memref<20000x128xf32, #tpu.memory_space<hbm>>
      tpu.enqueue_indirect_dma source(%dma_start3A_138 : memref<20000x128xf32, #tpu.memory_space<hbm>>) target(%arg7 : memref<128x128xf32, #tpu.memory_space<vmem>>) offsets(%dma_start3A_135 : memref<128xi32, #tpu.memory_space<vmem>>) semaphore(%arg10 : memref<!tpu.dma_semaphore, #tpu.memory_space<semaphore_mem>>)
      %dma_wait3A_139 = arith.constant 7 : i32
      %dma_wait3A_140 = arith.constant 0 : i32
      %dma_wait3A_141 = tpu.memref_slice %arg6[%dma_wait3A_139, %dma_wait3A_140] : memref<64x128xi32, #tpu.memory_space<vmem>> -> memref<1x128xi32, #tpu.memory_space<vmem>>
      %dma_wait3A_142 = tpu.memref_squeeze %dma_wait3A_141 : memref<1x128xi32, #tpu.memory_space<vmem>> -> memref<128xi32, #tpu.memory_space<vmem>>
      %dma_wait3A_143 = arith.constant 0 : i32
      %dma_wait3A_144 = arith.constant 0 : i32
      %dma_wait3A_145 = tpu.memref_slice %arg2[%dma_wait3A_143, %dma_wait3A_144] : memref<20000x128xf32, #tpu.memory_space<hbm>> -> memref<20000x128xf32, #tpu.memory_space<hbm>>
      tpu.wait_indirect_dma semaphore(%arg11 : memref<!tpu.dma_semaphore, #tpu.memory_space<semaphore_mem>>) src(%dma_wait3A_145 : memref<20000x128xf32, #tpu.memory_space<hbm>>) dst(%arg8 : memref<128x128xf32, #tpu.memory_space<vmem>>)
      %run_scoped3A_146 = arith.constant 39 : i32
      "tpu.region"() ({
        %run_scoped3A_500 = tpu.sem_alloc : memref<!tpu.dma_semaphore, #tpu.memory_space<semaphore_mem>>
        %dma_start3A_501 = arith.constant 0 : i32
        %dma_start3A_502 = tpu.memref_slice %arg6[%run_scoped3A_146, %dma_start3A_501] : memref<64x128xi32, #tpu.memory_space<vmem>> -> memref<1x128xi32, #tpu.memory_space<vmem>>
        %dma_start3A_503 = tpu.memref_squeeze %dma_start3A_502 : memref<1x128xi32, #tpu.memory_space<vmem>> -> memref<128xi32, #tpu.memory_space<vmem>>
        %dma_start3A_504 = arith.constant 0 : i32
        %dma_start3A_505 = arith.constant 0 : i32
        %dma_start3A_506 = tpu.memref_slice %arg9[%dma_start3A_504, %dma_start3A_505] : memref<10752x128xf32, #tpu.memory_space<vmem_shared>> -> memref<10752x128xf32, #tpu.memory_space<vmem_shared>>
        tpu.enqueue_indirect_dma source(%arg8 : memref<128x128xf32, #tpu.memory_space<vmem>>) target(%dma_start3A_506 : memref<10752x128xf32, #tpu.memory_space<vmem_shared>>) offsets(%dma_start3A_503 : memref<128xi32, #tpu.memory_space<vmem>>) semaphore(%run_scoped3A_500 : memref<!tpu.dma_semaphore, #tpu.memory_space<semaphore_mem>>) {add = true}
        %dma_wait3A_507 = arith.constant 0 : i32
        %dma_wait3A_508 = tpu.memref_slice %arg6[%run_scoped3A_146, %dma_wait3A_507] : memref<64x128xi32, #tpu.memory_space<vmem>> -> memref<1x128xi32, #tpu.memory_space<vmem>>
        %dma_wait3A_509 = tpu.memref_squeeze %dma_wait3A_508 : memref<1x128xi32, #tpu.memory_space<vmem>> -> memref<128xi32, #tpu.memory_space<vmem>>
        %dma_wait3A_510 = arith.constant 0 : i32
        %dma_wait3A_511 = arith.constant 0 : i32
        %dma_wait3A_512 = tpu.memref_slice %arg9[%dma_wait3A_510, %dma_wait3A_511] : memref<10752x128xf32, #tpu.memory_space<vmem_shared>> -> memref<10752x128xf32, #tpu.memory_space<vmem_shared>>
        tpu.wait_indirect_dma semaphore(%run_scoped3A_500 : memref<!tpu.dma_semaphore, #tpu.memory_space<semaphore_mem>>) src(%arg8 : memref<128x128xf32, #tpu.memory_space<vmem>>) dst(%dma_wait3A_512 : memref<10752x128xf32, #tpu.memory_space<vmem_shared>>)
        tpu.yield
      }) : () -> ()
      %dma_start3A_147 = arith.constant 9 : i32
      %dma_start3A_148 = arith.constant 0 : i32
      %dma_start3A_149 = tpu.memref_slice %arg6[%dma_start3A_147, %dma_start3A_148] : memref<64x128xi32, #tpu.memory_space<vmem>> -> memref<1x128xi32, #tpu.memory_space<vmem>>
      %dma_start3A_150 = tpu.memref_squeeze %dma_start3A_149 : memref<1x128xi32, #tpu.memory_space<vmem>> -> memref<128xi32, #tpu.memory_space<vmem>>
      %dma_start3A_151 = arith.constant 0 : i32
      %dma_start3A_152 = arith.constant 0 : i32
      %dma_start3A_153 = tpu.memref_slice %arg2[%dma_start3A_151, %dma_start3A_152] : memref<20000x128xf32, #tpu.memory_space<hbm>> -> memref<20000x128xf32, #tpu.memory_space<hbm>>
      tpu.enqueue_indirect_dma source(%dma_start3A_153 : memref<20000x128xf32, #tpu.memory_space<hbm>>) target(%arg8 : memref<128x128xf32, #tpu.memory_space<vmem>>) offsets(%dma_start3A_150 : memref<128xi32, #tpu.memory_space<vmem>>) semaphore(%arg11 : memref<!tpu.dma_semaphore, #tpu.memory_space<semaphore_mem>>)
      %dma_wait3A_154 = arith.constant 8 : i32
      %dma_wait3A_155 = arith.constant 0 : i32
      %dma_wait3A_156 = tpu.memref_slice %arg6[%dma_wait3A_154, %dma_wait3A_155] : memref<64x128xi32, #tpu.memory_space<vmem>> -> memref<1x128xi32, #tpu.memory_space<vmem>>
      %dma_wait3A_157 = tpu.memref_squeeze %dma_wait3A_156 : memref<1x128xi32, #tpu.memory_space<vmem>> -> memref<128xi32, #tpu.memory_space<vmem>>
      %dma_wait3A_158 = arith.constant 0 : i32
      %dma_wait3A_159 = arith.constant 0 : i32
      %dma_wait3A_160 = tpu.memref_slice %arg2[%dma_wait3A_158, %dma_wait3A_159] : memref<20000x128xf32, #tpu.memory_space<hbm>> -> memref<20000x128xf32, #tpu.memory_space<hbm>>
      tpu.wait_indirect_dma semaphore(%arg10 : memref<!tpu.dma_semaphore, #tpu.memory_space<semaphore_mem>>) src(%dma_wait3A_160 : memref<20000x128xf32, #tpu.memory_space<hbm>>) dst(%arg7 : memref<128x128xf32, #tpu.memory_space<vmem>>)
      %run_scoped3A_161 = arith.constant 40 : i32
      "tpu.region"() ({
        %run_scoped3A_500 = tpu.sem_alloc : memref<!tpu.dma_semaphore, #tpu.memory_space<semaphore_mem>>
        %dma_start3A_501 = arith.constant 0 : i32
        %dma_start3A_502 = tpu.memref_slice %arg6[%run_scoped3A_161, %dma_start3A_501] : memref<64x128xi32, #tpu.memory_space<vmem>> -> memref<1x128xi32, #tpu.memory_space<vmem>>
        %dma_start3A_503 = tpu.memref_squeeze %dma_start3A_502 : memref<1x128xi32, #tpu.memory_space<vmem>> -> memref<128xi32, #tpu.memory_space<vmem>>
        %dma_start3A_504 = arith.constant 0 : i32
        %dma_start3A_505 = arith.constant 0 : i32
        %dma_start3A_506 = tpu.memref_slice %arg9[%dma_start3A_504, %dma_start3A_505] : memref<10752x128xf32, #tpu.memory_space<vmem_shared>> -> memref<10752x128xf32, #tpu.memory_space<vmem_shared>>
        tpu.enqueue_indirect_dma source(%arg7 : memref<128x128xf32, #tpu.memory_space<vmem>>) target(%dma_start3A_506 : memref<10752x128xf32, #tpu.memory_space<vmem_shared>>) offsets(%dma_start3A_503 : memref<128xi32, #tpu.memory_space<vmem>>) semaphore(%run_scoped3A_500 : memref<!tpu.dma_semaphore, #tpu.memory_space<semaphore_mem>>) {add = true}
        %dma_wait3A_507 = arith.constant 0 : i32
        %dma_wait3A_508 = tpu.memref_slice %arg6[%run_scoped3A_161, %dma_wait3A_507] : memref<64x128xi32, #tpu.memory_space<vmem>> -> memref<1x128xi32, #tpu.memory_space<vmem>>
        %dma_wait3A_509 = tpu.memref_squeeze %dma_wait3A_508 : memref<1x128xi32, #tpu.memory_space<vmem>> -> memref<128xi32, #tpu.memory_space<vmem>>
        %dma_wait3A_510 = arith.constant 0 : i32
        %dma_wait3A_511 = arith.constant 0 : i32
        %dma_wait3A_512 = tpu.memref_slice %arg9[%dma_wait3A_510, %dma_wait3A_511] : memref<10752x128xf32, #tpu.memory_space<vmem_shared>> -> memref<10752x128xf32, #tpu.memory_space<vmem_shared>>
        tpu.wait_indirect_dma semaphore(%run_scoped3A_500 : memref<!tpu.dma_semaphore, #tpu.memory_space<semaphore_mem>>) src(%arg7 : memref<128x128xf32, #tpu.memory_space<vmem>>) dst(%dma_wait3A_512 : memref<10752x128xf32, #tpu.memory_space<vmem_shared>>)
        tpu.yield
      }) : () -> ()
      %dma_start3A_162 = arith.constant 10 : i32
      %dma_start3A_163 = arith.constant 0 : i32
      %dma_start3A_164 = tpu.memref_slice %arg6[%dma_start3A_162, %dma_start3A_163] : memref<64x128xi32, #tpu.memory_space<vmem>> -> memref<1x128xi32, #tpu.memory_space<vmem>>
      %dma_start3A_165 = tpu.memref_squeeze %dma_start3A_164 : memref<1x128xi32, #tpu.memory_space<vmem>> -> memref<128xi32, #tpu.memory_space<vmem>>
      %dma_start3A_166 = arith.constant 0 : i32
      %dma_start3A_167 = arith.constant 0 : i32
      %dma_start3A_168 = tpu.memref_slice %arg2[%dma_start3A_166, %dma_start3A_167] : memref<20000x128xf32, #tpu.memory_space<hbm>> -> memref<20000x128xf32, #tpu.memory_space<hbm>>
      tpu.enqueue_indirect_dma source(%dma_start3A_168 : memref<20000x128xf32, #tpu.memory_space<hbm>>) target(%arg7 : memref<128x128xf32, #tpu.memory_space<vmem>>) offsets(%dma_start3A_165 : memref<128xi32, #tpu.memory_space<vmem>>) semaphore(%arg10 : memref<!tpu.dma_semaphore, #tpu.memory_space<semaphore_mem>>)
      %dma_wait3A_169 = arith.constant 9 : i32
      %dma_wait3A_170 = arith.constant 0 : i32
      %dma_wait3A_171 = tpu.memref_slice %arg6[%dma_wait3A_169, %dma_wait3A_170] : memref<64x128xi32, #tpu.memory_space<vmem>> -> memref<1x128xi32, #tpu.memory_space<vmem>>
      %dma_wait3A_172 = tpu.memref_squeeze %dma_wait3A_171 : memref<1x128xi32, #tpu.memory_space<vmem>> -> memref<128xi32, #tpu.memory_space<vmem>>
      %dma_wait3A_173 = arith.constant 0 : i32
      %dma_wait3A_174 = arith.constant 0 : i32
      %dma_wait3A_175 = tpu.memref_slice %arg2[%dma_wait3A_173, %dma_wait3A_174] : memref<20000x128xf32, #tpu.memory_space<hbm>> -> memref<20000x128xf32, #tpu.memory_space<hbm>>
      tpu.wait_indirect_dma semaphore(%arg11 : memref<!tpu.dma_semaphore, #tpu.memory_space<semaphore_mem>>) src(%dma_wait3A_175 : memref<20000x128xf32, #tpu.memory_space<hbm>>) dst(%arg8 : memref<128x128xf32, #tpu.memory_space<vmem>>)
      %run_scoped3A_176 = arith.constant 41 : i32
      "tpu.region"() ({
        %run_scoped3A_500 = tpu.sem_alloc : memref<!tpu.dma_semaphore, #tpu.memory_space<semaphore_mem>>
        %dma_start3A_501 = arith.constant 0 : i32
        %dma_start3A_502 = tpu.memref_slice %arg6[%run_scoped3A_176, %dma_start3A_501] : memref<64x128xi32, #tpu.memory_space<vmem>> -> memref<1x128xi32, #tpu.memory_space<vmem>>
        %dma_start3A_503 = tpu.memref_squeeze %dma_start3A_502 : memref<1x128xi32, #tpu.memory_space<vmem>> -> memref<128xi32, #tpu.memory_space<vmem>>
        %dma_start3A_504 = arith.constant 0 : i32
        %dma_start3A_505 = arith.constant 0 : i32
        %dma_start3A_506 = tpu.memref_slice %arg9[%dma_start3A_504, %dma_start3A_505] : memref<10752x128xf32, #tpu.memory_space<vmem_shared>> -> memref<10752x128xf32, #tpu.memory_space<vmem_shared>>
        tpu.enqueue_indirect_dma source(%arg8 : memref<128x128xf32, #tpu.memory_space<vmem>>) target(%dma_start3A_506 : memref<10752x128xf32, #tpu.memory_space<vmem_shared>>) offsets(%dma_start3A_503 : memref<128xi32, #tpu.memory_space<vmem>>) semaphore(%run_scoped3A_500 : memref<!tpu.dma_semaphore, #tpu.memory_space<semaphore_mem>>) {add = true}
        %dma_wait3A_507 = arith.constant 0 : i32
        %dma_wait3A_508 = tpu.memref_slice %arg6[%run_scoped3A_176, %dma_wait3A_507] : memref<64x128xi32, #tpu.memory_space<vmem>> -> memref<1x128xi32, #tpu.memory_space<vmem>>
        %dma_wait3A_509 = tpu.memref_squeeze %dma_wait3A_508 : memref<1x128xi32, #tpu.memory_space<vmem>> -> memref<128xi32, #tpu.memory_space<vmem>>
        %dma_wait3A_510 = arith.constant 0 : i32
        %dma_wait3A_511 = arith.constant 0 : i32
        %dma_wait3A_512 = tpu.memref_slice %arg9[%dma_wait3A_510, %dma_wait3A_511] : memref<10752x128xf32, #tpu.memory_space<vmem_shared>> -> memref<10752x128xf32, #tpu.memory_space<vmem_shared>>
        tpu.wait_indirect_dma semaphore(%run_scoped3A_500 : memref<!tpu.dma_semaphore, #tpu.memory_space<semaphore_mem>>) src(%arg8 : memref<128x128xf32, #tpu.memory_space<vmem>>) dst(%dma_wait3A_512 : memref<10752x128xf32, #tpu.memory_space<vmem_shared>>)
        tpu.yield
      }) : () -> ()
      %dma_start3A_177 = arith.constant 11 : i32
      %dma_start3A_178 = arith.constant 0 : i32
      %dma_start3A_179 = tpu.memref_slice %arg6[%dma_start3A_177, %dma_start3A_178] : memref<64x128xi32, #tpu.memory_space<vmem>> -> memref<1x128xi32, #tpu.memory_space<vmem>>
      %dma_start3A_180 = tpu.memref_squeeze %dma_start3A_179 : memref<1x128xi32, #tpu.memory_space<vmem>> -> memref<128xi32, #tpu.memory_space<vmem>>
      %dma_start3A_181 = arith.constant 0 : i32
      %dma_start3A_182 = arith.constant 0 : i32
      %dma_start3A_183 = tpu.memref_slice %arg2[%dma_start3A_181, %dma_start3A_182] : memref<20000x128xf32, #tpu.memory_space<hbm>> -> memref<20000x128xf32, #tpu.memory_space<hbm>>
      tpu.enqueue_indirect_dma source(%dma_start3A_183 : memref<20000x128xf32, #tpu.memory_space<hbm>>) target(%arg8 : memref<128x128xf32, #tpu.memory_space<vmem>>) offsets(%dma_start3A_180 : memref<128xi32, #tpu.memory_space<vmem>>) semaphore(%arg11 : memref<!tpu.dma_semaphore, #tpu.memory_space<semaphore_mem>>)
      %dma_wait3A_184 = arith.constant 10 : i32
      %dma_wait3A_185 = arith.constant 0 : i32
      %dma_wait3A_186 = tpu.memref_slice %arg6[%dma_wait3A_184, %dma_wait3A_185] : memref<64x128xi32, #tpu.memory_space<vmem>> -> memref<1x128xi32, #tpu.memory_space<vmem>>
      %dma_wait3A_187 = tpu.memref_squeeze %dma_wait3A_186 : memref<1x128xi32, #tpu.memory_space<vmem>> -> memref<128xi32, #tpu.memory_space<vmem>>
      %dma_wait3A_188 = arith.constant 0 : i32
      %dma_wait3A_189 = arith.constant 0 : i32
      %dma_wait3A_190 = tpu.memref_slice %arg2[%dma_wait3A_188, %dma_wait3A_189] : memref<20000x128xf32, #tpu.memory_space<hbm>> -> memref<20000x128xf32, #tpu.memory_space<hbm>>
      tpu.wait_indirect_dma semaphore(%arg10 : memref<!tpu.dma_semaphore, #tpu.memory_space<semaphore_mem>>) src(%dma_wait3A_190 : memref<20000x128xf32, #tpu.memory_space<hbm>>) dst(%arg7 : memref<128x128xf32, #tpu.memory_space<vmem>>)
      %run_scoped3A_191 = arith.constant 42 : i32
      "tpu.region"() ({
        %run_scoped3A_500 = tpu.sem_alloc : memref<!tpu.dma_semaphore, #tpu.memory_space<semaphore_mem>>
        %dma_start3A_501 = arith.constant 0 : i32
        %dma_start3A_502 = tpu.memref_slice %arg6[%run_scoped3A_191, %dma_start3A_501] : memref<64x128xi32, #tpu.memory_space<vmem>> -> memref<1x128xi32, #tpu.memory_space<vmem>>
        %dma_start3A_503 = tpu.memref_squeeze %dma_start3A_502 : memref<1x128xi32, #tpu.memory_space<vmem>> -> memref<128xi32, #tpu.memory_space<vmem>>
        %dma_start3A_504 = arith.constant 0 : i32
        %dma_start3A_505 = arith.constant 0 : i32
        %dma_start3A_506 = tpu.memref_slice %arg9[%dma_start3A_504, %dma_start3A_505] : memref<10752x128xf32, #tpu.memory_space<vmem_shared>> -> memref<10752x128xf32, #tpu.memory_space<vmem_shared>>
        tpu.enqueue_indirect_dma source(%arg7 : memref<128x128xf32, #tpu.memory_space<vmem>>) target(%dma_start3A_506 : memref<10752x128xf32, #tpu.memory_space<vmem_shared>>) offsets(%dma_start3A_503 : memref<128xi32, #tpu.memory_space<vmem>>) semaphore(%run_scoped3A_500 : memref<!tpu.dma_semaphore, #tpu.memory_space<semaphore_mem>>) {add = true}
        %dma_wait3A_507 = arith.constant 0 : i32
        %dma_wait3A_508 = tpu.memref_slice %arg6[%run_scoped3A_191, %dma_wait3A_507] : memref<64x128xi32, #tpu.memory_space<vmem>> -> memref<1x128xi32, #tpu.memory_space<vmem>>
        %dma_wait3A_509 = tpu.memref_squeeze %dma_wait3A_508 : memref<1x128xi32, #tpu.memory_space<vmem>> -> memref<128xi32, #tpu.memory_space<vmem>>
        %dma_wait3A_510 = arith.constant 0 : i32
        %dma_wait3A_511 = arith.constant 0 : i32
        %dma_wait3A_512 = tpu.memref_slice %arg9[%dma_wait3A_510, %dma_wait3A_511] : memref<10752x128xf32, #tpu.memory_space<vmem_shared>> -> memref<10752x128xf32, #tpu.memory_space<vmem_shared>>
        tpu.wait_indirect_dma semaphore(%run_scoped3A_500 : memref<!tpu.dma_semaphore, #tpu.memory_space<semaphore_mem>>) src(%arg7 : memref<128x128xf32, #tpu.memory_space<vmem>>) dst(%dma_wait3A_512 : memref<10752x128xf32, #tpu.memory_space<vmem_shared>>)
        tpu.yield
      }) : () -> ()
      %dma_start3A_192 = arith.constant 12 : i32
      %dma_start3A_193 = arith.constant 0 : i32
      %dma_start3A_194 = tpu.memref_slice %arg6[%dma_start3A_192, %dma_start3A_193] : memref<64x128xi32, #tpu.memory_space<vmem>> -> memref<1x128xi32, #tpu.memory_space<vmem>>
      %dma_start3A_195 = tpu.memref_squeeze %dma_start3A_194 : memref<1x128xi32, #tpu.memory_space<vmem>> -> memref<128xi32, #tpu.memory_space<vmem>>
      %dma_start3A_196 = arith.constant 0 : i32
      %dma_start3A_197 = arith.constant 0 : i32
      %dma_start3A_198 = tpu.memref_slice %arg2[%dma_start3A_196, %dma_start3A_197] : memref<20000x128xf32, #tpu.memory_space<hbm>> -> memref<20000x128xf32, #tpu.memory_space<hbm>>
      tpu.enqueue_indirect_dma source(%dma_start3A_198 : memref<20000x128xf32, #tpu.memory_space<hbm>>) target(%arg7 : memref<128x128xf32, #tpu.memory_space<vmem>>) offsets(%dma_start3A_195 : memref<128xi32, #tpu.memory_space<vmem>>) semaphore(%arg10 : memref<!tpu.dma_semaphore, #tpu.memory_space<semaphore_mem>>)
      %dma_wait3A_199 = arith.constant 11 : i32
      %dma_wait3A_200 = arith.constant 0 : i32
      %dma_wait3A_201 = tpu.memref_slice %arg6[%dma_wait3A_199, %dma_wait3A_200] : memref<64x128xi32, #tpu.memory_space<vmem>> -> memref<1x128xi32, #tpu.memory_space<vmem>>
      %dma_wait3A_202 = tpu.memref_squeeze %dma_wait3A_201 : memref<1x128xi32, #tpu.memory_space<vmem>> -> memref<128xi32, #tpu.memory_space<vmem>>
      %dma_wait3A_203 = arith.constant 0 : i32
      %dma_wait3A_204 = arith.constant 0 : i32
      %dma_wait3A_205 = tpu.memref_slice %arg2[%dma_wait3A_203, %dma_wait3A_204] : memref<20000x128xf32, #tpu.memory_space<hbm>> -> memref<20000x128xf32, #tpu.memory_space<hbm>>
      tpu.wait_indirect_dma semaphore(%arg11 : memref<!tpu.dma_semaphore, #tpu.memory_space<semaphore_mem>>) src(%dma_wait3A_205 : memref<20000x128xf32, #tpu.memory_space<hbm>>) dst(%arg8 : memref<128x128xf32, #tpu.memory_space<vmem>>)
      %run_scoped3A_206 = arith.constant 43 : i32
      "tpu.region"() ({
        %run_scoped3A_500 = tpu.sem_alloc : memref<!tpu.dma_semaphore, #tpu.memory_space<semaphore_mem>>
        %dma_start3A_501 = arith.constant 0 : i32
        %dma_start3A_502 = tpu.memref_slice %arg6[%run_scoped3A_206, %dma_start3A_501] : memref<64x128xi32, #tpu.memory_space<vmem>> -> memref<1x128xi32, #tpu.memory_space<vmem>>
        %dma_start3A_503 = tpu.memref_squeeze %dma_start3A_502 : memref<1x128xi32, #tpu.memory_space<vmem>> -> memref<128xi32, #tpu.memory_space<vmem>>
        %dma_start3A_504 = arith.constant 0 : i32
        %dma_start3A_505 = arith.constant 0 : i32
        %dma_start3A_506 = tpu.memref_slice %arg9[%dma_start3A_504, %dma_start3A_505] : memref<10752x128xf32, #tpu.memory_space<vmem_shared>> -> memref<10752x128xf32, #tpu.memory_space<vmem_shared>>
        tpu.enqueue_indirect_dma source(%arg8 : memref<128x128xf32, #tpu.memory_space<vmem>>) target(%dma_start3A_506 : memref<10752x128xf32, #tpu.memory_space<vmem_shared>>) offsets(%dma_start3A_503 : memref<128xi32, #tpu.memory_space<vmem>>) semaphore(%run_scoped3A_500 : memref<!tpu.dma_semaphore, #tpu.memory_space<semaphore_mem>>) {add = true}
        %dma_wait3A_507 = arith.constant 0 : i32
        %dma_wait3A_508 = tpu.memref_slice %arg6[%run_scoped3A_206, %dma_wait3A_507] : memref<64x128xi32, #tpu.memory_space<vmem>> -> memref<1x128xi32, #tpu.memory_space<vmem>>
        %dma_wait3A_509 = tpu.memref_squeeze %dma_wait3A_508 : memref<1x128xi32, #tpu.memory_space<vmem>> -> memref<128xi32, #tpu.memory_space<vmem>>
        %dma_wait3A_510 = arith.constant 0 : i32
        %dma_wait3A_511 = arith.constant 0 : i32
        %dma_wait3A_512 = tpu.memref_slice %arg9[%dma_wait3A_510, %dma_wait3A_511] : memref<10752x128xf32, #tpu.memory_space<vmem_shared>> -> memref<10752x128xf32, #tpu.memory_space<vmem_shared>>
        tpu.wait_indirect_dma semaphore(%run_scoped3A_500 : memref<!tpu.dma_semaphore, #tpu.memory_space<semaphore_mem>>) src(%arg8 : memref<128x128xf32, #tpu.memory_space<vmem>>) dst(%dma_wait3A_512 : memref<10752x128xf32, #tpu.memory_space<vmem_shared>>)
        tpu.yield
      }) : () -> ()
      %dma_start3A_207 = arith.constant 13 : i32
      %dma_start3A_208 = arith.constant 0 : i32
      %dma_start3A_209 = tpu.memref_slice %arg6[%dma_start3A_207, %dma_start3A_208] : memref<64x128xi32, #tpu.memory_space<vmem>> -> memref<1x128xi32, #tpu.memory_space<vmem>>
      %dma_start3A_210 = tpu.memref_squeeze %dma_start3A_209 : memref<1x128xi32, #tpu.memory_space<vmem>> -> memref<128xi32, #tpu.memory_space<vmem>>
      %dma_start3A_211 = arith.constant 0 : i32
      %dma_start3A_212 = arith.constant 0 : i32
      %dma_start3A_213 = tpu.memref_slice %arg2[%dma_start3A_211, %dma_start3A_212] : memref<20000x128xf32, #tpu.memory_space<hbm>> -> memref<20000x128xf32, #tpu.memory_space<hbm>>
      tpu.enqueue_indirect_dma source(%dma_start3A_213 : memref<20000x128xf32, #tpu.memory_space<hbm>>) target(%arg8 : memref<128x128xf32, #tpu.memory_space<vmem>>) offsets(%dma_start3A_210 : memref<128xi32, #tpu.memory_space<vmem>>) semaphore(%arg11 : memref<!tpu.dma_semaphore, #tpu.memory_space<semaphore_mem>>)
      %dma_wait3A_214 = arith.constant 12 : i32
      %dma_wait3A_215 = arith.constant 0 : i32
      %dma_wait3A_216 = tpu.memref_slice %arg6[%dma_wait3A_214, %dma_wait3A_215] : memref<64x128xi32, #tpu.memory_space<vmem>> -> memref<1x128xi32, #tpu.memory_space<vmem>>
      %dma_wait3A_217 = tpu.memref_squeeze %dma_wait3A_216 : memref<1x128xi32, #tpu.memory_space<vmem>> -> memref<128xi32, #tpu.memory_space<vmem>>
      %dma_wait3A_218 = arith.constant 0 : i32
      %dma_wait3A_219 = arith.constant 0 : i32
      %dma_wait3A_220 = tpu.memref_slice %arg2[%dma_wait3A_218, %dma_wait3A_219] : memref<20000x128xf32, #tpu.memory_space<hbm>> -> memref<20000x128xf32, #tpu.memory_space<hbm>>
      tpu.wait_indirect_dma semaphore(%arg10 : memref<!tpu.dma_semaphore, #tpu.memory_space<semaphore_mem>>) src(%dma_wait3A_220 : memref<20000x128xf32, #tpu.memory_space<hbm>>) dst(%arg7 : memref<128x128xf32, #tpu.memory_space<vmem>>)
      %run_scoped3A_221 = arith.constant 44 : i32
      "tpu.region"() ({
        %run_scoped3A_500 = tpu.sem_alloc : memref<!tpu.dma_semaphore, #tpu.memory_space<semaphore_mem>>
        %dma_start3A_501 = arith.constant 0 : i32
        %dma_start3A_502 = tpu.memref_slice %arg6[%run_scoped3A_221, %dma_start3A_501] : memref<64x128xi32, #tpu.memory_space<vmem>> -> memref<1x128xi32, #tpu.memory_space<vmem>>
        %dma_start3A_503 = tpu.memref_squeeze %dma_start3A_502 : memref<1x128xi32, #tpu.memory_space<vmem>> -> memref<128xi32, #tpu.memory_space<vmem>>
        %dma_start3A_504 = arith.constant 0 : i32
        %dma_start3A_505 = arith.constant 0 : i32
        %dma_start3A_506 = tpu.memref_slice %arg9[%dma_start3A_504, %dma_start3A_505] : memref<10752x128xf32, #tpu.memory_space<vmem_shared>> -> memref<10752x128xf32, #tpu.memory_space<vmem_shared>>
        tpu.enqueue_indirect_dma source(%arg7 : memref<128x128xf32, #tpu.memory_space<vmem>>) target(%dma_start3A_506 : memref<10752x128xf32, #tpu.memory_space<vmem_shared>>) offsets(%dma_start3A_503 : memref<128xi32, #tpu.memory_space<vmem>>) semaphore(%run_scoped3A_500 : memref<!tpu.dma_semaphore, #tpu.memory_space<semaphore_mem>>) {add = true}
        %dma_wait3A_507 = arith.constant 0 : i32
        %dma_wait3A_508 = tpu.memref_slice %arg6[%run_scoped3A_221, %dma_wait3A_507] : memref<64x128xi32, #tpu.memory_space<vmem>> -> memref<1x128xi32, #tpu.memory_space<vmem>>
        %dma_wait3A_509 = tpu.memref_squeeze %dma_wait3A_508 : memref<1x128xi32, #tpu.memory_space<vmem>> -> memref<128xi32, #tpu.memory_space<vmem>>
        %dma_wait3A_510 = arith.constant 0 : i32
        %dma_wait3A_511 = arith.constant 0 : i32
        %dma_wait3A_512 = tpu.memref_slice %arg9[%dma_wait3A_510, %dma_wait3A_511] : memref<10752x128xf32, #tpu.memory_space<vmem_shared>> -> memref<10752x128xf32, #tpu.memory_space<vmem_shared>>
        tpu.wait_indirect_dma semaphore(%run_scoped3A_500 : memref<!tpu.dma_semaphore, #tpu.memory_space<semaphore_mem>>) src(%arg7 : memref<128x128xf32, #tpu.memory_space<vmem>>) dst(%dma_wait3A_512 : memref<10752x128xf32, #tpu.memory_space<vmem_shared>>)
        tpu.yield
      }) : () -> ()
      %dma_start3A_222 = arith.constant 14 : i32
      %dma_start3A_223 = arith.constant 0 : i32
      %dma_start3A_224 = tpu.memref_slice %arg6[%dma_start3A_222, %dma_start3A_223] : memref<64x128xi32, #tpu.memory_space<vmem>> -> memref<1x128xi32, #tpu.memory_space<vmem>>
      %dma_start3A_225 = tpu.memref_squeeze %dma_start3A_224 : memref<1x128xi32, #tpu.memory_space<vmem>> -> memref<128xi32, #tpu.memory_space<vmem>>
      %dma_start3A_226 = arith.constant 0 : i32
      %dma_start3A_227 = arith.constant 0 : i32
      %dma_start3A_228 = tpu.memref_slice %arg2[%dma_start3A_226, %dma_start3A_227] : memref<20000x128xf32, #tpu.memory_space<hbm>> -> memref<20000x128xf32, #tpu.memory_space<hbm>>
      tpu.enqueue_indirect_dma source(%dma_start3A_228 : memref<20000x128xf32, #tpu.memory_space<hbm>>) target(%arg7 : memref<128x128xf32, #tpu.memory_space<vmem>>) offsets(%dma_start3A_225 : memref<128xi32, #tpu.memory_space<vmem>>) semaphore(%arg10 : memref<!tpu.dma_semaphore, #tpu.memory_space<semaphore_mem>>)
      %dma_wait3A_229 = arith.constant 13 : i32
      %dma_wait3A_230 = arith.constant 0 : i32
      %dma_wait3A_231 = tpu.memref_slice %arg6[%dma_wait3A_229, %dma_wait3A_230] : memref<64x128xi32, #tpu.memory_space<vmem>> -> memref<1x128xi32, #tpu.memory_space<vmem>>
      %dma_wait3A_232 = tpu.memref_squeeze %dma_wait3A_231 : memref<1x128xi32, #tpu.memory_space<vmem>> -> memref<128xi32, #tpu.memory_space<vmem>>
      %dma_wait3A_233 = arith.constant 0 : i32
      %dma_wait3A_234 = arith.constant 0 : i32
      %dma_wait3A_235 = tpu.memref_slice %arg2[%dma_wait3A_233, %dma_wait3A_234] : memref<20000x128xf32, #tpu.memory_space<hbm>> -> memref<20000x128xf32, #tpu.memory_space<hbm>>
      tpu.wait_indirect_dma semaphore(%arg11 : memref<!tpu.dma_semaphore, #tpu.memory_space<semaphore_mem>>) src(%dma_wait3A_235 : memref<20000x128xf32, #tpu.memory_space<hbm>>) dst(%arg8 : memref<128x128xf32, #tpu.memory_space<vmem>>)
      %run_scoped3A_236 = arith.constant 45 : i32
      "tpu.region"() ({
        %run_scoped3A_500 = tpu.sem_alloc : memref<!tpu.dma_semaphore, #tpu.memory_space<semaphore_mem>>
        %dma_start3A_501 = arith.constant 0 : i32
        %dma_start3A_502 = tpu.memref_slice %arg6[%run_scoped3A_236, %dma_start3A_501] : memref<64x128xi32, #tpu.memory_space<vmem>> -> memref<1x128xi32, #tpu.memory_space<vmem>>
        %dma_start3A_503 = tpu.memref_squeeze %dma_start3A_502 : memref<1x128xi32, #tpu.memory_space<vmem>> -> memref<128xi32, #tpu.memory_space<vmem>>
        %dma_start3A_504 = arith.constant 0 : i32
        %dma_start3A_505 = arith.constant 0 : i32
        %dma_start3A_506 = tpu.memref_slice %arg9[%dma_start3A_504, %dma_start3A_505] : memref<10752x128xf32, #tpu.memory_space<vmem_shared>> -> memref<10752x128xf32, #tpu.memory_space<vmem_shared>>
        tpu.enqueue_indirect_dma source(%arg8 : memref<128x128xf32, #tpu.memory_space<vmem>>) target(%dma_start3A_506 : memref<10752x128xf32, #tpu.memory_space<vmem_shared>>) offsets(%dma_start3A_503 : memref<128xi32, #tpu.memory_space<vmem>>) semaphore(%run_scoped3A_500 : memref<!tpu.dma_semaphore, #tpu.memory_space<semaphore_mem>>) {add = true}
        %dma_wait3A_507 = arith.constant 0 : i32
        %dma_wait3A_508 = tpu.memref_slice %arg6[%run_scoped3A_236, %dma_wait3A_507] : memref<64x128xi32, #tpu.memory_space<vmem>> -> memref<1x128xi32, #tpu.memory_space<vmem>>
        %dma_wait3A_509 = tpu.memref_squeeze %dma_wait3A_508 : memref<1x128xi32, #tpu.memory_space<vmem>> -> memref<128xi32, #tpu.memory_space<vmem>>
        %dma_wait3A_510 = arith.constant 0 : i32
        %dma_wait3A_511 = arith.constant 0 : i32
        %dma_wait3A_512 = tpu.memref_slice %arg9[%dma_wait3A_510, %dma_wait3A_511] : memref<10752x128xf32, #tpu.memory_space<vmem_shared>> -> memref<10752x128xf32, #tpu.memory_space<vmem_shared>>
        tpu.wait_indirect_dma semaphore(%run_scoped3A_500 : memref<!tpu.dma_semaphore, #tpu.memory_space<semaphore_mem>>) src(%arg8 : memref<128x128xf32, #tpu.memory_space<vmem>>) dst(%dma_wait3A_512 : memref<10752x128xf32, #tpu.memory_space<vmem_shared>>)
        tpu.yield
      }) : () -> ()
      %dma_start3A_237 = arith.constant 15 : i32
      %dma_start3A_238 = arith.constant 0 : i32
      %dma_start3A_239 = tpu.memref_slice %arg6[%dma_start3A_237, %dma_start3A_238] : memref<64x128xi32, #tpu.memory_space<vmem>> -> memref<1x128xi32, #tpu.memory_space<vmem>>
      %dma_start3A_240 = tpu.memref_squeeze %dma_start3A_239 : memref<1x128xi32, #tpu.memory_space<vmem>> -> memref<128xi32, #tpu.memory_space<vmem>>
      %dma_start3A_241 = arith.constant 0 : i32
      %dma_start3A_242 = arith.constant 0 : i32
      %dma_start3A_243 = tpu.memref_slice %arg2[%dma_start3A_241, %dma_start3A_242] : memref<20000x128xf32, #tpu.memory_space<hbm>> -> memref<20000x128xf32, #tpu.memory_space<hbm>>
      tpu.enqueue_indirect_dma source(%dma_start3A_243 : memref<20000x128xf32, #tpu.memory_space<hbm>>) target(%arg8 : memref<128x128xf32, #tpu.memory_space<vmem>>) offsets(%dma_start3A_240 : memref<128xi32, #tpu.memory_space<vmem>>) semaphore(%arg11 : memref<!tpu.dma_semaphore, #tpu.memory_space<semaphore_mem>>)
      %dma_wait3A_244 = arith.constant 14 : i32
      %dma_wait3A_245 = arith.constant 0 : i32
      %dma_wait3A_246 = tpu.memref_slice %arg6[%dma_wait3A_244, %dma_wait3A_245] : memref<64x128xi32, #tpu.memory_space<vmem>> -> memref<1x128xi32, #tpu.memory_space<vmem>>
      %dma_wait3A_247 = tpu.memref_squeeze %dma_wait3A_246 : memref<1x128xi32, #tpu.memory_space<vmem>> -> memref<128xi32, #tpu.memory_space<vmem>>
      %dma_wait3A_248 = arith.constant 0 : i32
      %dma_wait3A_249 = arith.constant 0 : i32
      %dma_wait3A_250 = tpu.memref_slice %arg2[%dma_wait3A_248, %dma_wait3A_249] : memref<20000x128xf32, #tpu.memory_space<hbm>> -> memref<20000x128xf32, #tpu.memory_space<hbm>>
      tpu.wait_indirect_dma semaphore(%arg10 : memref<!tpu.dma_semaphore, #tpu.memory_space<semaphore_mem>>) src(%dma_wait3A_250 : memref<20000x128xf32, #tpu.memory_space<hbm>>) dst(%arg7 : memref<128x128xf32, #tpu.memory_space<vmem>>)
      %run_scoped3A_251 = arith.constant 46 : i32
      "tpu.region"() ({
        %run_scoped3A_500 = tpu.sem_alloc : memref<!tpu.dma_semaphore, #tpu.memory_space<semaphore_mem>>
        %dma_start3A_501 = arith.constant 0 : i32
        %dma_start3A_502 = tpu.memref_slice %arg6[%run_scoped3A_251, %dma_start3A_501] : memref<64x128xi32, #tpu.memory_space<vmem>> -> memref<1x128xi32, #tpu.memory_space<vmem>>
        %dma_start3A_503 = tpu.memref_squeeze %dma_start3A_502 : memref<1x128xi32, #tpu.memory_space<vmem>> -> memref<128xi32, #tpu.memory_space<vmem>>
        %dma_start3A_504 = arith.constant 0 : i32
        %dma_start3A_505 = arith.constant 0 : i32
        %dma_start3A_506 = tpu.memref_slice %arg9[%dma_start3A_504, %dma_start3A_505] : memref<10752x128xf32, #tpu.memory_space<vmem_shared>> -> memref<10752x128xf32, #tpu.memory_space<vmem_shared>>
        tpu.enqueue_indirect_dma source(%arg7 : memref<128x128xf32, #tpu.memory_space<vmem>>) target(%dma_start3A_506 : memref<10752x128xf32, #tpu.memory_space<vmem_shared>>) offsets(%dma_start3A_503 : memref<128xi32, #tpu.memory_space<vmem>>) semaphore(%run_scoped3A_500 : memref<!tpu.dma_semaphore, #tpu.memory_space<semaphore_mem>>) {add = true}
        %dma_wait3A_507 = arith.constant 0 : i32
        %dma_wait3A_508 = tpu.memref_slice %arg6[%run_scoped3A_251, %dma_wait3A_507] : memref<64x128xi32, #tpu.memory_space<vmem>> -> memref<1x128xi32, #tpu.memory_space<vmem>>
        %dma_wait3A_509 = tpu.memref_squeeze %dma_wait3A_508 : memref<1x128xi32, #tpu.memory_space<vmem>> -> memref<128xi32, #tpu.memory_space<vmem>>
        %dma_wait3A_510 = arith.constant 0 : i32
        %dma_wait3A_511 = arith.constant 0 : i32
        %dma_wait3A_512 = tpu.memref_slice %arg9[%dma_wait3A_510, %dma_wait3A_511] : memref<10752x128xf32, #tpu.memory_space<vmem_shared>> -> memref<10752x128xf32, #tpu.memory_space<vmem_shared>>
        tpu.wait_indirect_dma semaphore(%run_scoped3A_500 : memref<!tpu.dma_semaphore, #tpu.memory_space<semaphore_mem>>) src(%arg7 : memref<128x128xf32, #tpu.memory_space<vmem>>) dst(%dma_wait3A_512 : memref<10752x128xf32, #tpu.memory_space<vmem_shared>>)
        tpu.yield
      }) : () -> ()
      %dma_start3A_252 = arith.constant 16 : i32
      %dma_start3A_253 = arith.constant 0 : i32
      %dma_start3A_254 = tpu.memref_slice %arg6[%dma_start3A_252, %dma_start3A_253] : memref<64x128xi32, #tpu.memory_space<vmem>> -> memref<1x128xi32, #tpu.memory_space<vmem>>
      %dma_start3A_255 = tpu.memref_squeeze %dma_start3A_254 : memref<1x128xi32, #tpu.memory_space<vmem>> -> memref<128xi32, #tpu.memory_space<vmem>>
      %dma_start3A_256 = arith.constant 0 : i32
      %dma_start3A_257 = arith.constant 0 : i32
      %dma_start3A_258 = tpu.memref_slice %arg2[%dma_start3A_256, %dma_start3A_257] : memref<20000x128xf32, #tpu.memory_space<hbm>> -> memref<20000x128xf32, #tpu.memory_space<hbm>>
      tpu.enqueue_indirect_dma source(%dma_start3A_258 : memref<20000x128xf32, #tpu.memory_space<hbm>>) target(%arg7 : memref<128x128xf32, #tpu.memory_space<vmem>>) offsets(%dma_start3A_255 : memref<128xi32, #tpu.memory_space<vmem>>) semaphore(%arg10 : memref<!tpu.dma_semaphore, #tpu.memory_space<semaphore_mem>>)
      %dma_wait3A_259 = arith.constant 15 : i32
      %dma_wait3A_260 = arith.constant 0 : i32
      %dma_wait3A_261 = tpu.memref_slice %arg6[%dma_wait3A_259, %dma_wait3A_260] : memref<64x128xi32, #tpu.memory_space<vmem>> -> memref<1x128xi32, #tpu.memory_space<vmem>>
      %dma_wait3A_262 = tpu.memref_squeeze %dma_wait3A_261 : memref<1x128xi32, #tpu.memory_space<vmem>> -> memref<128xi32, #tpu.memory_space<vmem>>
      %dma_wait3A_263 = arith.constant 0 : i32
      %dma_wait3A_264 = arith.constant 0 : i32
      %dma_wait3A_265 = tpu.memref_slice %arg2[%dma_wait3A_263, %dma_wait3A_264] : memref<20000x128xf32, #tpu.memory_space<hbm>> -> memref<20000x128xf32, #tpu.memory_space<hbm>>
      tpu.wait_indirect_dma semaphore(%arg11 : memref<!tpu.dma_semaphore, #tpu.memory_space<semaphore_mem>>) src(%dma_wait3A_265 : memref<20000x128xf32, #tpu.memory_space<hbm>>) dst(%arg8 : memref<128x128xf32, #tpu.memory_space<vmem>>)
      %run_scoped3A_266 = arith.constant 47 : i32
      "tpu.region"() ({
        %run_scoped3A_500 = tpu.sem_alloc : memref<!tpu.dma_semaphore, #tpu.memory_space<semaphore_mem>>
        %dma_start3A_501 = arith.constant 0 : i32
        %dma_start3A_502 = tpu.memref_slice %arg6[%run_scoped3A_266, %dma_start3A_501] : memref<64x128xi32, #tpu.memory_space<vmem>> -> memref<1x128xi32, #tpu.memory_space<vmem>>
        %dma_start3A_503 = tpu.memref_squeeze %dma_start3A_502 : memref<1x128xi32, #tpu.memory_space<vmem>> -> memref<128xi32, #tpu.memory_space<vmem>>
        %dma_start3A_504 = arith.constant 0 : i32
        %dma_start3A_505 = arith.constant 0 : i32
        %dma_start3A_506 = tpu.memref_slice %arg9[%dma_start3A_504, %dma_start3A_505] : memref<10752x128xf32, #tpu.memory_space<vmem_shared>> -> memref<10752x128xf32, #tpu.memory_space<vmem_shared>>
        tpu.enqueue_indirect_dma source(%arg8 : memref<128x128xf32, #tpu.memory_space<vmem>>) target(%dma_start3A_506 : memref<10752x128xf32, #tpu.memory_space<vmem_shared>>) offsets(%dma_start3A_503 : memref<128xi32, #tpu.memory_space<vmem>>) semaphore(%run_scoped3A_500 : memref<!tpu.dma_semaphore, #tpu.memory_space<semaphore_mem>>) {add = true}
        %dma_wait3A_507 = arith.constant 0 : i32
        %dma_wait3A_508 = tpu.memref_slice %arg6[%run_scoped3A_266, %dma_wait3A_507] : memref<64x128xi32, #tpu.memory_space<vmem>> -> memref<1x128xi32, #tpu.memory_space<vmem>>
        %dma_wait3A_509 = tpu.memref_squeeze %dma_wait3A_508 : memref<1x128xi32, #tpu.memory_space<vmem>> -> memref<128xi32, #tpu.memory_space<vmem>>
        %dma_wait3A_510 = arith.constant 0 : i32
        %dma_wait3A_511 = arith.constant 0 : i32
        %dma_wait3A_512 = tpu.memref_slice %arg9[%dma_wait3A_510, %dma_wait3A_511] : memref<10752x128xf32, #tpu.memory_space<vmem_shared>> -> memref<10752x128xf32, #tpu.memory_space<vmem_shared>>
        tpu.wait_indirect_dma semaphore(%run_scoped3A_500 : memref<!tpu.dma_semaphore, #tpu.memory_space<semaphore_mem>>) src(%arg8 : memref<128x128xf32, #tpu.memory_space<vmem>>) dst(%dma_wait3A_512 : memref<10752x128xf32, #tpu.memory_space<vmem_shared>>)
        tpu.yield
      }) : () -> ()
      %dma_start3A_267 = arith.constant 17 : i32
      %dma_start3A_268 = arith.constant 0 : i32
      %dma_start3A_269 = tpu.memref_slice %arg6[%dma_start3A_267, %dma_start3A_268] : memref<64x128xi32, #tpu.memory_space<vmem>> -> memref<1x128xi32, #tpu.memory_space<vmem>>
      %dma_start3A_270 = tpu.memref_squeeze %dma_start3A_269 : memref<1x128xi32, #tpu.memory_space<vmem>> -> memref<128xi32, #tpu.memory_space<vmem>>
      %dma_start3A_271 = arith.constant 0 : i32
      %dma_start3A_272 = arith.constant 0 : i32
      %dma_start3A_273 = tpu.memref_slice %arg2[%dma_start3A_271, %dma_start3A_272] : memref<20000x128xf32, #tpu.memory_space<hbm>> -> memref<20000x128xf32, #tpu.memory_space<hbm>>
      tpu.enqueue_indirect_dma source(%dma_start3A_273 : memref<20000x128xf32, #tpu.memory_space<hbm>>) target(%arg8 : memref<128x128xf32, #tpu.memory_space<vmem>>) offsets(%dma_start3A_270 : memref<128xi32, #tpu.memory_space<vmem>>) semaphore(%arg11 : memref<!tpu.dma_semaphore, #tpu.memory_space<semaphore_mem>>)
      %dma_wait3A_274 = arith.constant 16 : i32
      %dma_wait3A_275 = arith.constant 0 : i32
      %dma_wait3A_276 = tpu.memref_slice %arg6[%dma_wait3A_274, %dma_wait3A_275] : memref<64x128xi32, #tpu.memory_space<vmem>> -> memref<1x128xi32, #tpu.memory_space<vmem>>
      %dma_wait3A_277 = tpu.memref_squeeze %dma_wait3A_276 : memref<1x128xi32, #tpu.memory_space<vmem>> -> memref<128xi32, #tpu.memory_space<vmem>>
      %dma_wait3A_278 = arith.constant 0 : i32
      %dma_wait3A_279 = arith.constant 0 : i32
      %dma_wait3A_280 = tpu.memref_slice %arg2[%dma_wait3A_278, %dma_wait3A_279] : memref<20000x128xf32, #tpu.memory_space<hbm>> -> memref<20000x128xf32, #tpu.memory_space<hbm>>
      tpu.wait_indirect_dma semaphore(%arg10 : memref<!tpu.dma_semaphore, #tpu.memory_space<semaphore_mem>>) src(%dma_wait3A_280 : memref<20000x128xf32, #tpu.memory_space<hbm>>) dst(%arg7 : memref<128x128xf32, #tpu.memory_space<vmem>>)
      %run_scoped3A_281 = arith.constant 48 : i32
      "tpu.region"() ({
        %run_scoped3A_500 = tpu.sem_alloc : memref<!tpu.dma_semaphore, #tpu.memory_space<semaphore_mem>>
        %dma_start3A_501 = arith.constant 0 : i32
        %dma_start3A_502 = tpu.memref_slice %arg6[%run_scoped3A_281, %dma_start3A_501] : memref<64x128xi32, #tpu.memory_space<vmem>> -> memref<1x128xi32, #tpu.memory_space<vmem>>
        %dma_start3A_503 = tpu.memref_squeeze %dma_start3A_502 : memref<1x128xi32, #tpu.memory_space<vmem>> -> memref<128xi32, #tpu.memory_space<vmem>>
        %dma_start3A_504 = arith.constant 0 : i32
        %dma_start3A_505 = arith.constant 0 : i32
        %dma_start3A_506 = tpu.memref_slice %arg9[%dma_start3A_504, %dma_start3A_505] : memref<10752x128xf32, #tpu.memory_space<vmem_shared>> -> memref<10752x128xf32, #tpu.memory_space<vmem_shared>>
        tpu.enqueue_indirect_dma source(%arg7 : memref<128x128xf32, #tpu.memory_space<vmem>>) target(%dma_start3A_506 : memref<10752x128xf32, #tpu.memory_space<vmem_shared>>) offsets(%dma_start3A_503 : memref<128xi32, #tpu.memory_space<vmem>>) semaphore(%run_scoped3A_500 : memref<!tpu.dma_semaphore, #tpu.memory_space<semaphore_mem>>) {add = true}
        %dma_wait3A_507 = arith.constant 0 : i32
        %dma_wait3A_508 = tpu.memref_slice %arg6[%run_scoped3A_281, %dma_wait3A_507] : memref<64x128xi32, #tpu.memory_space<vmem>> -> memref<1x128xi32, #tpu.memory_space<vmem>>
        %dma_wait3A_509 = tpu.memref_squeeze %dma_wait3A_508 : memref<1x128xi32, #tpu.memory_space<vmem>> -> memref<128xi32, #tpu.memory_space<vmem>>
        %dma_wait3A_510 = arith.constant 0 : i32
        %dma_wait3A_511 = arith.constant 0 : i32
        %dma_wait3A_512 = tpu.memref_slice %arg9[%dma_wait3A_510, %dma_wait3A_511] : memref<10752x128xf32, #tpu.memory_space<vmem_shared>> -> memref<10752x128xf32, #tpu.memory_space<vmem_shared>>
        tpu.wait_indirect_dma semaphore(%run_scoped3A_500 : memref<!tpu.dma_semaphore, #tpu.memory_space<semaphore_mem>>) src(%arg7 : memref<128x128xf32, #tpu.memory_space<vmem>>) dst(%dma_wait3A_512 : memref<10752x128xf32, #tpu.memory_space<vmem_shared>>)
        tpu.yield
      }) : () -> ()
      %dma_start3A_282 = arith.constant 18 : i32
      %dma_start3A_283 = arith.constant 0 : i32
      %dma_start3A_284 = tpu.memref_slice %arg6[%dma_start3A_282, %dma_start3A_283] : memref<64x128xi32, #tpu.memory_space<vmem>> -> memref<1x128xi32, #tpu.memory_space<vmem>>
      %dma_start3A_285 = tpu.memref_squeeze %dma_start3A_284 : memref<1x128xi32, #tpu.memory_space<vmem>> -> memref<128xi32, #tpu.memory_space<vmem>>
      %dma_start3A_286 = arith.constant 0 : i32
      %dma_start3A_287 = arith.constant 0 : i32
      %dma_start3A_288 = tpu.memref_slice %arg2[%dma_start3A_286, %dma_start3A_287] : memref<20000x128xf32, #tpu.memory_space<hbm>> -> memref<20000x128xf32, #tpu.memory_space<hbm>>
      tpu.enqueue_indirect_dma source(%dma_start3A_288 : memref<20000x128xf32, #tpu.memory_space<hbm>>) target(%arg7 : memref<128x128xf32, #tpu.memory_space<vmem>>) offsets(%dma_start3A_285 : memref<128xi32, #tpu.memory_space<vmem>>) semaphore(%arg10 : memref<!tpu.dma_semaphore, #tpu.memory_space<semaphore_mem>>)
      %dma_wait3A_289 = arith.constant 17 : i32
      %dma_wait3A_290 = arith.constant 0 : i32
      %dma_wait3A_291 = tpu.memref_slice %arg6[%dma_wait3A_289, %dma_wait3A_290] : memref<64x128xi32, #tpu.memory_space<vmem>> -> memref<1x128xi32, #tpu.memory_space<vmem>>
      %dma_wait3A_292 = tpu.memref_squeeze %dma_wait3A_291 : memref<1x128xi32, #tpu.memory_space<vmem>> -> memref<128xi32, #tpu.memory_space<vmem>>
      %dma_wait3A_293 = arith.constant 0 : i32
      %dma_wait3A_294 = arith.constant 0 : i32
      %dma_wait3A_295 = tpu.memref_slice %arg2[%dma_wait3A_293, %dma_wait3A_294] : memref<20000x128xf32, #tpu.memory_space<hbm>> -> memref<20000x128xf32, #tpu.memory_space<hbm>>
      tpu.wait_indirect_dma semaphore(%arg11 : memref<!tpu.dma_semaphore, #tpu.memory_space<semaphore_mem>>) src(%dma_wait3A_295 : memref<20000x128xf32, #tpu.memory_space<hbm>>) dst(%arg8 : memref<128x128xf32, #tpu.memory_space<vmem>>)
      %run_scoped3A_296 = arith.constant 49 : i32
      "tpu.region"() ({
        %run_scoped3A_500 = tpu.sem_alloc : memref<!tpu.dma_semaphore, #tpu.memory_space<semaphore_mem>>
        %dma_start3A_501 = arith.constant 0 : i32
        %dma_start3A_502 = tpu.memref_slice %arg6[%run_scoped3A_296, %dma_start3A_501] : memref<64x128xi32, #tpu.memory_space<vmem>> -> memref<1x128xi32, #tpu.memory_space<vmem>>
        %dma_start3A_503 = tpu.memref_squeeze %dma_start3A_502 : memref<1x128xi32, #tpu.memory_space<vmem>> -> memref<128xi32, #tpu.memory_space<vmem>>
        %dma_start3A_504 = arith.constant 0 : i32
        %dma_start3A_505 = arith.constant 0 : i32
        %dma_start3A_506 = tpu.memref_slice %arg9[%dma_start3A_504, %dma_start3A_505] : memref<10752x128xf32, #tpu.memory_space<vmem_shared>> -> memref<10752x128xf32, #tpu.memory_space<vmem_shared>>
        tpu.enqueue_indirect_dma source(%arg8 : memref<128x128xf32, #tpu.memory_space<vmem>>) target(%dma_start3A_506 : memref<10752x128xf32, #tpu.memory_space<vmem_shared>>) offsets(%dma_start3A_503 : memref<128xi32, #tpu.memory_space<vmem>>) semaphore(%run_scoped3A_500 : memref<!tpu.dma_semaphore, #tpu.memory_space<semaphore_mem>>) {add = true}
        %dma_wait3A_507 = arith.constant 0 : i32
        %dma_wait3A_508 = tpu.memref_slice %arg6[%run_scoped3A_296, %dma_wait3A_507] : memref<64x128xi32, #tpu.memory_space<vmem>> -> memref<1x128xi32, #tpu.memory_space<vmem>>
        %dma_wait3A_509 = tpu.memref_squeeze %dma_wait3A_508 : memref<1x128xi32, #tpu.memory_space<vmem>> -> memref<128xi32, #tpu.memory_space<vmem>>
        %dma_wait3A_510 = arith.constant 0 : i32
        %dma_wait3A_511 = arith.constant 0 : i32
        %dma_wait3A_512 = tpu.memref_slice %arg9[%dma_wait3A_510, %dma_wait3A_511] : memref<10752x128xf32, #tpu.memory_space<vmem_shared>> -> memref<10752x128xf32, #tpu.memory_space<vmem_shared>>
        tpu.wait_indirect_dma semaphore(%run_scoped3A_500 : memref<!tpu.dma_semaphore, #tpu.memory_space<semaphore_mem>>) src(%arg8 : memref<128x128xf32, #tpu.memory_space<vmem>>) dst(%dma_wait3A_512 : memref<10752x128xf32, #tpu.memory_space<vmem_shared>>)
        tpu.yield
      }) : () -> ()
      %dma_start3A_297 = arith.constant 19 : i32
      %dma_start3A_298 = arith.constant 0 : i32
      %dma_start3A_299 = tpu.memref_slice %arg6[%dma_start3A_297, %dma_start3A_298] : memref<64x128xi32, #tpu.memory_space<vmem>> -> memref<1x128xi32, #tpu.memory_space<vmem>>
      %dma_start3A_300 = tpu.memref_squeeze %dma_start3A_299 : memref<1x128xi32, #tpu.memory_space<vmem>> -> memref<128xi32, #tpu.memory_space<vmem>>
      %dma_start3A_301 = arith.constant 0 : i32
      %dma_start3A_302 = arith.constant 0 : i32
      %dma_start3A_303 = tpu.memref_slice %arg2[%dma_start3A_301, %dma_start3A_302] : memref<20000x128xf32, #tpu.memory_space<hbm>> -> memref<20000x128xf32, #tpu.memory_space<hbm>>
      tpu.enqueue_indirect_dma source(%dma_start3A_303 : memref<20000x128xf32, #tpu.memory_space<hbm>>) target(%arg8 : memref<128x128xf32, #tpu.memory_space<vmem>>) offsets(%dma_start3A_300 : memref<128xi32, #tpu.memory_space<vmem>>) semaphore(%arg11 : memref<!tpu.dma_semaphore, #tpu.memory_space<semaphore_mem>>)
      %dma_wait3A_304 = arith.constant 18 : i32
      %dma_wait3A_305 = arith.constant 0 : i32
      %dma_wait3A_306 = tpu.memref_slice %arg6[%dma_wait3A_304, %dma_wait3A_305] : memref<64x128xi32, #tpu.memory_space<vmem>> -> memref<1x128xi32, #tpu.memory_space<vmem>>
      %dma_wait3A_307 = tpu.memref_squeeze %dma_wait3A_306 : memref<1x128xi32, #tpu.memory_space<vmem>> -> memref<128xi32, #tpu.memory_space<vmem>>
      %dma_wait3A_308 = arith.constant 0 : i32
      %dma_wait3A_309 = arith.constant 0 : i32
      %dma_wait3A_310 = tpu.memref_slice %arg2[%dma_wait3A_308, %dma_wait3A_309] : memref<20000x128xf32, #tpu.memory_space<hbm>> -> memref<20000x128xf32, #tpu.memory_space<hbm>>
      tpu.wait_indirect_dma semaphore(%arg10 : memref<!tpu.dma_semaphore, #tpu.memory_space<semaphore_mem>>) src(%dma_wait3A_310 : memref<20000x128xf32, #tpu.memory_space<hbm>>) dst(%arg7 : memref<128x128xf32, #tpu.memory_space<vmem>>)
      %run_scoped3A_311 = arith.constant 50 : i32
      "tpu.region"() ({
        %run_scoped3A_500 = tpu.sem_alloc : memref<!tpu.dma_semaphore, #tpu.memory_space<semaphore_mem>>
        %dma_start3A_501 = arith.constant 0 : i32
        %dma_start3A_502 = tpu.memref_slice %arg6[%run_scoped3A_311, %dma_start3A_501] : memref<64x128xi32, #tpu.memory_space<vmem>> -> memref<1x128xi32, #tpu.memory_space<vmem>>
        %dma_start3A_503 = tpu.memref_squeeze %dma_start3A_502 : memref<1x128xi32, #tpu.memory_space<vmem>> -> memref<128xi32, #tpu.memory_space<vmem>>
        %dma_start3A_504 = arith.constant 0 : i32
        %dma_start3A_505 = arith.constant 0 : i32
        %dma_start3A_506 = tpu.memref_slice %arg9[%dma_start3A_504, %dma_start3A_505] : memref<10752x128xf32, #tpu.memory_space<vmem_shared>> -> memref<10752x128xf32, #tpu.memory_space<vmem_shared>>
        tpu.enqueue_indirect_dma source(%arg7 : memref<128x128xf32, #tpu.memory_space<vmem>>) target(%dma_start3A_506 : memref<10752x128xf32, #tpu.memory_space<vmem_shared>>) offsets(%dma_start3A_503 : memref<128xi32, #tpu.memory_space<vmem>>) semaphore(%run_scoped3A_500 : memref<!tpu.dma_semaphore, #tpu.memory_space<semaphore_mem>>) {add = true}
        %dma_wait3A_507 = arith.constant 0 : i32
        %dma_wait3A_508 = tpu.memref_slice %arg6[%run_scoped3A_311, %dma_wait3A_507] : memref<64x128xi32, #tpu.memory_space<vmem>> -> memref<1x128xi32, #tpu.memory_space<vmem>>
        %dma_wait3A_509 = tpu.memref_squeeze %dma_wait3A_508 : memref<1x128xi32, #tpu.memory_space<vmem>> -> memref<128xi32, #tpu.memory_space<vmem>>
        %dma_wait3A_510 = arith.constant 0 : i32
        %dma_wait3A_511 = arith.constant 0 : i32
        %dma_wait3A_512 = tpu.memref_slice %arg9[%dma_wait3A_510, %dma_wait3A_511] : memref<10752x128xf32, #tpu.memory_space<vmem_shared>> -> memref<10752x128xf32, #tpu.memory_space<vmem_shared>>
        tpu.wait_indirect_dma semaphore(%run_scoped3A_500 : memref<!tpu.dma_semaphore, #tpu.memory_space<semaphore_mem>>) src(%arg7 : memref<128x128xf32, #tpu.memory_space<vmem>>) dst(%dma_wait3A_512 : memref<10752x128xf32, #tpu.memory_space<vmem_shared>>)
        tpu.yield
      }) : () -> ()
      %dma_start3A_312 = arith.constant 20 : i32
      %dma_start3A_313 = arith.constant 0 : i32
      %dma_start3A_314 = tpu.memref_slice %arg6[%dma_start3A_312, %dma_start3A_313] : memref<64x128xi32, #tpu.memory_space<vmem>> -> memref<1x128xi32, #tpu.memory_space<vmem>>
      %dma_start3A_315 = tpu.memref_squeeze %dma_start3A_314 : memref<1x128xi32, #tpu.memory_space<vmem>> -> memref<128xi32, #tpu.memory_space<vmem>>
      %dma_start3A_316 = arith.constant 0 : i32
      %dma_start3A_317 = arith.constant 0 : i32
      %dma_start3A_318 = tpu.memref_slice %arg2[%dma_start3A_316, %dma_start3A_317] : memref<20000x128xf32, #tpu.memory_space<hbm>> -> memref<20000x128xf32, #tpu.memory_space<hbm>>
      tpu.enqueue_indirect_dma source(%dma_start3A_318 : memref<20000x128xf32, #tpu.memory_space<hbm>>) target(%arg7 : memref<128x128xf32, #tpu.memory_space<vmem>>) offsets(%dma_start3A_315 : memref<128xi32, #tpu.memory_space<vmem>>) semaphore(%arg10 : memref<!tpu.dma_semaphore, #tpu.memory_space<semaphore_mem>>)
      %dma_wait3A_319 = arith.constant 19 : i32
      %dma_wait3A_320 = arith.constant 0 : i32
      %dma_wait3A_321 = tpu.memref_slice %arg6[%dma_wait3A_319, %dma_wait3A_320] : memref<64x128xi32, #tpu.memory_space<vmem>> -> memref<1x128xi32, #tpu.memory_space<vmem>>
      %dma_wait3A_322 = tpu.memref_squeeze %dma_wait3A_321 : memref<1x128xi32, #tpu.memory_space<vmem>> -> memref<128xi32, #tpu.memory_space<vmem>>
      %dma_wait3A_323 = arith.constant 0 : i32
      %dma_wait3A_324 = arith.constant 0 : i32
      %dma_wait3A_325 = tpu.memref_slice %arg2[%dma_wait3A_323, %dma_wait3A_324] : memref<20000x128xf32, #tpu.memory_space<hbm>> -> memref<20000x128xf32, #tpu.memory_space<hbm>>
      tpu.wait_indirect_dma semaphore(%arg11 : memref<!tpu.dma_semaphore, #tpu.memory_space<semaphore_mem>>) src(%dma_wait3A_325 : memref<20000x128xf32, #tpu.memory_space<hbm>>) dst(%arg8 : memref<128x128xf32, #tpu.memory_space<vmem>>)
      %run_scoped3A_326 = arith.constant 51 : i32
      "tpu.region"() ({
        %run_scoped3A_500 = tpu.sem_alloc : memref<!tpu.dma_semaphore, #tpu.memory_space<semaphore_mem>>
        %dma_start3A_501 = arith.constant 0 : i32
        %dma_start3A_502 = tpu.memref_slice %arg6[%run_scoped3A_326, %dma_start3A_501] : memref<64x128xi32, #tpu.memory_space<vmem>> -> memref<1x128xi32, #tpu.memory_space<vmem>>
        %dma_start3A_503 = tpu.memref_squeeze %dma_start3A_502 : memref<1x128xi32, #tpu.memory_space<vmem>> -> memref<128xi32, #tpu.memory_space<vmem>>
        %dma_start3A_504 = arith.constant 0 : i32
        %dma_start3A_505 = arith.constant 0 : i32
        %dma_start3A_506 = tpu.memref_slice %arg9[%dma_start3A_504, %dma_start3A_505] : memref<10752x128xf32, #tpu.memory_space<vmem_shared>> -> memref<10752x128xf32, #tpu.memory_space<vmem_shared>>
        tpu.enqueue_indirect_dma source(%arg8 : memref<128x128xf32, #tpu.memory_space<vmem>>) target(%dma_start3A_506 : memref<10752x128xf32, #tpu.memory_space<vmem_shared>>) offsets(%dma_start3A_503 : memref<128xi32, #tpu.memory_space<vmem>>) semaphore(%run_scoped3A_500 : memref<!tpu.dma_semaphore, #tpu.memory_space<semaphore_mem>>) {add = true}
        %dma_wait3A_507 = arith.constant 0 : i32
        %dma_wait3A_508 = tpu.memref_slice %arg6[%run_scoped3A_326, %dma_wait3A_507] : memref<64x128xi32, #tpu.memory_space<vmem>> -> memref<1x128xi32, #tpu.memory_space<vmem>>
        %dma_wait3A_509 = tpu.memref_squeeze %dma_wait3A_508 : memref<1x128xi32, #tpu.memory_space<vmem>> -> memref<128xi32, #tpu.memory_space<vmem>>
        %dma_wait3A_510 = arith.constant 0 : i32
        %dma_wait3A_511 = arith.constant 0 : i32
        %dma_wait3A_512 = tpu.memref_slice %arg9[%dma_wait3A_510, %dma_wait3A_511] : memref<10752x128xf32, #tpu.memory_space<vmem_shared>> -> memref<10752x128xf32, #tpu.memory_space<vmem_shared>>
        tpu.wait_indirect_dma semaphore(%run_scoped3A_500 : memref<!tpu.dma_semaphore, #tpu.memory_space<semaphore_mem>>) src(%arg8 : memref<128x128xf32, #tpu.memory_space<vmem>>) dst(%dma_wait3A_512 : memref<10752x128xf32, #tpu.memory_space<vmem_shared>>)
        tpu.yield
      }) : () -> ()
      %dma_start3A_327 = arith.constant 21 : i32
      %dma_start3A_328 = arith.constant 0 : i32
      %dma_start3A_329 = tpu.memref_slice %arg6[%dma_start3A_327, %dma_start3A_328] : memref<64x128xi32, #tpu.memory_space<vmem>> -> memref<1x128xi32, #tpu.memory_space<vmem>>
      %dma_start3A_330 = tpu.memref_squeeze %dma_start3A_329 : memref<1x128xi32, #tpu.memory_space<vmem>> -> memref<128xi32, #tpu.memory_space<vmem>>
      %dma_start3A_331 = arith.constant 0 : i32
      %dma_start3A_332 = arith.constant 0 : i32
      %dma_start3A_333 = tpu.memref_slice %arg2[%dma_start3A_331, %dma_start3A_332] : memref<20000x128xf32, #tpu.memory_space<hbm>> -> memref<20000x128xf32, #tpu.memory_space<hbm>>
      tpu.enqueue_indirect_dma source(%dma_start3A_333 : memref<20000x128xf32, #tpu.memory_space<hbm>>) target(%arg8 : memref<128x128xf32, #tpu.memory_space<vmem>>) offsets(%dma_start3A_330 : memref<128xi32, #tpu.memory_space<vmem>>) semaphore(%arg11 : memref<!tpu.dma_semaphore, #tpu.memory_space<semaphore_mem>>)
      %dma_wait3A_334 = arith.constant 20 : i32
      %dma_wait3A_335 = arith.constant 0 : i32
      %dma_wait3A_336 = tpu.memref_slice %arg6[%dma_wait3A_334, %dma_wait3A_335] : memref<64x128xi32, #tpu.memory_space<vmem>> -> memref<1x128xi32, #tpu.memory_space<vmem>>
      %dma_wait3A_337 = tpu.memref_squeeze %dma_wait3A_336 : memref<1x128xi32, #tpu.memory_space<vmem>> -> memref<128xi32, #tpu.memory_space<vmem>>
      %dma_wait3A_338 = arith.constant 0 : i32
      %dma_wait3A_339 = arith.constant 0 : i32
      %dma_wait3A_340 = tpu.memref_slice %arg2[%dma_wait3A_338, %dma_wait3A_339] : memref<20000x128xf32, #tpu.memory_space<hbm>> -> memref<20000x128xf32, #tpu.memory_space<hbm>>
      tpu.wait_indirect_dma semaphore(%arg10 : memref<!tpu.dma_semaphore, #tpu.memory_space<semaphore_mem>>) src(%dma_wait3A_340 : memref<20000x128xf32, #tpu.memory_space<hbm>>) dst(%arg7 : memref<128x128xf32, #tpu.memory_space<vmem>>)
      %run_scoped3A_341 = arith.constant 52 : i32
      "tpu.region"() ({
        %run_scoped3A_500 = tpu.sem_alloc : memref<!tpu.dma_semaphore, #tpu.memory_space<semaphore_mem>>
        %dma_start3A_501 = arith.constant 0 : i32
        %dma_start3A_502 = tpu.memref_slice %arg6[%run_scoped3A_341, %dma_start3A_501] : memref<64x128xi32, #tpu.memory_space<vmem>> -> memref<1x128xi32, #tpu.memory_space<vmem>>
        %dma_start3A_503 = tpu.memref_squeeze %dma_start3A_502 : memref<1x128xi32, #tpu.memory_space<vmem>> -> memref<128xi32, #tpu.memory_space<vmem>>
        %dma_start3A_504 = arith.constant 0 : i32
        %dma_start3A_505 = arith.constant 0 : i32
        %dma_start3A_506 = tpu.memref_slice %arg9[%dma_start3A_504, %dma_start3A_505] : memref<10752x128xf32, #tpu.memory_space<vmem_shared>> -> memref<10752x128xf32, #tpu.memory_space<vmem_shared>>
        tpu.enqueue_indirect_dma source(%arg7 : memref<128x128xf32, #tpu.memory_space<vmem>>) target(%dma_start3A_506 : memref<10752x128xf32, #tpu.memory_space<vmem_shared>>) offsets(%dma_start3A_503 : memref<128xi32, #tpu.memory_space<vmem>>) semaphore(%run_scoped3A_500 : memref<!tpu.dma_semaphore, #tpu.memory_space<semaphore_mem>>) {add = true}
        %dma_wait3A_507 = arith.constant 0 : i32
        %dma_wait3A_508 = tpu.memref_slice %arg6[%run_scoped3A_341, %dma_wait3A_507] : memref<64x128xi32, #tpu.memory_space<vmem>> -> memref<1x128xi32, #tpu.memory_space<vmem>>
        %dma_wait3A_509 = tpu.memref_squeeze %dma_wait3A_508 : memref<1x128xi32, #tpu.memory_space<vmem>> -> memref<128xi32, #tpu.memory_space<vmem>>
        %dma_wait3A_510 = arith.constant 0 : i32
        %dma_wait3A_511 = arith.constant 0 : i32
        %dma_wait3A_512 = tpu.memref_slice %arg9[%dma_wait3A_510, %dma_wait3A_511] : memref<10752x128xf32, #tpu.memory_space<vmem_shared>> -> memref<10752x128xf32, #tpu.memory_space<vmem_shared>>
        tpu.wait_indirect_dma semaphore(%run_scoped3A_500 : memref<!tpu.dma_semaphore, #tpu.memory_space<semaphore_mem>>) src(%arg7 : memref<128x128xf32, #tpu.memory_space<vmem>>) dst(%dma_wait3A_512 : memref<10752x128xf32, #tpu.memory_space<vmem_shared>>)
        tpu.yield
      }) : () -> ()
      %dma_start3A_342 = arith.constant 22 : i32
      %dma_start3A_343 = arith.constant 0 : i32
      %dma_start3A_344 = tpu.memref_slice %arg6[%dma_start3A_342, %dma_start3A_343] : memref<64x128xi32, #tpu.memory_space<vmem>> -> memref<1x128xi32, #tpu.memory_space<vmem>>
      %dma_start3A_345 = tpu.memref_squeeze %dma_start3A_344 : memref<1x128xi32, #tpu.memory_space<vmem>> -> memref<128xi32, #tpu.memory_space<vmem>>
      %dma_start3A_346 = arith.constant 0 : i32
      %dma_start3A_347 = arith.constant 0 : i32
      %dma_start3A_348 = tpu.memref_slice %arg2[%dma_start3A_346, %dma_start3A_347] : memref<20000x128xf32, #tpu.memory_space<hbm>> -> memref<20000x128xf32, #tpu.memory_space<hbm>>
      tpu.enqueue_indirect_dma source(%dma_start3A_348 : memref<20000x128xf32, #tpu.memory_space<hbm>>) target(%arg7 : memref<128x128xf32, #tpu.memory_space<vmem>>) offsets(%dma_start3A_345 : memref<128xi32, #tpu.memory_space<vmem>>) semaphore(%arg10 : memref<!tpu.dma_semaphore, #tpu.memory_space<semaphore_mem>>)
      %dma_wait3A_349 = arith.constant 21 : i32
      %dma_wait3A_350 = arith.constant 0 : i32
      %dma_wait3A_351 = tpu.memref_slice %arg6[%dma_wait3A_349, %dma_wait3A_350] : memref<64x128xi32, #tpu.memory_space<vmem>> -> memref<1x128xi32, #tpu.memory_space<vmem>>
      %dma_wait3A_352 = tpu.memref_squeeze %dma_wait3A_351 : memref<1x128xi32, #tpu.memory_space<vmem>> -> memref<128xi32, #tpu.memory_space<vmem>>
      %dma_wait3A_353 = arith.constant 0 : i32
      %dma_wait3A_354 = arith.constant 0 : i32
      %dma_wait3A_355 = tpu.memref_slice %arg2[%dma_wait3A_353, %dma_wait3A_354] : memref<20000x128xf32, #tpu.memory_space<hbm>> -> memref<20000x128xf32, #tpu.memory_space<hbm>>
      tpu.wait_indirect_dma semaphore(%arg11 : memref<!tpu.dma_semaphore, #tpu.memory_space<semaphore_mem>>) src(%dma_wait3A_355 : memref<20000x128xf32, #tpu.memory_space<hbm>>) dst(%arg8 : memref<128x128xf32, #tpu.memory_space<vmem>>)
      %run_scoped3A_356 = arith.constant 53 : i32
      "tpu.region"() ({
        %run_scoped3A_500 = tpu.sem_alloc : memref<!tpu.dma_semaphore, #tpu.memory_space<semaphore_mem>>
        %dma_start3A_501 = arith.constant 0 : i32
        %dma_start3A_502 = tpu.memref_slice %arg6[%run_scoped3A_356, %dma_start3A_501] : memref<64x128xi32, #tpu.memory_space<vmem>> -> memref<1x128xi32, #tpu.memory_space<vmem>>
        %dma_start3A_503 = tpu.memref_squeeze %dma_start3A_502 : memref<1x128xi32, #tpu.memory_space<vmem>> -> memref<128xi32, #tpu.memory_space<vmem>>
        %dma_start3A_504 = arith.constant 0 : i32
        %dma_start3A_505 = arith.constant 0 : i32
        %dma_start3A_506 = tpu.memref_slice %arg9[%dma_start3A_504, %dma_start3A_505] : memref<10752x128xf32, #tpu.memory_space<vmem_shared>> -> memref<10752x128xf32, #tpu.memory_space<vmem_shared>>
        tpu.enqueue_indirect_dma source(%arg8 : memref<128x128xf32, #tpu.memory_space<vmem>>) target(%dma_start3A_506 : memref<10752x128xf32, #tpu.memory_space<vmem_shared>>) offsets(%dma_start3A_503 : memref<128xi32, #tpu.memory_space<vmem>>) semaphore(%run_scoped3A_500 : memref<!tpu.dma_semaphore, #tpu.memory_space<semaphore_mem>>) {add = true}
        %dma_wait3A_507 = arith.constant 0 : i32
        %dma_wait3A_508 = tpu.memref_slice %arg6[%run_scoped3A_356, %dma_wait3A_507] : memref<64x128xi32, #tpu.memory_space<vmem>> -> memref<1x128xi32, #tpu.memory_space<vmem>>
        %dma_wait3A_509 = tpu.memref_squeeze %dma_wait3A_508 : memref<1x128xi32, #tpu.memory_space<vmem>> -> memref<128xi32, #tpu.memory_space<vmem>>
        %dma_wait3A_510 = arith.constant 0 : i32
        %dma_wait3A_511 = arith.constant 0 : i32
        %dma_wait3A_512 = tpu.memref_slice %arg9[%dma_wait3A_510, %dma_wait3A_511] : memref<10752x128xf32, #tpu.memory_space<vmem_shared>> -> memref<10752x128xf32, #tpu.memory_space<vmem_shared>>
        tpu.wait_indirect_dma semaphore(%run_scoped3A_500 : memref<!tpu.dma_semaphore, #tpu.memory_space<semaphore_mem>>) src(%arg8 : memref<128x128xf32, #tpu.memory_space<vmem>>) dst(%dma_wait3A_512 : memref<10752x128xf32, #tpu.memory_space<vmem_shared>>)
        tpu.yield
      }) : () -> ()
      %dma_start3A_357 = arith.constant 23 : i32
      %dma_start3A_358 = arith.constant 0 : i32
      %dma_start3A_359 = tpu.memref_slice %arg6[%dma_start3A_357, %dma_start3A_358] : memref<64x128xi32, #tpu.memory_space<vmem>> -> memref<1x128xi32, #tpu.memory_space<vmem>>
      %dma_start3A_360 = tpu.memref_squeeze %dma_start3A_359 : memref<1x128xi32, #tpu.memory_space<vmem>> -> memref<128xi32, #tpu.memory_space<vmem>>
      %dma_start3A_361 = arith.constant 0 : i32
      %dma_start3A_362 = arith.constant 0 : i32
      %dma_start3A_363 = tpu.memref_slice %arg2[%dma_start3A_361, %dma_start3A_362] : memref<20000x128xf32, #tpu.memory_space<hbm>> -> memref<20000x128xf32, #tpu.memory_space<hbm>>
      tpu.enqueue_indirect_dma source(%dma_start3A_363 : memref<20000x128xf32, #tpu.memory_space<hbm>>) target(%arg8 : memref<128x128xf32, #tpu.memory_space<vmem>>) offsets(%dma_start3A_360 : memref<128xi32, #tpu.memory_space<vmem>>) semaphore(%arg11 : memref<!tpu.dma_semaphore, #tpu.memory_space<semaphore_mem>>)
      %dma_wait3A_364 = arith.constant 22 : i32
      %dma_wait3A_365 = arith.constant 0 : i32
      %dma_wait3A_366 = tpu.memref_slice %arg6[%dma_wait3A_364, %dma_wait3A_365] : memref<64x128xi32, #tpu.memory_space<vmem>> -> memref<1x128xi32, #tpu.memory_space<vmem>>
      %dma_wait3A_367 = tpu.memref_squeeze %dma_wait3A_366 : memref<1x128xi32, #tpu.memory_space<vmem>> -> memref<128xi32, #tpu.memory_space<vmem>>
      %dma_wait3A_368 = arith.constant 0 : i32
      %dma_wait3A_369 = arith.constant 0 : i32
      %dma_wait3A_370 = tpu.memref_slice %arg2[%dma_wait3A_368, %dma_wait3A_369] : memref<20000x128xf32, #tpu.memory_space<hbm>> -> memref<20000x128xf32, #tpu.memory_space<hbm>>
      tpu.wait_indirect_dma semaphore(%arg10 : memref<!tpu.dma_semaphore, #tpu.memory_space<semaphore_mem>>) src(%dma_wait3A_370 : memref<20000x128xf32, #tpu.memory_space<hbm>>) dst(%arg7 : memref<128x128xf32, #tpu.memory_space<vmem>>)
      %run_scoped3A_371 = arith.constant 54 : i32
      "tpu.region"() ({
        %run_scoped3A_500 = tpu.sem_alloc : memref<!tpu.dma_semaphore, #tpu.memory_space<semaphore_mem>>
        %dma_start3A_501 = arith.constant 0 : i32
        %dma_start3A_502 = tpu.memref_slice %arg6[%run_scoped3A_371, %dma_start3A_501] : memref<64x128xi32, #tpu.memory_space<vmem>> -> memref<1x128xi32, #tpu.memory_space<vmem>>
        %dma_start3A_503 = tpu.memref_squeeze %dma_start3A_502 : memref<1x128xi32, #tpu.memory_space<vmem>> -> memref<128xi32, #tpu.memory_space<vmem>>
        %dma_start3A_504 = arith.constant 0 : i32
        %dma_start3A_505 = arith.constant 0 : i32
        %dma_start3A_506 = tpu.memref_slice %arg9[%dma_start3A_504, %dma_start3A_505] : memref<10752x128xf32, #tpu.memory_space<vmem_shared>> -> memref<10752x128xf32, #tpu.memory_space<vmem_shared>>
        tpu.enqueue_indirect_dma source(%arg7 : memref<128x128xf32, #tpu.memory_space<vmem>>) target(%dma_start3A_506 : memref<10752x128xf32, #tpu.memory_space<vmem_shared>>) offsets(%dma_start3A_503 : memref<128xi32, #tpu.memory_space<vmem>>) semaphore(%run_scoped3A_500 : memref<!tpu.dma_semaphore, #tpu.memory_space<semaphore_mem>>) {add = true}
        %dma_wait3A_507 = arith.constant 0 : i32
        %dma_wait3A_508 = tpu.memref_slice %arg6[%run_scoped3A_371, %dma_wait3A_507] : memref<64x128xi32, #tpu.memory_space<vmem>> -> memref<1x128xi32, #tpu.memory_space<vmem>>
        %dma_wait3A_509 = tpu.memref_squeeze %dma_wait3A_508 : memref<1x128xi32, #tpu.memory_space<vmem>> -> memref<128xi32, #tpu.memory_space<vmem>>
        %dma_wait3A_510 = arith.constant 0 : i32
        %dma_wait3A_511 = arith.constant 0 : i32
        %dma_wait3A_512 = tpu.memref_slice %arg9[%dma_wait3A_510, %dma_wait3A_511] : memref<10752x128xf32, #tpu.memory_space<vmem_shared>> -> memref<10752x128xf32, #tpu.memory_space<vmem_shared>>
        tpu.wait_indirect_dma semaphore(%run_scoped3A_500 : memref<!tpu.dma_semaphore, #tpu.memory_space<semaphore_mem>>) src(%arg7 : memref<128x128xf32, #tpu.memory_space<vmem>>) dst(%dma_wait3A_512 : memref<10752x128xf32, #tpu.memory_space<vmem_shared>>)
        tpu.yield
      }) : () -> ()
      %dma_start3A_372 = arith.constant 24 : i32
      %dma_start3A_373 = arith.constant 0 : i32
      %dma_start3A_374 = tpu.memref_slice %arg6[%dma_start3A_372, %dma_start3A_373] : memref<64x128xi32, #tpu.memory_space<vmem>> -> memref<1x128xi32, #tpu.memory_space<vmem>>
      %dma_start3A_375 = tpu.memref_squeeze %dma_start3A_374 : memref<1x128xi32, #tpu.memory_space<vmem>> -> memref<128xi32, #tpu.memory_space<vmem>>
      %dma_start3A_376 = arith.constant 0 : i32
      %dma_start3A_377 = arith.constant 0 : i32
      %dma_start3A_378 = tpu.memref_slice %arg2[%dma_start3A_376, %dma_start3A_377] : memref<20000x128xf32, #tpu.memory_space<hbm>> -> memref<20000x128xf32, #tpu.memory_space<hbm>>
      tpu.enqueue_indirect_dma source(%dma_start3A_378 : memref<20000x128xf32, #tpu.memory_space<hbm>>) target(%arg7 : memref<128x128xf32, #tpu.memory_space<vmem>>) offsets(%dma_start3A_375 : memref<128xi32, #tpu.memory_space<vmem>>) semaphore(%arg10 : memref<!tpu.dma_semaphore, #tpu.memory_space<semaphore_mem>>)
      %dma_wait3A_379 = arith.constant 23 : i32
      %dma_wait3A_380 = arith.constant 0 : i32
      %dma_wait3A_381 = tpu.memref_slice %arg6[%dma_wait3A_379, %dma_wait3A_380] : memref<64x128xi32, #tpu.memory_space<vmem>> -> memref<1x128xi32, #tpu.memory_space<vmem>>
      %dma_wait3A_382 = tpu.memref_squeeze %dma_wait3A_381 : memref<1x128xi32, #tpu.memory_space<vmem>> -> memref<128xi32, #tpu.memory_space<vmem>>
      %dma_wait3A_383 = arith.constant 0 : i32
      %dma_wait3A_384 = arith.constant 0 : i32
      %dma_wait3A_385 = tpu.memref_slice %arg2[%dma_wait3A_383, %dma_wait3A_384] : memref<20000x128xf32, #tpu.memory_space<hbm>> -> memref<20000x128xf32, #tpu.memory_space<hbm>>
      tpu.wait_indirect_dma semaphore(%arg11 : memref<!tpu.dma_semaphore, #tpu.memory_space<semaphore_mem>>) src(%dma_wait3A_385 : memref<20000x128xf32, #tpu.memory_space<hbm>>) dst(%arg8 : memref<128x128xf32, #tpu.memory_space<vmem>>)
      %run_scoped3A_386 = arith.constant 55 : i32
      "tpu.region"() ({
        %run_scoped3A_500 = tpu.sem_alloc : memref<!tpu.dma_semaphore, #tpu.memory_space<semaphore_mem>>
        %dma_start3A_501 = arith.constant 0 : i32
        %dma_start3A_502 = tpu.memref_slice %arg6[%run_scoped3A_386, %dma_start3A_501] : memref<64x128xi32, #tpu.memory_space<vmem>> -> memref<1x128xi32, #tpu.memory_space<vmem>>
        %dma_start3A_503 = tpu.memref_squeeze %dma_start3A_502 : memref<1x128xi32, #tpu.memory_space<vmem>> -> memref<128xi32, #tpu.memory_space<vmem>>
        %dma_start3A_504 = arith.constant 0 : i32
        %dma_start3A_505 = arith.constant 0 : i32
        %dma_start3A_506 = tpu.memref_slice %arg9[%dma_start3A_504, %dma_start3A_505] : memref<10752x128xf32, #tpu.memory_space<vmem_shared>> -> memref<10752x128xf32, #tpu.memory_space<vmem_shared>>
        tpu.enqueue_indirect_dma source(%arg8 : memref<128x128xf32, #tpu.memory_space<vmem>>) target(%dma_start3A_506 : memref<10752x128xf32, #tpu.memory_space<vmem_shared>>) offsets(%dma_start3A_503 : memref<128xi32, #tpu.memory_space<vmem>>) semaphore(%run_scoped3A_500 : memref<!tpu.dma_semaphore, #tpu.memory_space<semaphore_mem>>) {add = true}
        %dma_wait3A_507 = arith.constant 0 : i32
        %dma_wait3A_508 = tpu.memref_slice %arg6[%run_scoped3A_386, %dma_wait3A_507] : memref<64x128xi32, #tpu.memory_space<vmem>> -> memref<1x128xi32, #tpu.memory_space<vmem>>
        %dma_wait3A_509 = tpu.memref_squeeze %dma_wait3A_508 : memref<1x128xi32, #tpu.memory_space<vmem>> -> memref<128xi32, #tpu.memory_space<vmem>>
        %dma_wait3A_510 = arith.constant 0 : i32
        %dma_wait3A_511 = arith.constant 0 : i32
        %dma_wait3A_512 = tpu.memref_slice %arg9[%dma_wait3A_510, %dma_wait3A_511] : memref<10752x128xf32, #tpu.memory_space<vmem_shared>> -> memref<10752x128xf32, #tpu.memory_space<vmem_shared>>
        tpu.wait_indirect_dma semaphore(%run_scoped3A_500 : memref<!tpu.dma_semaphore, #tpu.memory_space<semaphore_mem>>) src(%arg8 : memref<128x128xf32, #tpu.memory_space<vmem>>) dst(%dma_wait3A_512 : memref<10752x128xf32, #tpu.memory_space<vmem_shared>>)
        tpu.yield
      }) : () -> ()
      %dma_start3A_387 = arith.constant 25 : i32
      %dma_start3A_388 = arith.constant 0 : i32
      %dma_start3A_389 = tpu.memref_slice %arg6[%dma_start3A_387, %dma_start3A_388] : memref<64x128xi32, #tpu.memory_space<vmem>> -> memref<1x128xi32, #tpu.memory_space<vmem>>
      %dma_start3A_390 = tpu.memref_squeeze %dma_start3A_389 : memref<1x128xi32, #tpu.memory_space<vmem>> -> memref<128xi32, #tpu.memory_space<vmem>>
      %dma_start3A_391 = arith.constant 0 : i32
      %dma_start3A_392 = arith.constant 0 : i32
      %dma_start3A_393 = tpu.memref_slice %arg2[%dma_start3A_391, %dma_start3A_392] : memref<20000x128xf32, #tpu.memory_space<hbm>> -> memref<20000x128xf32, #tpu.memory_space<hbm>>
      tpu.enqueue_indirect_dma source(%dma_start3A_393 : memref<20000x128xf32, #tpu.memory_space<hbm>>) target(%arg8 : memref<128x128xf32, #tpu.memory_space<vmem>>) offsets(%dma_start3A_390 : memref<128xi32, #tpu.memory_space<vmem>>) semaphore(%arg11 : memref<!tpu.dma_semaphore, #tpu.memory_space<semaphore_mem>>)
      %dma_wait3A_394 = arith.constant 24 : i32
      %dma_wait3A_395 = arith.constant 0 : i32
      %dma_wait3A_396 = tpu.memref_slice %arg6[%dma_wait3A_394, %dma_wait3A_395] : memref<64x128xi32, #tpu.memory_space<vmem>> -> memref<1x128xi32, #tpu.memory_space<vmem>>
      %dma_wait3A_397 = tpu.memref_squeeze %dma_wait3A_396 : memref<1x128xi32, #tpu.memory_space<vmem>> -> memref<128xi32, #tpu.memory_space<vmem>>
      %dma_wait3A_398 = arith.constant 0 : i32
      %dma_wait3A_399 = arith.constant 0 : i32
      %dma_wait3A_400 = tpu.memref_slice %arg2[%dma_wait3A_398, %dma_wait3A_399] : memref<20000x128xf32, #tpu.memory_space<hbm>> -> memref<20000x128xf32, #tpu.memory_space<hbm>>
      tpu.wait_indirect_dma semaphore(%arg10 : memref<!tpu.dma_semaphore, #tpu.memory_space<semaphore_mem>>) src(%dma_wait3A_400 : memref<20000x128xf32, #tpu.memory_space<hbm>>) dst(%arg7 : memref<128x128xf32, #tpu.memory_space<vmem>>)
      %run_scoped3A_401 = arith.constant 56 : i32
      "tpu.region"() ({
        %run_scoped3A_500 = tpu.sem_alloc : memref<!tpu.dma_semaphore, #tpu.memory_space<semaphore_mem>>
        %dma_start3A_501 = arith.constant 0 : i32
        %dma_start3A_502 = tpu.memref_slice %arg6[%run_scoped3A_401, %dma_start3A_501] : memref<64x128xi32, #tpu.memory_space<vmem>> -> memref<1x128xi32, #tpu.memory_space<vmem>>
        %dma_start3A_503 = tpu.memref_squeeze %dma_start3A_502 : memref<1x128xi32, #tpu.memory_space<vmem>> -> memref<128xi32, #tpu.memory_space<vmem>>
        %dma_start3A_504 = arith.constant 0 : i32
        %dma_start3A_505 = arith.constant 0 : i32
        %dma_start3A_506 = tpu.memref_slice %arg9[%dma_start3A_504, %dma_start3A_505] : memref<10752x128xf32, #tpu.memory_space<vmem_shared>> -> memref<10752x128xf32, #tpu.memory_space<vmem_shared>>
        tpu.enqueue_indirect_dma source(%arg7 : memref<128x128xf32, #tpu.memory_space<vmem>>) target(%dma_start3A_506 : memref<10752x128xf32, #tpu.memory_space<vmem_shared>>) offsets(%dma_start3A_503 : memref<128xi32, #tpu.memory_space<vmem>>) semaphore(%run_scoped3A_500 : memref<!tpu.dma_semaphore, #tpu.memory_space<semaphore_mem>>) {add = true}
        %dma_wait3A_507 = arith.constant 0 : i32
        %dma_wait3A_508 = tpu.memref_slice %arg6[%run_scoped3A_401, %dma_wait3A_507] : memref<64x128xi32, #tpu.memory_space<vmem>> -> memref<1x128xi32, #tpu.memory_space<vmem>>
        %dma_wait3A_509 = tpu.memref_squeeze %dma_wait3A_508 : memref<1x128xi32, #tpu.memory_space<vmem>> -> memref<128xi32, #tpu.memory_space<vmem>>
        %dma_wait3A_510 = arith.constant 0 : i32
        %dma_wait3A_511 = arith.constant 0 : i32
        %dma_wait3A_512 = tpu.memref_slice %arg9[%dma_wait3A_510, %dma_wait3A_511] : memref<10752x128xf32, #tpu.memory_space<vmem_shared>> -> memref<10752x128xf32, #tpu.memory_space<vmem_shared>>
        tpu.wait_indirect_dma semaphore(%run_scoped3A_500 : memref<!tpu.dma_semaphore, #tpu.memory_space<semaphore_mem>>) src(%arg7 : memref<128x128xf32, #tpu.memory_space<vmem>>) dst(%dma_wait3A_512 : memref<10752x128xf32, #tpu.memory_space<vmem_shared>>)
        tpu.yield
      }) : () -> ()
      %dma_start3A_402 = arith.constant 26 : i32
      %dma_start3A_403 = arith.constant 0 : i32
      %dma_start3A_404 = tpu.memref_slice %arg6[%dma_start3A_402, %dma_start3A_403] : memref<64x128xi32, #tpu.memory_space<vmem>> -> memref<1x128xi32, #tpu.memory_space<vmem>>
      %dma_start3A_405 = tpu.memref_squeeze %dma_start3A_404 : memref<1x128xi32, #tpu.memory_space<vmem>> -> memref<128xi32, #tpu.memory_space<vmem>>
      %dma_start3A_406 = arith.constant 0 : i32
      %dma_start3A_407 = arith.constant 0 : i32
      %dma_start3A_408 = tpu.memref_slice %arg2[%dma_start3A_406, %dma_start3A_407] : memref<20000x128xf32, #tpu.memory_space<hbm>> -> memref<20000x128xf32, #tpu.memory_space<hbm>>
      tpu.enqueue_indirect_dma source(%dma_start3A_408 : memref<20000x128xf32, #tpu.memory_space<hbm>>) target(%arg7 : memref<128x128xf32, #tpu.memory_space<vmem>>) offsets(%dma_start3A_405 : memref<128xi32, #tpu.memory_space<vmem>>) semaphore(%arg10 : memref<!tpu.dma_semaphore, #tpu.memory_space<semaphore_mem>>)
      %dma_wait3A_409 = arith.constant 25 : i32
      %dma_wait3A_410 = arith.constant 0 : i32
      %dma_wait3A_411 = tpu.memref_slice %arg6[%dma_wait3A_409, %dma_wait3A_410] : memref<64x128xi32, #tpu.memory_space<vmem>> -> memref<1x128xi32, #tpu.memory_space<vmem>>
      %dma_wait3A_412 = tpu.memref_squeeze %dma_wait3A_411 : memref<1x128xi32, #tpu.memory_space<vmem>> -> memref<128xi32, #tpu.memory_space<vmem>>
      %dma_wait3A_413 = arith.constant 0 : i32
      %dma_wait3A_414 = arith.constant 0 : i32
      %dma_wait3A_415 = tpu.memref_slice %arg2[%dma_wait3A_413, %dma_wait3A_414] : memref<20000x128xf32, #tpu.memory_space<hbm>> -> memref<20000x128xf32, #tpu.memory_space<hbm>>
      tpu.wait_indirect_dma semaphore(%arg11 : memref<!tpu.dma_semaphore, #tpu.memory_space<semaphore_mem>>) src(%dma_wait3A_415 : memref<20000x128xf32, #tpu.memory_space<hbm>>) dst(%arg8 : memref<128x128xf32, #tpu.memory_space<vmem>>)
      %run_scoped3A_416 = arith.constant 57 : i32
      "tpu.region"() ({
        %run_scoped3A_500 = tpu.sem_alloc : memref<!tpu.dma_semaphore, #tpu.memory_space<semaphore_mem>>
        %dma_start3A_501 = arith.constant 0 : i32
        %dma_start3A_502 = tpu.memref_slice %arg6[%run_scoped3A_416, %dma_start3A_501] : memref<64x128xi32, #tpu.memory_space<vmem>> -> memref<1x128xi32, #tpu.memory_space<vmem>>
        %dma_start3A_503 = tpu.memref_squeeze %dma_start3A_502 : memref<1x128xi32, #tpu.memory_space<vmem>> -> memref<128xi32, #tpu.memory_space<vmem>>
        %dma_start3A_504 = arith.constant 0 : i32
        %dma_start3A_505 = arith.constant 0 : i32
        %dma_start3A_506 = tpu.memref_slice %arg9[%dma_start3A_504, %dma_start3A_505] : memref<10752x128xf32, #tpu.memory_space<vmem_shared>> -> memref<10752x128xf32, #tpu.memory_space<vmem_shared>>
        tpu.enqueue_indirect_dma source(%arg8 : memref<128x128xf32, #tpu.memory_space<vmem>>) target(%dma_start3A_506 : memref<10752x128xf32, #tpu.memory_space<vmem_shared>>) offsets(%dma_start3A_503 : memref<128xi32, #tpu.memory_space<vmem>>) semaphore(%run_scoped3A_500 : memref<!tpu.dma_semaphore, #tpu.memory_space<semaphore_mem>>) {add = true}
        %dma_wait3A_507 = arith.constant 0 : i32
        %dma_wait3A_508 = tpu.memref_slice %arg6[%run_scoped3A_416, %dma_wait3A_507] : memref<64x128xi32, #tpu.memory_space<vmem>> -> memref<1x128xi32, #tpu.memory_space<vmem>>
        %dma_wait3A_509 = tpu.memref_squeeze %dma_wait3A_508 : memref<1x128xi32, #tpu.memory_space<vmem>> -> memref<128xi32, #tpu.memory_space<vmem>>
        %dma_wait3A_510 = arith.constant 0 : i32
        %dma_wait3A_511 = arith.constant 0 : i32
        %dma_wait3A_512 = tpu.memref_slice %arg9[%dma_wait3A_510, %dma_wait3A_511] : memref<10752x128xf32, #tpu.memory_space<vmem_shared>> -> memref<10752x128xf32, #tpu.memory_space<vmem_shared>>
        tpu.wait_indirect_dma semaphore(%run_scoped3A_500 : memref<!tpu.dma_semaphore, #tpu.memory_space<semaphore_mem>>) src(%arg8 : memref<128x128xf32, #tpu.memory_space<vmem>>) dst(%dma_wait3A_512 : memref<10752x128xf32, #tpu.memory_space<vmem_shared>>)
        tpu.yield
      }) : () -> ()
      %dma_start3A_417 = arith.constant 27 : i32
      %dma_start3A_418 = arith.constant 0 : i32
      %dma_start3A_419 = tpu.memref_slice %arg6[%dma_start3A_417, %dma_start3A_418] : memref<64x128xi32, #tpu.memory_space<vmem>> -> memref<1x128xi32, #tpu.memory_space<vmem>>
      %dma_start3A_420 = tpu.memref_squeeze %dma_start3A_419 : memref<1x128xi32, #tpu.memory_space<vmem>> -> memref<128xi32, #tpu.memory_space<vmem>>
      %dma_start3A_421 = arith.constant 0 : i32
      %dma_start3A_422 = arith.constant 0 : i32
      %dma_start3A_423 = tpu.memref_slice %arg2[%dma_start3A_421, %dma_start3A_422] : memref<20000x128xf32, #tpu.memory_space<hbm>> -> memref<20000x128xf32, #tpu.memory_space<hbm>>
      tpu.enqueue_indirect_dma source(%dma_start3A_423 : memref<20000x128xf32, #tpu.memory_space<hbm>>) target(%arg8 : memref<128x128xf32, #tpu.memory_space<vmem>>) offsets(%dma_start3A_420 : memref<128xi32, #tpu.memory_space<vmem>>) semaphore(%arg11 : memref<!tpu.dma_semaphore, #tpu.memory_space<semaphore_mem>>)
      %dma_wait3A_424 = arith.constant 26 : i32
      %dma_wait3A_425 = arith.constant 0 : i32
      %dma_wait3A_426 = tpu.memref_slice %arg6[%dma_wait3A_424, %dma_wait3A_425] : memref<64x128xi32, #tpu.memory_space<vmem>> -> memref<1x128xi32, #tpu.memory_space<vmem>>
      %dma_wait3A_427 = tpu.memref_squeeze %dma_wait3A_426 : memref<1x128xi32, #tpu.memory_space<vmem>> -> memref<128xi32, #tpu.memory_space<vmem>>
      %dma_wait3A_428 = arith.constant 0 : i32
      %dma_wait3A_429 = arith.constant 0 : i32
      %dma_wait3A_430 = tpu.memref_slice %arg2[%dma_wait3A_428, %dma_wait3A_429] : memref<20000x128xf32, #tpu.memory_space<hbm>> -> memref<20000x128xf32, #tpu.memory_space<hbm>>
      tpu.wait_indirect_dma semaphore(%arg10 : memref<!tpu.dma_semaphore, #tpu.memory_space<semaphore_mem>>) src(%dma_wait3A_430 : memref<20000x128xf32, #tpu.memory_space<hbm>>) dst(%arg7 : memref<128x128xf32, #tpu.memory_space<vmem>>)
      %run_scoped3A_431 = arith.constant 58 : i32
      "tpu.region"() ({
        %run_scoped3A_500 = tpu.sem_alloc : memref<!tpu.dma_semaphore, #tpu.memory_space<semaphore_mem>>
        %dma_start3A_501 = arith.constant 0 : i32
        %dma_start3A_502 = tpu.memref_slice %arg6[%run_scoped3A_431, %dma_start3A_501] : memref<64x128xi32, #tpu.memory_space<vmem>> -> memref<1x128xi32, #tpu.memory_space<vmem>>
        %dma_start3A_503 = tpu.memref_squeeze %dma_start3A_502 : memref<1x128xi32, #tpu.memory_space<vmem>> -> memref<128xi32, #tpu.memory_space<vmem>>
        %dma_start3A_504 = arith.constant 0 : i32
        %dma_start3A_505 = arith.constant 0 : i32
        %dma_start3A_506 = tpu.memref_slice %arg9[%dma_start3A_504, %dma_start3A_505] : memref<10752x128xf32, #tpu.memory_space<vmem_shared>> -> memref<10752x128xf32, #tpu.memory_space<vmem_shared>>
        tpu.enqueue_indirect_dma source(%arg7 : memref<128x128xf32, #tpu.memory_space<vmem>>) target(%dma_start3A_506 : memref<10752x128xf32, #tpu.memory_space<vmem_shared>>) offsets(%dma_start3A_503 : memref<128xi32, #tpu.memory_space<vmem>>) semaphore(%run_scoped3A_500 : memref<!tpu.dma_semaphore, #tpu.memory_space<semaphore_mem>>) {add = true}
        %dma_wait3A_507 = arith.constant 0 : i32
        %dma_wait3A_508 = tpu.memref_slice %arg6[%run_scoped3A_431, %dma_wait3A_507] : memref<64x128xi32, #tpu.memory_space<vmem>> -> memref<1x128xi32, #tpu.memory_space<vmem>>
        %dma_wait3A_509 = tpu.memref_squeeze %dma_wait3A_508 : memref<1x128xi32, #tpu.memory_space<vmem>> -> memref<128xi32, #tpu.memory_space<vmem>>
        %dma_wait3A_510 = arith.constant 0 : i32
        %dma_wait3A_511 = arith.constant 0 : i32
        %dma_wait3A_512 = tpu.memref_slice %arg9[%dma_wait3A_510, %dma_wait3A_511] : memref<10752x128xf32, #tpu.memory_space<vmem_shared>> -> memref<10752x128xf32, #tpu.memory_space<vmem_shared>>
        tpu.wait_indirect_dma semaphore(%run_scoped3A_500 : memref<!tpu.dma_semaphore, #tpu.memory_space<semaphore_mem>>) src(%arg7 : memref<128x128xf32, #tpu.memory_space<vmem>>) dst(%dma_wait3A_512 : memref<10752x128xf32, #tpu.memory_space<vmem_shared>>)
        tpu.yield
      }) : () -> ()
      %dma_start3A_432 = arith.constant 28 : i32
      %dma_start3A_433 = arith.constant 0 : i32
      %dma_start3A_434 = tpu.memref_slice %arg6[%dma_start3A_432, %dma_start3A_433] : memref<64x128xi32, #tpu.memory_space<vmem>> -> memref<1x128xi32, #tpu.memory_space<vmem>>
      %dma_start3A_435 = tpu.memref_squeeze %dma_start3A_434 : memref<1x128xi32, #tpu.memory_space<vmem>> -> memref<128xi32, #tpu.memory_space<vmem>>
      %dma_start3A_436 = arith.constant 0 : i32
      %dma_start3A_437 = arith.constant 0 : i32
      %dma_start3A_438 = tpu.memref_slice %arg2[%dma_start3A_436, %dma_start3A_437] : memref<20000x128xf32, #tpu.memory_space<hbm>> -> memref<20000x128xf32, #tpu.memory_space<hbm>>
      tpu.enqueue_indirect_dma source(%dma_start3A_438 : memref<20000x128xf32, #tpu.memory_space<hbm>>) target(%arg7 : memref<128x128xf32, #tpu.memory_space<vmem>>) offsets(%dma_start3A_435 : memref<128xi32, #tpu.memory_space<vmem>>) semaphore(%arg10 : memref<!tpu.dma_semaphore, #tpu.memory_space<semaphore_mem>>)
      %dma_wait3A_439 = arith.constant 27 : i32
      %dma_wait3A_440 = arith.constant 0 : i32
      %dma_wait3A_441 = tpu.memref_slice %arg6[%dma_wait3A_439, %dma_wait3A_440] : memref<64x128xi32, #tpu.memory_space<vmem>> -> memref<1x128xi32, #tpu.memory_space<vmem>>
      %dma_wait3A_442 = tpu.memref_squeeze %dma_wait3A_441 : memref<1x128xi32, #tpu.memory_space<vmem>> -> memref<128xi32, #tpu.memory_space<vmem>>
      %dma_wait3A_443 = arith.constant 0 : i32
      %dma_wait3A_444 = arith.constant 0 : i32
      %dma_wait3A_445 = tpu.memref_slice %arg2[%dma_wait3A_443, %dma_wait3A_444] : memref<20000x128xf32, #tpu.memory_space<hbm>> -> memref<20000x128xf32, #tpu.memory_space<hbm>>
      tpu.wait_indirect_dma semaphore(%arg11 : memref<!tpu.dma_semaphore, #tpu.memory_space<semaphore_mem>>) src(%dma_wait3A_445 : memref<20000x128xf32, #tpu.memory_space<hbm>>) dst(%arg8 : memref<128x128xf32, #tpu.memory_space<vmem>>)
      %run_scoped3A_446 = arith.constant 59 : i32
      "tpu.region"() ({
        %run_scoped3A_500 = tpu.sem_alloc : memref<!tpu.dma_semaphore, #tpu.memory_space<semaphore_mem>>
        %dma_start3A_501 = arith.constant 0 : i32
        %dma_start3A_502 = tpu.memref_slice %arg6[%run_scoped3A_446, %dma_start3A_501] : memref<64x128xi32, #tpu.memory_space<vmem>> -> memref<1x128xi32, #tpu.memory_space<vmem>>
        %dma_start3A_503 = tpu.memref_squeeze %dma_start3A_502 : memref<1x128xi32, #tpu.memory_space<vmem>> -> memref<128xi32, #tpu.memory_space<vmem>>
        %dma_start3A_504 = arith.constant 0 : i32
        %dma_start3A_505 = arith.constant 0 : i32
        %dma_start3A_506 = tpu.memref_slice %arg9[%dma_start3A_504, %dma_start3A_505] : memref<10752x128xf32, #tpu.memory_space<vmem_shared>> -> memref<10752x128xf32, #tpu.memory_space<vmem_shared>>
        tpu.enqueue_indirect_dma source(%arg8 : memref<128x128xf32, #tpu.memory_space<vmem>>) target(%dma_start3A_506 : memref<10752x128xf32, #tpu.memory_space<vmem_shared>>) offsets(%dma_start3A_503 : memref<128xi32, #tpu.memory_space<vmem>>) semaphore(%run_scoped3A_500 : memref<!tpu.dma_semaphore, #tpu.memory_space<semaphore_mem>>) {add = true}
        %dma_wait3A_507 = arith.constant 0 : i32
        %dma_wait3A_508 = tpu.memref_slice %arg6[%run_scoped3A_446, %dma_wait3A_507] : memref<64x128xi32, #tpu.memory_space<vmem>> -> memref<1x128xi32, #tpu.memory_space<vmem>>
        %dma_wait3A_509 = tpu.memref_squeeze %dma_wait3A_508 : memref<1x128xi32, #tpu.memory_space<vmem>> -> memref<128xi32, #tpu.memory_space<vmem>>
        %dma_wait3A_510 = arith.constant 0 : i32
        %dma_wait3A_511 = arith.constant 0 : i32
        %dma_wait3A_512 = tpu.memref_slice %arg9[%dma_wait3A_510, %dma_wait3A_511] : memref<10752x128xf32, #tpu.memory_space<vmem_shared>> -> memref<10752x128xf32, #tpu.memory_space<vmem_shared>>
        tpu.wait_indirect_dma semaphore(%run_scoped3A_500 : memref<!tpu.dma_semaphore, #tpu.memory_space<semaphore_mem>>) src(%arg8 : memref<128x128xf32, #tpu.memory_space<vmem>>) dst(%dma_wait3A_512 : memref<10752x128xf32, #tpu.memory_space<vmem_shared>>)
        tpu.yield
      }) : () -> ()
      %dma_start3A_447 = arith.constant 29 : i32
      %dma_start3A_448 = arith.constant 0 : i32
      %dma_start3A_449 = tpu.memref_slice %arg6[%dma_start3A_447, %dma_start3A_448] : memref<64x128xi32, #tpu.memory_space<vmem>> -> memref<1x128xi32, #tpu.memory_space<vmem>>
      %dma_start3A_450 = tpu.memref_squeeze %dma_start3A_449 : memref<1x128xi32, #tpu.memory_space<vmem>> -> memref<128xi32, #tpu.memory_space<vmem>>
      %dma_start3A_451 = arith.constant 0 : i32
      %dma_start3A_452 = arith.constant 0 : i32
      %dma_start3A_453 = tpu.memref_slice %arg2[%dma_start3A_451, %dma_start3A_452] : memref<20000x128xf32, #tpu.memory_space<hbm>> -> memref<20000x128xf32, #tpu.memory_space<hbm>>
      tpu.enqueue_indirect_dma source(%dma_start3A_453 : memref<20000x128xf32, #tpu.memory_space<hbm>>) target(%arg8 : memref<128x128xf32, #tpu.memory_space<vmem>>) offsets(%dma_start3A_450 : memref<128xi32, #tpu.memory_space<vmem>>) semaphore(%arg11 : memref<!tpu.dma_semaphore, #tpu.memory_space<semaphore_mem>>)
      %dma_wait3A_454 = arith.constant 28 : i32
      %dma_wait3A_455 = arith.constant 0 : i32
      %dma_wait3A_456 = tpu.memref_slice %arg6[%dma_wait3A_454, %dma_wait3A_455] : memref<64x128xi32, #tpu.memory_space<vmem>> -> memref<1x128xi32, #tpu.memory_space<vmem>>
      %dma_wait3A_457 = tpu.memref_squeeze %dma_wait3A_456 : memref<1x128xi32, #tpu.memory_space<vmem>> -> memref<128xi32, #tpu.memory_space<vmem>>
      %dma_wait3A_458 = arith.constant 0 : i32
      %dma_wait3A_459 = arith.constant 0 : i32
      %dma_wait3A_460 = tpu.memref_slice %arg2[%dma_wait3A_458, %dma_wait3A_459] : memref<20000x128xf32, #tpu.memory_space<hbm>> -> memref<20000x128xf32, #tpu.memory_space<hbm>>
      tpu.wait_indirect_dma semaphore(%arg10 : memref<!tpu.dma_semaphore, #tpu.memory_space<semaphore_mem>>) src(%dma_wait3A_460 : memref<20000x128xf32, #tpu.memory_space<hbm>>) dst(%arg7 : memref<128x128xf32, #tpu.memory_space<vmem>>)
      %run_scoped3A_461 = arith.constant 60 : i32
      "tpu.region"() ({
        %run_scoped3A_500 = tpu.sem_alloc : memref<!tpu.dma_semaphore, #tpu.memory_space<semaphore_mem>>
        %dma_start3A_501 = arith.constant 0 : i32
        %dma_start3A_502 = tpu.memref_slice %arg6[%run_scoped3A_461, %dma_start3A_501] : memref<64x128xi32, #tpu.memory_space<vmem>> -> memref<1x128xi32, #tpu.memory_space<vmem>>
        %dma_start3A_503 = tpu.memref_squeeze %dma_start3A_502 : memref<1x128xi32, #tpu.memory_space<vmem>> -> memref<128xi32, #tpu.memory_space<vmem>>
        %dma_start3A_504 = arith.constant 0 : i32
        %dma_start3A_505 = arith.constant 0 : i32
        %dma_start3A_506 = tpu.memref_slice %arg9[%dma_start3A_504, %dma_start3A_505] : memref<10752x128xf32, #tpu.memory_space<vmem_shared>> -> memref<10752x128xf32, #tpu.memory_space<vmem_shared>>
        tpu.enqueue_indirect_dma source(%arg7 : memref<128x128xf32, #tpu.memory_space<vmem>>) target(%dma_start3A_506 : memref<10752x128xf32, #tpu.memory_space<vmem_shared>>) offsets(%dma_start3A_503 : memref<128xi32, #tpu.memory_space<vmem>>) semaphore(%run_scoped3A_500 : memref<!tpu.dma_semaphore, #tpu.memory_space<semaphore_mem>>) {add = true}
        %dma_wait3A_507 = arith.constant 0 : i32
        %dma_wait3A_508 = tpu.memref_slice %arg6[%run_scoped3A_461, %dma_wait3A_507] : memref<64x128xi32, #tpu.memory_space<vmem>> -> memref<1x128xi32, #tpu.memory_space<vmem>>
        %dma_wait3A_509 = tpu.memref_squeeze %dma_wait3A_508 : memref<1x128xi32, #tpu.memory_space<vmem>> -> memref<128xi32, #tpu.memory_space<vmem>>
        %dma_wait3A_510 = arith.constant 0 : i32
        %dma_wait3A_511 = arith.constant 0 : i32
        %dma_wait3A_512 = tpu.memref_slice %arg9[%dma_wait3A_510, %dma_wait3A_511] : memref<10752x128xf32, #tpu.memory_space<vmem_shared>> -> memref<10752x128xf32, #tpu.memory_space<vmem_shared>>
        tpu.wait_indirect_dma semaphore(%run_scoped3A_500 : memref<!tpu.dma_semaphore, #tpu.memory_space<semaphore_mem>>) src(%arg7 : memref<128x128xf32, #tpu.memory_space<vmem>>) dst(%dma_wait3A_512 : memref<10752x128xf32, #tpu.memory_space<vmem_shared>>)
        tpu.yield
      }) : () -> ()
      %dma_start3A_462 = arith.constant 30 : i32
      %dma_start3A_463 = arith.constant 0 : i32
      %dma_start3A_464 = tpu.memref_slice %arg6[%dma_start3A_462, %dma_start3A_463] : memref<64x128xi32, #tpu.memory_space<vmem>> -> memref<1x128xi32, #tpu.memory_space<vmem>>
      %dma_start3A_465 = tpu.memref_squeeze %dma_start3A_464 : memref<1x128xi32, #tpu.memory_space<vmem>> -> memref<128xi32, #tpu.memory_space<vmem>>
      %dma_start3A_466 = arith.constant 0 : i32
      %dma_start3A_467 = arith.constant 0 : i32
      %dma_start3A_468 = tpu.memref_slice %arg2[%dma_start3A_466, %dma_start3A_467] : memref<20000x128xf32, #tpu.memory_space<hbm>> -> memref<20000x128xf32, #tpu.memory_space<hbm>>
      tpu.enqueue_indirect_dma source(%dma_start3A_468 : memref<20000x128xf32, #tpu.memory_space<hbm>>) target(%arg7 : memref<128x128xf32, #tpu.memory_space<vmem>>) offsets(%dma_start3A_465 : memref<128xi32, #tpu.memory_space<vmem>>) semaphore(%arg10 : memref<!tpu.dma_semaphore, #tpu.memory_space<semaphore_mem>>)
      %dma_wait3A_469 = arith.constant 29 : i32
      %dma_wait3A_470 = arith.constant 0 : i32
      %dma_wait3A_471 = tpu.memref_slice %arg6[%dma_wait3A_469, %dma_wait3A_470] : memref<64x128xi32, #tpu.memory_space<vmem>> -> memref<1x128xi32, #tpu.memory_space<vmem>>
      %dma_wait3A_472 = tpu.memref_squeeze %dma_wait3A_471 : memref<1x128xi32, #tpu.memory_space<vmem>> -> memref<128xi32, #tpu.memory_space<vmem>>
      %dma_wait3A_473 = arith.constant 0 : i32
      %dma_wait3A_474 = arith.constant 0 : i32
      %dma_wait3A_475 = tpu.memref_slice %arg2[%dma_wait3A_473, %dma_wait3A_474] : memref<20000x128xf32, #tpu.memory_space<hbm>> -> memref<20000x128xf32, #tpu.memory_space<hbm>>
      tpu.wait_indirect_dma semaphore(%arg11 : memref<!tpu.dma_semaphore, #tpu.memory_space<semaphore_mem>>) src(%dma_wait3A_475 : memref<20000x128xf32, #tpu.memory_space<hbm>>) dst(%arg8 : memref<128x128xf32, #tpu.memory_space<vmem>>)
      %run_scoped3A_476 = arith.constant 61 : i32
      "tpu.region"() ({
        %run_scoped3A_500 = tpu.sem_alloc : memref<!tpu.dma_semaphore, #tpu.memory_space<semaphore_mem>>
        %dma_start3A_501 = arith.constant 0 : i32
        %dma_start3A_502 = tpu.memref_slice %arg6[%run_scoped3A_476, %dma_start3A_501] : memref<64x128xi32, #tpu.memory_space<vmem>> -> memref<1x128xi32, #tpu.memory_space<vmem>>
        %dma_start3A_503 = tpu.memref_squeeze %dma_start3A_502 : memref<1x128xi32, #tpu.memory_space<vmem>> -> memref<128xi32, #tpu.memory_space<vmem>>
        %dma_start3A_504 = arith.constant 0 : i32
        %dma_start3A_505 = arith.constant 0 : i32
        %dma_start3A_506 = tpu.memref_slice %arg9[%dma_start3A_504, %dma_start3A_505] : memref<10752x128xf32, #tpu.memory_space<vmem_shared>> -> memref<10752x128xf32, #tpu.memory_space<vmem_shared>>
        tpu.enqueue_indirect_dma source(%arg8 : memref<128x128xf32, #tpu.memory_space<vmem>>) target(%dma_start3A_506 : memref<10752x128xf32, #tpu.memory_space<vmem_shared>>) offsets(%dma_start3A_503 : memref<128xi32, #tpu.memory_space<vmem>>) semaphore(%run_scoped3A_500 : memref<!tpu.dma_semaphore, #tpu.memory_space<semaphore_mem>>) {add = true}
        %dma_wait3A_507 = arith.constant 0 : i32
        %dma_wait3A_508 = tpu.memref_slice %arg6[%run_scoped3A_476, %dma_wait3A_507] : memref<64x128xi32, #tpu.memory_space<vmem>> -> memref<1x128xi32, #tpu.memory_space<vmem>>
        %dma_wait3A_509 = tpu.memref_squeeze %dma_wait3A_508 : memref<1x128xi32, #tpu.memory_space<vmem>> -> memref<128xi32, #tpu.memory_space<vmem>>
        %dma_wait3A_510 = arith.constant 0 : i32
        %dma_wait3A_511 = arith.constant 0 : i32
        %dma_wait3A_512 = tpu.memref_slice %arg9[%dma_wait3A_510, %dma_wait3A_511] : memref<10752x128xf32, #tpu.memory_space<vmem_shared>> -> memref<10752x128xf32, #tpu.memory_space<vmem_shared>>
        tpu.wait_indirect_dma semaphore(%run_scoped3A_500 : memref<!tpu.dma_semaphore, #tpu.memory_space<semaphore_mem>>) src(%arg8 : memref<128x128xf32, #tpu.memory_space<vmem>>) dst(%dma_wait3A_512 : memref<10752x128xf32, #tpu.memory_space<vmem_shared>>)
        tpu.yield
      }) : () -> ()
      %dma_start3A_477 = arith.constant 31 : i32
      %dma_start3A_478 = arith.constant 0 : i32
      %dma_start3A_479 = tpu.memref_slice %arg6[%dma_start3A_477, %dma_start3A_478] : memref<64x128xi32, #tpu.memory_space<vmem>> -> memref<1x128xi32, #tpu.memory_space<vmem>>
      %dma_start3A_480 = tpu.memref_squeeze %dma_start3A_479 : memref<1x128xi32, #tpu.memory_space<vmem>> -> memref<128xi32, #tpu.memory_space<vmem>>
      %dma_start3A_481 = arith.constant 0 : i32
      %dma_start3A_482 = arith.constant 0 : i32
      %dma_start3A_483 = tpu.memref_slice %arg2[%dma_start3A_481, %dma_start3A_482] : memref<20000x128xf32, #tpu.memory_space<hbm>> -> memref<20000x128xf32, #tpu.memory_space<hbm>>
      tpu.enqueue_indirect_dma source(%dma_start3A_483 : memref<20000x128xf32, #tpu.memory_space<hbm>>) target(%arg8 : memref<128x128xf32, #tpu.memory_space<vmem>>) offsets(%dma_start3A_480 : memref<128xi32, #tpu.memory_space<vmem>>) semaphore(%arg11 : memref<!tpu.dma_semaphore, #tpu.memory_space<semaphore_mem>>)
      %dma_wait3A_484 = arith.constant 30 : i32
      %dma_wait3A_485 = arith.constant 0 : i32
      %dma_wait3A_486 = tpu.memref_slice %arg6[%dma_wait3A_484, %dma_wait3A_485] : memref<64x128xi32, #tpu.memory_space<vmem>> -> memref<1x128xi32, #tpu.memory_space<vmem>>
      %dma_wait3A_487 = tpu.memref_squeeze %dma_wait3A_486 : memref<1x128xi32, #tpu.memory_space<vmem>> -> memref<128xi32, #tpu.memory_space<vmem>>
      %dma_wait3A_488 = arith.constant 0 : i32
      %dma_wait3A_489 = arith.constant 0 : i32
      %dma_wait3A_490 = tpu.memref_slice %arg2[%dma_wait3A_488, %dma_wait3A_489] : memref<20000x128xf32, #tpu.memory_space<hbm>> -> memref<20000x128xf32, #tpu.memory_space<hbm>>
      tpu.wait_indirect_dma semaphore(%arg10 : memref<!tpu.dma_semaphore, #tpu.memory_space<semaphore_mem>>) src(%dma_wait3A_490 : memref<20000x128xf32, #tpu.memory_space<hbm>>) dst(%arg7 : memref<128x128xf32, #tpu.memory_space<vmem>>)
      %run_scoped3A_491 = arith.constant 62 : i32
      "tpu.region"() ({
        %run_scoped3A_500 = tpu.sem_alloc : memref<!tpu.dma_semaphore, #tpu.memory_space<semaphore_mem>>
        %dma_start3A_501 = arith.constant 0 : i32
        %dma_start3A_502 = tpu.memref_slice %arg6[%run_scoped3A_491, %dma_start3A_501] : memref<64x128xi32, #tpu.memory_space<vmem>> -> memref<1x128xi32, #tpu.memory_space<vmem>>
        %dma_start3A_503 = tpu.memref_squeeze %dma_start3A_502 : memref<1x128xi32, #tpu.memory_space<vmem>> -> memref<128xi32, #tpu.memory_space<vmem>>
        %dma_start3A_504 = arith.constant 0 : i32
        %dma_start3A_505 = arith.constant 0 : i32
        %dma_start3A_506 = tpu.memref_slice %arg9[%dma_start3A_504, %dma_start3A_505] : memref<10752x128xf32, #tpu.memory_space<vmem_shared>> -> memref<10752x128xf32, #tpu.memory_space<vmem_shared>>
        tpu.enqueue_indirect_dma source(%arg7 : memref<128x128xf32, #tpu.memory_space<vmem>>) target(%dma_start3A_506 : memref<10752x128xf32, #tpu.memory_space<vmem_shared>>) offsets(%dma_start3A_503 : memref<128xi32, #tpu.memory_space<vmem>>) semaphore(%run_scoped3A_500 : memref<!tpu.dma_semaphore, #tpu.memory_space<semaphore_mem>>) {add = true}
        %dma_wait3A_507 = arith.constant 0 : i32
        %dma_wait3A_508 = tpu.memref_slice %arg6[%run_scoped3A_491, %dma_wait3A_507] : memref<64x128xi32, #tpu.memory_space<vmem>> -> memref<1x128xi32, #tpu.memory_space<vmem>>
        %dma_wait3A_509 = tpu.memref_squeeze %dma_wait3A_508 : memref<1x128xi32, #tpu.memory_space<vmem>> -> memref<128xi32, #tpu.memory_space<vmem>>
        %dma_wait3A_510 = arith.constant 0 : i32
        %dma_wait3A_511 = arith.constant 0 : i32
        %dma_wait3A_512 = tpu.memref_slice %arg9[%dma_wait3A_510, %dma_wait3A_511] : memref<10752x128xf32, #tpu.memory_space<vmem_shared>> -> memref<10752x128xf32, #tpu.memory_space<vmem_shared>>
        tpu.wait_indirect_dma semaphore(%run_scoped3A_500 : memref<!tpu.dma_semaphore, #tpu.memory_space<semaphore_mem>>) src(%arg7 : memref<128x128xf32, #tpu.memory_space<vmem>>) dst(%dma_wait3A_512 : memref<10752x128xf32, #tpu.memory_space<vmem_shared>>)
        tpu.yield
      }) : () -> ()
      %dma_wait3A_492 = arith.constant 31 : i32
      %dma_wait3A_493 = arith.constant 0 : i32
      %dma_wait3A_494 = tpu.memref_slice %arg6[%dma_wait3A_492, %dma_wait3A_493] : memref<64x128xi32, #tpu.memory_space<vmem>> -> memref<1x128xi32, #tpu.memory_space<vmem>>
      %dma_wait3A_495 = tpu.memref_squeeze %dma_wait3A_494 : memref<1x128xi32, #tpu.memory_space<vmem>> -> memref<128xi32, #tpu.memory_space<vmem>>
      %dma_wait3A_496 = arith.constant 0 : i32
      %dma_wait3A_497 = arith.constant 0 : i32
      %dma_wait3A_498 = tpu.memref_slice %arg2[%dma_wait3A_496, %dma_wait3A_497] : memref<20000x128xf32, #tpu.memory_space<hbm>> -> memref<20000x128xf32, #tpu.memory_space<hbm>>
      tpu.wait_indirect_dma semaphore(%arg11 : memref<!tpu.dma_semaphore, #tpu.memory_space<semaphore_mem>>) src(%dma_wait3A_498 : memref<20000x128xf32, #tpu.memory_space<hbm>>) dst(%arg8 : memref<128x128xf32, #tpu.memory_space<vmem>>)
      %run_scoped3A_499 = arith.constant 63 : i32
      "tpu.region"() ({
        %run_scoped3A_500 = tpu.sem_alloc : memref<!tpu.dma_semaphore, #tpu.memory_space<semaphore_mem>>
        %dma_start3A_501 = arith.constant 0 : i32
        %dma_start3A_502 = tpu.memref_slice %arg6[%run_scoped3A_499, %dma_start3A_501] : memref<64x128xi32, #tpu.memory_space<vmem>> -> memref<1x128xi32, #tpu.memory_space<vmem>>
        %dma_start3A_503 = tpu.memref_squeeze %dma_start3A_502 : memref<1x128xi32, #tpu.memory_space<vmem>> -> memref<128xi32, #tpu.memory_space<vmem>>
        %dma_start3A_504 = arith.constant 0 : i32
        %dma_start3A_505 = arith.constant 0 : i32
        %dma_start3A_506 = tpu.memref_slice %arg9[%dma_start3A_504, %dma_start3A_505] : memref<10752x128xf32, #tpu.memory_space<vmem_shared>> -> memref<10752x128xf32, #tpu.memory_space<vmem_shared>>
        tpu.enqueue_indirect_dma source(%arg8 : memref<128x128xf32, #tpu.memory_space<vmem>>) target(%dma_start3A_506 : memref<10752x128xf32, #tpu.memory_space<vmem_shared>>) offsets(%dma_start3A_503 : memref<128xi32, #tpu.memory_space<vmem>>) semaphore(%run_scoped3A_500 : memref<!tpu.dma_semaphore, #tpu.memory_space<semaphore_mem>>) {add = true}
        %dma_wait3A_507 = arith.constant 0 : i32
        %dma_wait3A_508 = tpu.memref_slice %arg6[%run_scoped3A_499, %dma_wait3A_507] : memref<64x128xi32, #tpu.memory_space<vmem>> -> memref<1x128xi32, #tpu.memory_space<vmem>>
        %dma_wait3A_509 = tpu.memref_squeeze %dma_wait3A_508 : memref<1x128xi32, #tpu.memory_space<vmem>> -> memref<128xi32, #tpu.memory_space<vmem>>
        %dma_wait3A_510 = arith.constant 0 : i32
        %dma_wait3A_511 = arith.constant 0 : i32
        %dma_wait3A_512 = tpu.memref_slice %arg9[%dma_wait3A_510, %dma_wait3A_511] : memref<10752x128xf32, #tpu.memory_space<vmem_shared>> -> memref<10752x128xf32, #tpu.memory_space<vmem_shared>>
        tpu.wait_indirect_dma semaphore(%run_scoped3A_500 : memref<!tpu.dma_semaphore, #tpu.memory_space<semaphore_mem>>) src(%arg8 : memref<128x128xf32, #tpu.memory_space<vmem>>) dst(%dma_wait3A_512 : memref<10752x128xf32, #tpu.memory_space<vmem_shared>>)
        tpu.yield
      }) : () -> ()
    }
    %scan3A_7 = arith.constant 5 : i32
    %barrier3A_8 = arith.constant 0 : index
    tpu.barrier barrier_id(%barrier3A_8)
    %mul3A_9 = arith.constant 624 : i32
    %mul3A_10 = arith.muli %arg1, %mul3A_9 : i32
    %mul3A_11 = arith.constant 10000 : i32
    %mul3A_12 = arith.muli %arg0, %mul3A_11 : i32
    %mul3A_13 = arith.constant 624 : i32
    %mul3A_14 = arith.muli %arg1, %mul3A_13 : i32
    %add3A_15 = arith.addi %mul3A_12, %mul3A_14 : i32
    "tpu.region"() ({
      %run_scoped3A = tpu.sem_alloc : memref<!tpu.dma_semaphore, #tpu.memory_space<semaphore_mem>>
      %dma_start3A = arith.constant 0 : i32
      %dma_start3A_18 = tpu.memref_slice %arg5[%add3A_15, %dma_start3A] : memref<20000x128xf32, #tpu.memory_space<hbm>> -> memref<624x128xf32, #tpu.memory_space<hbm>>
      %dma_start3A_19 = arith.constant 0 : i32
      %dma_start3A_20 = tpu.memref_slice %arg9[%mul3A_10, %dma_start3A_19] : memref<10752x128xf32, #tpu.memory_space<vmem_shared>> -> memref<624x128xf32, #tpu.memory_space<vmem_shared>>
      tpu.enqueue_dma source(%dma_start3A_20 : memref<624x128xf32, #tpu.memory_space<vmem_shared>>) target(%dma_start3A_18 : memref<624x128xf32, #tpu.memory_space<hbm>>) target_semaphore(%run_scoped3A : memref<!tpu.dma_semaphore, #tpu.memory_space<semaphore_mem>>)
      %dma_wait3A = arith.constant 0 : i32
      %dma_wait3A_21 = tpu.memref_slice %arg5[%add3A_15, %dma_wait3A] : memref<20000x128xf32, #tpu.memory_space<hbm>> -> memref<624x128xf32, #tpu.memory_space<hbm>>
      %dma_wait3A_22 = arith.constant 0 : i32
      %dma_wait3A_23 = tpu.memref_slice %arg9[%mul3A_10, %dma_wait3A_22] : memref<10752x128xf32, #tpu.memory_space<vmem_shared>> -> memref<624x128xf32, #tpu.memory_space<vmem_shared>>
      tpu.wait_dma2 semaphore(%run_scoped3A : memref<!tpu.dma_semaphore, #tpu.memory_space<semaphore_mem>>) src(%dma_wait3A_23 : memref<624x128xf32, #tpu.memory_space<vmem_shared>>) dst(%dma_wait3A_21 : memref<624x128xf32, #tpu.memory_space<hbm>>)
      tpu.yield
    }) : () -> ()
    %eq3A = arith.constant 15 : i32
    %eq3A_16 = arith.cmpi eq, %arg1, %eq3A : i32
    %convert_element_type3A = arith.extui %eq3A_16 : i1 to i32
    %cond3A = arith.constant 0 : i32
    %cond3A_17 = arith.cmpi ne, %convert_element_type3A, %cond3A : i32
    scf.if %cond3A_17 {
      %mul3A_18 = arith.constant 10000 : i32
      %mul3A_19 = arith.muli %arg0, %mul3A_18 : i32
      %add3A_20 = arith.constant 9984 : i32
      %add3A_21 = arith.addi %mul3A_19, %add3A_20 : i32
      "tpu.region"() ({
        %run_scoped3A = tpu.sem_alloc : memref<!tpu.dma_semaphore, #tpu.memory_space<semaphore_mem>>
        %dma_start3A = arith.constant 0 : i32
        %dma_start3A_22 = tpu.memref_slice %arg5[%add3A_21, %dma_start3A] : memref<20000x128xf32, #tpu.memory_space<hbm>> -> memref<16x128xf32, #tpu.memory_space<hbm>>
        %dma_start3A_23 = arith.constant 9984 : i32
        %dma_start3A_24 = arith.constant 0 : i32
        %dma_start3A_25 = tpu.memref_slice %arg9[%dma_start3A_23, %dma_start3A_24] : memref<10752x128xf32, #tpu.memory_space<vmem_shared>> -> memref<16x128xf32, #tpu.memory_space<vmem_shared>>
        tpu.enqueue_dma source(%dma_start3A_25 : memref<16x128xf32, #tpu.memory_space<vmem_shared>>) target(%dma_start3A_22 : memref<16x128xf32, #tpu.memory_space<hbm>>) target_semaphore(%run_scoped3A : memref<!tpu.dma_semaphore, #tpu.memory_space<semaphore_mem>>)
        %dma_wait3A = arith.constant 0 : i32
        %dma_wait3A_26 = tpu.memref_slice %arg5[%add3A_21, %dma_wait3A] : memref<20000x128xf32, #tpu.memory_space<hbm>> -> memref<16x128xf32, #tpu.memory_space<hbm>>
        %dma_wait3A_27 = arith.constant 9984 : i32
        %dma_wait3A_28 = arith.constant 0 : i32
        %dma_wait3A_29 = tpu.memref_slice %arg9[%dma_wait3A_27, %dma_wait3A_28] : memref<10752x128xf32, #tpu.memory_space<vmem_shared>> -> memref<16x128xf32, #tpu.memory_space<vmem_shared>>
        tpu.wait_dma2 semaphore(%run_scoped3A : memref<!tpu.dma_semaphore, #tpu.memory_space<semaphore_mem>>) src(%dma_wait3A_29 : memref<16x128xf32, #tpu.memory_space<vmem_shared>>) dst(%dma_wait3A_26 : memref<16x128xf32, #tpu.memory_space<hbm>>)
        tpu.yield
      }) : () -> ()
    } else {
    }
    return
  }
}

module attributes {stable_mosaic.version = 14 : i64} {
  func.func @_embed_body(%arg0: memref<20000x1xi32, #tpu.memory_space<vmem>>, %arg1: memref<2x128xf32, #tpu.memory_space<vmem>>, %arg2: memref<20000x128xf32, #tpu.memory_space<vmem>>) attributes {dimension_semantics = [], scalar_prefetch = 0 : i64, scratch_operands = 0 : i64, tpu.core_type = #tpu.core_type<tc>} {
    %get3A = arith.constant 0 : index
    %get3A_0 = arith.constant 0 : index
    %get3A_1 = vector.load %arg0[%get3A, %get3A_0] : memref<20000x1xi32, #tpu.memory_space<vmem>>, vector<20000x1xi32>
    %get3A_2 = arith.constant 0 : index
    %get3A_3 = arith.constant 0 : index
    %get3A_4 = vector.load %arg1[%get3A_2, %get3A_3] : memref<2x128xf32, #tpu.memory_space<vmem>>, vector<1x128xf32>
    %get3A_5 = arith.constant 1 : index
    %get3A_6 = arith.constant 0 : index
    %get3A_7 = vector.load %arg1[%get3A_5, %get3A_6] : memref<2x128xf32, #tpu.memory_space<vmem>>, vector<1x128xf32>
    %eq3A = arith.constant 0 : i32
    %eq3A_8 = vector.broadcast %eq3A : i32 to vector<20000x1xi32>
    %eq3A_9 = arith.cmpi eq, %get3A_1, %eq3A_8 : vector<20000x1xi32>
    %broadcast_in_dim3A = vector.shape_cast %eq3A_9 : vector<20000x1xi1> to vector<20000x1xi1>
    %broadcast_in_dim3A_10 = vector.broadcast %broadcast_in_dim3A : vector<20000x1xi1> to vector<20000x128xi1>
    %broadcast_in_dim3A_11 = vector.shape_cast %get3A_4 : vector<1x128xf32> to vector<1x128xf32>
    %broadcast_in_dim3A_12 = vector.broadcast %broadcast_in_dim3A_11 : vector<1x128xf32> to vector<20000x128xf32>
    %broadcast_in_dim3A_13 = vector.shape_cast %get3A_7 : vector<1x128xf32> to vector<1x128xf32>
    %broadcast_in_dim3A_14 = vector.broadcast %broadcast_in_dim3A_13 : vector<1x128xf32> to vector<20000x128xf32>
    %select_n3A = arith.select %broadcast_in_dim3A_10, %broadcast_in_dim3A_12, %broadcast_in_dim3A_14 : vector<20000x128xi1>, vector<20000x128xf32>
    %swap3A = arith.constant 0 : index
    %swap3A_15 = arith.constant 0 : index
    %swap3A_16 = vector.load %arg2[%swap3A, %swap3A_15] : memref<20000x128xf32, #tpu.memory_space<vmem>>, vector<20000x128xf32>
    tpu.vector_store %arg2[%swap3A, %swap3A_15], %select_n3A {strides = array<i32>} : memref<20000x128xf32, #tpu.memory_space<vmem>>, vector<20000x128xf32>,
    return
  }
}

module attributes {stable_mosaic.version = 14 : i64} {
  func.func @_layer_body(%arg0: memref<20000x128xf32, #tpu.memory_space<vmem>>, %arg1: memref<20000x128xf32, #tpu.memory_space<vmem>>, %arg2: memref<128x128xf32, #tpu.memory_space<vmem>>, %arg3: memref<128x128xf32, #tpu.memory_space<vmem>>, %arg4: memref<1x128xf32, #tpu.memory_space<vmem>>, %arg5: memref<1x128xf32, #tpu.memory_space<vmem>>, %arg6: memref<1x128xf32, #tpu.memory_space<vmem>>, %arg7: memref<1x128xf32, #tpu.memory_space<vmem>>, %arg8: memref<20000x128xf32, #tpu.memory_space<vmem>>) attributes {dimension_semantics = [], scalar_prefetch = 0 : i64, scratch_operands = 0 : i64, tpu.core_type = #tpu.core_type<tc>} {
    %get3A = arith.constant 0 : index
    %get3A_0 = arith.constant 0 : index
    %get3A_1 = vector.load %arg0[%get3A, %get3A_0] : memref<20000x128xf32, #tpu.memory_space<vmem>>, vector<20000x128xf32>
    %get3A_2 = arith.constant 0 : index
    %get3A_3 = arith.constant 0 : index
    %get3A_4 = vector.load %arg1[%get3A_2, %get3A_3] : memref<20000x128xf32, #tpu.memory_space<vmem>>, vector<20000x128xf32>
    %add3A = arith.addf %get3A_1, %get3A_4 : vector<20000x128xf32>
    %get3A_5 = arith.constant 0 : index
    %get3A_6 = arith.constant 0 : index
    %get3A_7 = vector.load %arg2[%get3A_5, %get3A_6] : memref<128x128xf32, #tpu.memory_space<vmem>>, vector<128x128xf32>
    %dot_general3A = arith.constant dense<0.000000e+00> : vector<20000x128xf32>
    %dot_general3A_8 = tpu.matmul %add3A, %get3A_7, %dot_general3A {dimension_numbers = #tpu.dot_dimension_numbers<[1], [0], [0], [1], [0, 0, 1, 1], [], []>, transpose_lhs_hint = false} : vector<20000x128xf32>, vector<128x128xf32>, vector<20000x128xf32> -> vector<20000x128xf32>
    %get3A_9 = arith.constant 0 : index
    %get3A_10 = arith.constant 0 : index
    %get3A_11 = vector.load %arg4[%get3A_9, %get3A_10] : memref<1x128xf32, #tpu.memory_space<vmem>>, vector<1x128xf32>
    %get3A_12 = arith.constant 0 : index
    %get3A_13 = arith.constant 0 : index
    %get3A_14 = vector.load %arg5[%get3A_12, %get3A_13] : memref<1x128xf32, #tpu.memory_space<vmem>>, vector<1x128xf32>
    %reduce_sum3A = arith.constant dense<0.000000e+00> : vector<128xf32>
    %reduce_sum3A_15 = vector.multi_reduction <add>, %dot_general3A_8, %reduce_sum3A [0] : vector<20000x128xf32> to vector<128xf32>
    %broadcast_in_dim3A = vector.shape_cast %reduce_sum3A_15 : vector<128xf32> to vector<1x128xf32>
    %div3A = arith.constant 2.000000e+04 : f32
    %div3A_16 = vector.broadcast %div3A : f32 to vector<1x128xf32>
    %div3A_17 = arith.divf %broadcast_in_dim3A, %div3A_16 : vector<1x128xf32>
    %sub3A = vector.broadcast %div3A_17 : vector<1x128xf32> to vector<20000x128xf32>
    %sub3A_18 = arith.subf %dot_general3A_8, %sub3A : vector<20000x128xf32>
    %sub3A_19 = vector.broadcast %div3A_17 : vector<1x128xf32> to vector<20000x128xf32>
    %sub3A_20 = arith.subf %dot_general3A_8, %sub3A_19 : vector<20000x128xf32>
    %mul3A = arith.mulf %sub3A_18, %sub3A_20 : vector<20000x128xf32>
    %reduce_sum3A_21 = arith.constant dense<0.000000e+00> : vector<128xf32>
    %reduce_sum3A_22 = vector.multi_reduction <add>, %mul3A, %reduce_sum3A_21 [0] : vector<20000x128xf32> to vector<128xf32>
    %broadcast_in_dim3A_23 = vector.shape_cast %reduce_sum3A_22 : vector<128xf32> to vector<1x128xf32>
    %div3A_24 = arith.constant 2.000000e+04 : f32
    %div3A_25 = vector.broadcast %div3A_24 : f32 to vector<1x128xf32>
    %div3A_26 = arith.divf %broadcast_in_dim3A_23, %div3A_25 : vector<1x128xf32>
    %sub3A_27 = vector.broadcast %div3A_17 : vector<1x128xf32> to vector<20000x128xf32>
    %sub3A_28 = arith.subf %dot_general3A_8, %sub3A_27 : vector<20000x128xf32>
    %mul3A_29 = vector.broadcast %get3A_11 : vector<1x128xf32> to vector<20000x128xf32>
    %mul3A_30 = arith.mulf %mul3A_29, %sub3A_28 : vector<20000x128xf32>
    %add3A_31 = arith.constant 9.99999974E-6 : f32
    %add3A_32 = vector.broadcast %add3A_31 : f32 to vector<1x128xf32>
    %add3A_33 = arith.addf %div3A_26, %add3A_32 : vector<1x128xf32>
    %sqrt3A = math.sqrt %add3A_33 : vector<1x128xf32>
    %div3A_34 = vector.broadcast %sqrt3A : vector<1x128xf32> to vector<20000x128xf32>
    %div3A_35 = arith.divf %mul3A_30, %div3A_34 : vector<20000x128xf32>
    %add3A_36 = vector.broadcast %get3A_14 : vector<1x128xf32> to vector<20000x128xf32>
    %add3A_37 = arith.addf %div3A_35, %add3A_36 : vector<20000x128xf32>
    %max3A = arith.constant 0.000000e+00 : f32
    %max3A_38 = vector.broadcast %max3A : f32 to vector<20000x128xf32>
    %max3A_39 = arith.maximumf %add3A_37, %max3A_38 : vector<20000x128xf32>
    %get3A_40 = arith.constant 0 : index
    %get3A_41 = arith.constant 0 : index
    %get3A_42 = vector.load %arg3[%get3A_40, %get3A_41] : memref<128x128xf32, #tpu.memory_space<vmem>>, vector<128x128xf32>
    %dot_general3A_43 = arith.constant dense<0.000000e+00> : vector<20000x128xf32>
    %dot_general3A_44 = tpu.matmul %max3A_39, %get3A_42, %dot_general3A_43 {dimension_numbers = #tpu.dot_dimension_numbers<[1], [0], [0], [1], [0, 0, 1, 1], [], []>, transpose_lhs_hint = false} : vector<20000x128xf32>, vector<128x128xf32>, vector<20000x128xf32> -> vector<20000x128xf32>
    %get3A_45 = arith.constant 0 : index
    %get3A_46 = arith.constant 0 : index
    %get3A_47 = vector.load %arg6[%get3A_45, %get3A_46] : memref<1x128xf32, #tpu.memory_space<vmem>>, vector<1x128xf32>
    %get3A_48 = arith.constant 0 : index
    %get3A_49 = arith.constant 0 : index
    %get3A_50 = vector.load %arg7[%get3A_48, %get3A_49] : memref<1x128xf32, #tpu.memory_space<vmem>>, vector<1x128xf32>
    %reduce_sum3A_51 = arith.constant dense<0.000000e+00> : vector<128xf32>
    %reduce_sum3A_52 = vector.multi_reduction <add>, %dot_general3A_44, %reduce_sum3A_51 [0] : vector<20000x128xf32> to vector<128xf32>
    %broadcast_in_dim3A_53 = vector.shape_cast %reduce_sum3A_52 : vector<128xf32> to vector<1x128xf32>
    %div3A_54 = arith.constant 2.000000e+04 : f32
    %div3A_55 = vector.broadcast %div3A_54 : f32 to vector<1x128xf32>
    %div3A_56 = arith.divf %broadcast_in_dim3A_53, %div3A_55 : vector<1x128xf32>
    %sub3A_57 = vector.broadcast %div3A_56 : vector<1x128xf32> to vector<20000x128xf32>
    %sub3A_58 = arith.subf %dot_general3A_44, %sub3A_57 : vector<20000x128xf32>
    %sub3A_59 = vector.broadcast %div3A_56 : vector<1x128xf32> to vector<20000x128xf32>
    %sub3A_60 = arith.subf %dot_general3A_44, %sub3A_59 : vector<20000x128xf32>
    %mul3A_61 = arith.mulf %sub3A_58, %sub3A_60 : vector<20000x128xf32>
    %reduce_sum3A_62 = arith.constant dense<0.000000e+00> : vector<128xf32>
    %reduce_sum3A_63 = vector.multi_reduction <add>, %mul3A_61, %reduce_sum3A_62 [0] : vector<20000x128xf32> to vector<128xf32>
    %broadcast_in_dim3A_64 = vector.shape_cast %reduce_sum3A_63 : vector<128xf32> to vector<1x128xf32>
    %div3A_65 = arith.constant 2.000000e+04 : f32
    %div3A_66 = vector.broadcast %div3A_65 : f32 to vector<1x128xf32>
    %div3A_67 = arith.divf %broadcast_in_dim3A_64, %div3A_66 : vector<1x128xf32>
    %sub3A_68 = vector.broadcast %div3A_56 : vector<1x128xf32> to vector<20000x128xf32>
    %sub3A_69 = arith.subf %dot_general3A_44, %sub3A_68 : vector<20000x128xf32>
    %mul3A_70 = vector.broadcast %get3A_47 : vector<1x128xf32> to vector<20000x128xf32>
    %mul3A_71 = arith.mulf %mul3A_70, %sub3A_69 : vector<20000x128xf32>
    %add3A_72 = arith.constant 9.99999974E-6 : f32
    %add3A_73 = vector.broadcast %add3A_72 : f32 to vector<1x128xf32>
    %add3A_74 = arith.addf %div3A_67, %add3A_73 : vector<1x128xf32>
    %sqrt3A_75 = math.sqrt %add3A_74 : vector<1x128xf32>
    %div3A_76 = vector.broadcast %sqrt3A_75 : vector<1x128xf32> to vector<20000x128xf32>
    %div3A_77 = arith.divf %mul3A_71, %div3A_76 : vector<20000x128xf32>
    %add3A_78 = vector.broadcast %get3A_50 : vector<1x128xf32> to vector<20000x128xf32>
    %add3A_79 = arith.addf %div3A_77, %add3A_78 : vector<20000x128xf32>
    %max3A_80 = arith.constant 0.000000e+00 : f32
    %max3A_81 = vector.broadcast %max3A_80 : f32 to vector<20000x128xf32>
    %max3A_82 = arith.maximumf %add3A_79, %max3A_81 : vector<20000x128xf32>
    %swap3A = arith.constant 0 : index
    %swap3A_83 = arith.constant 0 : index
    %swap3A_84 = vector.load %arg8[%swap3A, %swap3A_83] : memref<20000x128xf32, #tpu.memory_space<vmem>>, vector<20000x128xf32>
    tpu.vector_store %arg8[%swap3A, %swap3A_83], %max3A_82 {strides = array<i32>} : memref<20000x128xf32, #tpu.memory_space<vmem>>, vector<20000x128xf32>,
    return
  }
}

module attributes {stable_mosaic.version = 14 : i64} {
  func.func @_final_body(%arg0: memref<20000x128xf32, #tpu.memory_space<vmem>>, %arg1: memref<20000x128xf32, #tpu.memory_space<vmem>>, %arg2: memref<20000x128xf32, #tpu.memory_space<vmem>>, %arg3: memref<128x128xf32, #tpu.memory_space<vmem>>, %arg4: memref<128x128xf32, #tpu.memory_space<vmem>>, %arg5: memref<128x128xf32, #tpu.memory_space<vmem>>, %arg6: memref<1x128xf32, #tpu.memory_space<vmem>>, %arg7: memref<1x128xf32, #tpu.memory_space<vmem>>, %arg8: memref<1x1xf32, #tpu.memory_space<vmem>>, %arg9: memref<20000x1xf32, #tpu.memory_space<vmem>>, %arg10: memref<2x1xf32, #tpu.memory_space<vmem>>) attributes {dimension_semantics = [], scalar_prefetch = 0 : i64, scratch_operands = 0 : i64, tpu.core_type = #tpu.core_type<tc>} {
    %get3A = arith.constant 0 : index
    %get3A_0 = arith.constant 0 : index
    %get3A_1 = vector.load %arg0[%get3A, %get3A_0] : memref<20000x128xf32, #tpu.memory_space<vmem>>, vector<20000x128xf32>
    %get3A_2 = arith.constant 0 : index
    %get3A_3 = arith.constant 0 : index
    %get3A_4 = vector.load %arg3[%get3A_2, %get3A_3] : memref<128x128xf32, #tpu.memory_space<vmem>>, vector<128x128xf32>
    %dot_general3A = arith.constant dense<0.000000e+00> : vector<20000x128xf32>
    %dot_general3A_5 = tpu.matmul %get3A_1, %get3A_4, %dot_general3A {dimension_numbers = #tpu.dot_dimension_numbers<[1], [0], [0], [1], [0, 0, 1, 1], [], []>, transpose_lhs_hint = false} : vector<20000x128xf32>, vector<128x128xf32>, vector<20000x128xf32> -> vector<20000x128xf32>
    %get3A_6 = arith.constant 0 : index
    %get3A_7 = arith.constant 0 : index
    %get3A_8 = vector.load %arg1[%get3A_6, %get3A_7] : memref<20000x128xf32, #tpu.memory_space<vmem>>, vector<20000x128xf32>
    %get3A_9 = arith.constant 0 : index
    %get3A_10 = arith.constant 0 : index
    %get3A_11 = vector.load %arg4[%get3A_9, %get3A_10] : memref<128x128xf32, #tpu.memory_space<vmem>>, vector<128x128xf32>
    %dot_general3A_12 = arith.constant dense<0.000000e+00> : vector<20000x128xf32>
    %dot_general3A_13 = tpu.matmul %get3A_8, %get3A_11, %dot_general3A_12 {dimension_numbers = #tpu.dot_dimension_numbers<[1], [0], [0], [1], [0, 0, 1, 1], [], []>, transpose_lhs_hint = false} : vector<20000x128xf32>, vector<128x128xf32>, vector<20000x128xf32> -> vector<20000x128xf32>
    %add3A = arith.addf %dot_general3A_5, %dot_general3A_13 : vector<20000x128xf32>
    %get3A_14 = arith.constant 0 : index
    %get3A_15 = arith.constant 0 : index
    %get3A_16 = vector.load %arg2[%get3A_14, %get3A_15] : memref<20000x128xf32, #tpu.memory_space<vmem>>, vector<20000x128xf32>
    %get3A_17 = arith.constant 0 : index
    %get3A_18 = arith.constant 0 : index
    %get3A_19 = vector.load %arg5[%get3A_17, %get3A_18] : memref<128x128xf32, #tpu.memory_space<vmem>>, vector<128x128xf32>
    %dot_general3A_20 = arith.constant dense<0.000000e+00> : vector<20000x128xf32>
    %dot_general3A_21 = tpu.matmul %get3A_16, %get3A_19, %dot_general3A_20 {dimension_numbers = #tpu.dot_dimension_numbers<[1], [0], [0], [1], [0, 0, 1, 1], [], []>, transpose_lhs_hint = false} : vector<20000x128xf32>, vector<128x128xf32>, vector<20000x128xf32> -> vector<20000x128xf32>
    %add3A_22 = arith.addf %add3A, %dot_general3A_21 : vector<20000x128xf32>
    %get3A_23 = arith.constant 0 : index
    %get3A_24 = arith.constant 0 : index
    %get3A_25 = vector.load %arg6[%get3A_23, %get3A_24] : memref<1x128xf32, #tpu.memory_space<vmem>>, vector<1x128xf32>
    %add3A_26 = vector.broadcast %get3A_25 : vector<1x128xf32> to vector<20000x128xf32>
    %add3A_27 = arith.addf %add3A_22, %add3A_26 : vector<20000x128xf32>
    %max3A = arith.constant 0.000000e+00 : f32
    %max3A_28 = vector.broadcast %max3A : f32 to vector<20000x128xf32>
    %max3A_29 = arith.maximumf %add3A_27, %max3A_28 : vector<20000x128xf32>
    %get3A_30 = arith.constant 0 : index
    %get3A_31 = arith.constant 0 : index
    %get3A_32 = vector.load %arg7[%get3A_30, %get3A_31] : memref<1x128xf32, #tpu.memory_space<vmem>>, vector<1x128xf32>
    %mul3A = vector.broadcast %get3A_32 : vector<1x128xf32> to vector<20000x128xf32>
    %mul3A_33 = arith.mulf %max3A_29, %mul3A : vector<20000x128xf32>
    %reduce_sum3A = arith.constant dense<0.000000e+00> : vector<20000xf32>
    %reduce_sum3A_34 = vector.multi_reduction <add>, %mul3A_33, %reduce_sum3A [1] : vector<20000x128xf32> to vector<20000xf32>
    %broadcast_in_dim3A = vector.shape_cast %reduce_sum3A_34 : vector<20000xf32> to vector<20000x1xf32>
    %get3A_35 = arith.constant 0 : index
    %get3A_36 = arith.constant 0 : index
    %get3A_37 = vector.load %arg8[%get3A_35, %get3A_36] : memref<1x1xf32, #tpu.memory_space<vmem>>, vector<1x1xf32>
    %add3A_38 = vector.broadcast %get3A_37 : vector<1x1xf32> to vector<20000x1xf32>
    %add3A_39 = arith.addf %broadcast_in_dim3A, %add3A_38 : vector<20000x1xf32>
    %swap3A = arith.constant 0 : index
    %swap3A_40 = arith.constant 0 : index
    %swap3A_41 = vector.load %arg9[%swap3A, %swap3A_40] : memref<20000x1xf32, #tpu.memory_space<vmem>>, vector<20000x1xf32>
    tpu.vector_store %arg9[%swap3A, %swap3A_40], %add3A_39 {strides = array<i32>} : memref<20000x1xf32, #tpu.memory_space<vmem>>, vector<20000x1xf32>,
    %reshape3A = vector.shape_cast %add3A_39 : vector<20000x1xf32> to vector<2x10000xf32>
    %reduce_max3A = arith.constant dense<0xFF800000> : vector<2xf32>
    %reduce_max3A_42 = vector.multi_reduction <maximumf>, %reshape3A, %reduce_max3A [1] : vector<2x10000xf32> to vector<2xf32>
    %broadcast_in_dim3A_43 = vector.shape_cast %reduce_max3A_42 : vector<2xf32> to vector<2x1xf32>
    %swap3A_44 = arith.constant 0 : index
    %swap3A_45 = arith.constant 0 : index
    %swap3A_46 = vector.load %arg10[%swap3A_44, %swap3A_45] : memref<2x1xf32, #tpu.memory_space<vmem>>, vector<2x1xf32>
    tpu.vector_store %arg10[%swap3A_44, %swap3A_45], %broadcast_in_dim3A_43 {strides = array<i32>} : memref<2x1xf32, #tpu.memory_space<vmem>>, vector<2x1xf32>,
    return
  }
}

</mosaic_0001>

<sc_bundles>
// kernel: closed_call.11.cloned.1.call-start
scs
__scs_entry_jumppad:
0x0: {  	(pc) =	sbr.rel $0x88, $3  }
0x1: {  	(tag) =	ssettag $0x0;
	lr =	simm.s32 $0x1  }
0x2: {  	[smem:$0x3F8E] =	sst lr;
	_ =	strace $0xD0000000  }
0x3: {  	_ = 	snop  }
0x4: {  	_ = 	snop  }
0x5: {  	_ = 	snop  }
0x6: {  	_ = 	snop  }
0x7: {  	_ = 	snop  }
__scs_overlays_trampoline_lowered:
0x8: {  	[smem:$0x3F9D] =	sst s0  }
0x9: {  	[smem:$0x3F9E] =	sst s1  }
0xa: {  	[smem:$0x3F9F] =	sst s2  }
0xb: {  	[smem:$0x3FA0] =	sst s3  }
0xc: {  	[smem:$0x3FA1] =	sst s4  }
0xd: {  	[smem:$0x3FA2] =	sst s5  }
0xe: {  	[smem:$0x3FA3] =	sst s6  }
0xf: {  	[smem:$0x3FA4] =	sst s7  }
0x10: {  	[smem:$0x3FA5] =	sst s8  }
0x11: {  	[smem:$0x3FA6] =	sst s9;
	s0 =	simm.s32 @!p0 $0x0  }
0x12: {  	s1 =	sld [smem:$0x3F8C];
	s0 =	simm.s32 @p0 $0x1  }
0x13: {  	[smem:$0x3FA7] =	sst s0;
	s0 =	simm.s32 @!p1 $0x0  }
0x14: {  	s2 =	sld [smem:$0x3F8B];
	s0 =	simm.s32 @p1 $0x1  }
0x15: {  	[smem:$0x3FA8] =	sst s0;
	s0 =	simm.s32 @!p2 $0x0  }
0x16: {  	s3 =	sld [smem:$0x3FDB];
	s0 =	simm.s32 @p2 $0x1  }
0x17: {  	s4 =	simm.s32 $0x1BF5;
	[smem:$0x3FAA] =	sst s0  }
0x18: {  	s0 =	sld [smem:$0x3F8D];
	_ =	swait.ge [sflag:s4], $0x0  }
0x19: {  	s7 =	sld [smem:$0x3F8E]  }
0x1a: {  	s8 =	sadd.s32 $0xFFFFE003, lr  }
0x1b: {  	s9 =	sadd.s32 $0xFFFFFEF7, lr;
	s5 =	simm.s32 $0xFFFFFFFF;
	p2 =	slt.u32 s8, $0xFFFFF086  }
0x1c: {  	p1 =	slt.u32 s9, $0xF7A;
	s5 =	simm.s32 @!p2 $0x0  }
0x1d: {  	s5 =	simm.s32 @p1 $0x1;
	p0 =	seq.s32 s7, s2  }
0x1e: {  	s7 =	smul.u32 @!p0 $0xF7A, s2;
	p2 =	seq.s32 @!p0 s5, $0x0  }
0x1f: {  	s9 =	smul.u32 $0xF7A, s1;
	s8 =	simm.s32 @!p0 $0x1BF5;
	p2 =	por !p2, p0  }
0x20: {  	[sflag:s8] =	ssyncset.s32 @!p0 $0xFFFFF086;
	s6 =	sadd.s32 @!p0 s3, s7;
	s7 =	simm.s32 @!p0 $0x108  }
0x21: {  	s3 =	sadd.s32 s3, s9;
	s6 =	sadd.s32 @!p0 $0x88, s6;
	s7 =	simm.s32 @p2 $0x1082  }
0x22: {  	[simem:s7], [sflag:s8] =	dma.local @!p0 [hbm:s6], $0xF7A  }
0x23: {  	s9 =	sor.u32 $0xD0000000, s2;
	s6 =	simm.s32 $0x108;
	_ =	swait.ge @!p0 [sflag:s8], $0x0  }
0x24: {  	s3 =	sadd.s32 $0x88, s3;
	s6 =	simm.s32 @!p1 $0x1082;
	[sflag:s4] =	ssyncset.s32 $0xFFFFF086  }
0x25: {  	[simem:s6], [sflag:s4] =	dma.local [hbm:s3], $0xF7A  }
0x26: {  	[smem:$0x3F8E] =	sst s1;
	(tag) =	ssettag s2;
	_ =	strace s9  }
0x27: {  	s1 =	sld [smem:$0x3F9E]  }
0x28: {  	s2 =	sld [smem:$0x3F9F]  }
0x29: {  	s4 =	sld [smem:$0x3FA1]  }
0x2a: {  	p0 =	seq.s32 s5, $0x0;
	s5 =	sld [smem:$0x3FA2]  }
0x2b: {  	s6 =	sld [smem:$0x3FA3]  }
0x2c: {  	s7 =	sld [smem:$0x3FA4]  }
0x2d: {  	s3 =	simm.s32 $0x108;
	s8 =	sld [smem:$0x3FA5]  }
0x2e: {  	s3 =	simm.s32 @!p0 $0x1082;
	s9 =	sld [smem:$0x3FA6]  }
0x2f: {  	lr =	sadd.s32 s0, s3;
	s0 =	sld [smem:$0x3F9D]  }
0x30: {  	s3 =	sld [smem:$0x3FA0]  }
0x31: {  	[smem:$0x3FA9] =	sst s10  }
0x32: {  	s10 =	sld [smem:$0x3FA7];
	_ =	sdelay $0x3  }
0x33: {  	p0 =	seq.s32 s10, $0x1;
	s10 =	sld [smem:$0x3FA9];
	_ =	sdelay $0x3  }
0x34: {  	[smem:$0x3FA9] =	sst s10  }
0x35: {  	s10 =	sld [smem:$0x3FA8];
	_ =	sdelay $0x3  }
0x36: {  	p1 =	seq.s32 s10, $0x1;
	s10 =	sld [smem:$0x3FA9];
	_ =	sdelay $0x3  }
0x37: {  	[smem:$0x3FA9] =	sst s10  }
0x38: {  	s10 =	sld [smem:$0x3FAA]  }
0x39: {  	_ = 	snop;
	(pc) =	sbr.ind lr, $3  }
0x3a: {  	_ = 	snop  }
0x3b: {  	_ = 	snop  }
0x3c: {  	p2 =	seq.s32 s10, $0x1;
	s10 =	sld [smem:$0x3FA9]  }
0x3d: {  	_ =	shalt  }
0x3e: {  	_ =	shalt  }
0x3f: {  	_ =	shalt  }
0x40: {  	_ =	shalt  }
0x41: {  	_ =	shalt  }
0x42: {  	_ =	shalt  }
0x43: {  	_ =	shalt  }
0x44: {  	_ =	shalt  }
0x45: {  	_ =	shalt  }
0x46: {  	_ =	shalt  }
0x47: {  	_ =	shalt  }
0x48: {  	_ =	shalt  }
0x49: {  	_ =	shalt  }
0x4a: {  	_ =	shalt  }
0x4b: {  	_ =	shalt  }
0x4c: {  	_ =	shalt  }
0x4d: {  	_ =	shalt  }
0x4e: {  	_ =	shalt  }
0x4f: {  	_ =	shalt  }
0x50: {  	_ =	shalt  }
0x51: {  	_ =	shalt  }
0x52: {  	_ =	shalt  }
0x53: {  	_ =	shalt  }
0x54: {  	_ =	shalt  }
0x55: {  	_ =	shalt  }
0x56: {  	_ =	shalt  }
0x57: {  	_ =	shalt  }
0x58: {  	_ =	shalt  }
0x59: {  	_ =	shalt  }
0x5a: {  	_ =	shalt  }
0x5b: {  	_ =	shalt  }
0x5c: {  	_ =	shalt  }
0x5d: {  	_ =	shalt  }
0x5e: {  	_ =	shalt  }
0x5f: {  	_ =	shalt  }
0x60: {  	_ =	shalt  }
0x61: {  	_ =	shalt  }
0x62: {  	_ =	shalt  }
0x63: {  	_ =	shalt  }
0x64: {  	_ =	shalt  }
0x65: {  	_ =	shalt  }
0x66: {  	_ =	shalt  }
0x67: {  	_ =	shalt  }
0x68: {  	_ =	shalt  }
0x69: {  	_ =	shalt  }
0x6a: {  	_ =	shalt  }
0x6b: {  	_ =	shalt  }
0x6c: {  	_ =	shalt  }
0x6d: {  	_ =	shalt  }
0x6e: {  	_ =	shalt  }
0x6f: {  	_ =	shalt  }
0x70: {  	_ =	shalt  }
0x71: {  	_ =	shalt  }
0x72: {  	_ =	shalt  }
0x73: {  	_ =	shalt  }
0x74: {  	_ =	shalt  }
0x75: {  	_ =	shalt  }
0x76: {  	_ =	shalt  }
0x77: {  	_ =	shalt  }
0x78: {  	_ =	shalt  }
0x79: {  	_ =	shalt  }
0x7a: {  	_ =	shalt  }
0x7b: {  	_ =	shalt  }
0x7c: {  	_ =	shalt  }
0x7d: {  	_ =	shalt  }
0x7e: {  	_ =	shalt  }
0x7f: {  	_ =	shalt  }
0x80: {  	_ =	shalt  }
0x81: {  	_ =	shalt  }
0x82: {  	_ =	shalt  }
0x83: {  	_ =	shalt  }
0x84: {  	_ =	shalt  }
0x85: {  	_ =	shalt  }
0x86: {  	_ =	shalt  }
0x87: {  	_ =	shalt  }
.Lfunc_end0:
.L_simem_size_0:
called_computation_lowered:
.L_overlay_start_0:
0x88: {  	s2 =	sld [smem:$0x3FD9]  }
0x89: {  	s3 =	sld [smem:$0x3FFE];
	_ =	sdelay $0x1  }
0x8a: {  	s1 =	srdreg.scid  }
0x8b: {  	s0 =	sand.u32 $0x1, s1  }
0x8c: {  	s16 =	sshll.u32 s0, $0xA;
	s2 =	sadd.s32 s3, s2  }
0x8d: {  	s2 =	sadd.s32 s2, s16  }
0x8e: {  	[smem:$0x3FB5] =	sst s2  }
0x8f: {  	_ = 	snop  }
0x90: {  	(tm) =	ssettm $0x1  }
0x91: {  	s17 =	sld [smem:$0x3FFB];
	_ =	sdelay $0x3  }
0x92: {  	_ =	strace s17  }
0x93: {  	s2 =	sld [smem:$0x3FFC];
	_ =	sdelay $0x3  }
0x94: {  	_ =	strace s2  }
0x95: {  	s2 =	sld [smem:$0x3FFD];
	_ =	sdelay $0x3  }
0x96: {  	_ =	strace s2  }
0x97: {  	_ =	strace $0x8FFFFFFF  }
0x98: {  	s18 =	sld [smem:$0x3FDB];
	_ =	sdelay $0x1  }
0x99: {  	s19 =	simm.s32 $_scs_section_size  }
0x9a: {  	s4 =	simm.s32 $_size__tile_overlayer_lowered;
	s5 =	simm.s32 $_tile_overlayer_lowered  }
0x9b: {  	s22 =	simm.s32 $0x1BFF;
	s21 =	sshll.u32 s5, $0x1;
	s2 =	sadd.s32 s19, s18  }
0x9c: {  	s6 =	simm.s32 $0x0;
	s20 =	sshll.u32 s4, $0x1;
	s4 =	sadd.s32 s21, s2  }
0x9d: {  	[timem:s6], [sflag:s22] =	dma.local [hbm:s4], s20  }
0x9e: {  	_ =	swait.ge [sflag:s22], s20  }
0x9f: {  	s3 =	ssub.s32 $0x0, s20;
	[sflag:s22] =	ssyncset.done $0x0  }
0xa0: {  	[sflag:s22] =	ssyncadd.s32 s3;
	_ =	sdelay $0x1  }
0xa1: {  	s23 =	simm.s32 $0x1B8B  }
0xa2: {  	_ =	swait.ge [sflag:s23], $0x1  }
0xa3: {  	[sflag:s23] =	ssyncset.done $0x0  }
0xa4: {  	s25 =	simm.s32 $0x1B8E;
	s24 =	sld [smem:$0x3FFE];
	[sflag:s23] =	ssyncadd.s32 $0xFFFFFFFF  }
0xa5: {  	s26 =	simm.s32 $execute0_lowered;
	[smem:$0x3FD2] =	sst s25  }
0xa6: {  	s4 =	sshll.u32 s26, $0x1;
	_ =	strace $0x80000046;
	[dreg:$0x1] =	wrdreg $0xFFFFFFFF  }
0xa7: {  	s28 =	simm.s32 $_size_execute0_lowered;
	s2 =	sadd.s32 s2, s4;
	[dreg:$0x0] =	wrdreg $0x0  }
0xa8: {  	s4 =	sshll.u32 s28, $0x1;
	[dreg:$0x2] =	wrdreg s2  }
0xa9: {  	[dreg:$0x3] =	wrdreg s4  }
0xaa: {  	[dreg:$0x4] =	wrdreg $0xC0  }
0xab: {  	_ =	task [dreg:s6], $0x5FFFF  }
0xac: {  	[dreg:$0x1] =	wrdreg $0xFFFFFFFF  }
0xad: {  	[dreg:$0x0] =	wrdreg $0x60  }
0xae: {  	[dreg:$0x2] =	wrdreg s24  }
0xaf: {  	[dreg:$0x3] =	wrdreg $0xA0000  }
0xb0: {  	[dreg:$0x4] =	wrdreg $0x9  }
0xb1: {  	_ =	task.clear_ibuf [dreg:s6], $0x5FFFF;
	_ =	strace $0x90000046  }
0xb2: {  	s29 =	simm.s32 $0x9;
	_ =	strace $0x80000048  }
0xb3: {  	_ =	swait.ge [sflag:s29], $0x1  }
0xb4: {  	[sflag:s29] =	ssyncadd.s32 $0xFFFFFFFF  }
0xb5: {  	_ =	strace $0x90000048  }
0xb6: {  	_ =	sfence  }
0xb7: {  	s30 =	sld [smem:$0x0];
	_ =	sdelay $0x2  }
0xb8: {  	s31 =	sshll.u32 s1, $0xD;
	s1 =	sshrl.u32 s1, $0x2  }
0xb9: {  	s3 =	sand.u32 $0x4000, s31;
	s1 =	sadd.s32 s1, s30  }
0xba: {  	s0 =	sor.u32 s3, s0;
	s1 =	sshll.u32 s1, $0x11  }
0xbb: {  	s0 =	sor.u32 s1, s0  }
0xbc: {  	s0 =	sadd.s32 $0x8F2B, s0  }
0xbd: {  	[sflag:s0] =	ssyncadd.remote.s32 $0x1  }
0xbe: {  	_ =	sfence.sel $0xFFFF  }
0xbf: {  	[dreg:$0x0] =	wrdreg $0xFFFFFFFF;
	(pc) =	sbr.abs _section_cstart, $3  }
0xc0: {  	[dreg:$0x1] =	wrdreg $0xFFFFFFFF  }
0xc1: {  	_ =	task.clear_ibuf [dreg:s6], $0x2FFFF;
	_ =	strace $0x9FFFFFFF  }
0xc2: {  	(tm) =	ssettm $0x7FFFFFFF  }
0xc3: {  	_ =	shalt  }
tec
execute0_lowered:
.L_overlay_start_1:
0x0: {  	(tag) =	ssettag $0x1  }
0x1: {  	s0 =	srdreg.scid;
	s17 =	stileid.u32  }
0x2: {  	s0 =	sand.u32 $0x1, s0;
	s3 =	smul.u32 $0xA000, s17  }
0x3: {  	s1 =	smul.u32 $0xA0000, s0  }
0x4: {  	s5 =	rddreg [dreg:$0x0]  }
0x5: {  	s2 =	rddreg [dreg:$0x1];
	s1 =	sadd.s32 s3, s1;
	s3 =	simm.s32 $0x0  }
0x6: {  	s7 =	simm.s32 $0x1000;
	[smem:$0x7FF] =	sst s3  }
0x7: {  	s8 =	simm.s32 $0x100;
	_ =	strace $0x80000047;
	[dreg:$0x4] =	wrdreg s7  }
0x8: {  	s9 =	simm.s32 $0x1080;
	[dreg:$0x5] =	wrdreg s8  }
0x9: {  	s10 =	simm.s32 $0x180;
	[dreg:$0x6] =	wrdreg s9  }
0xa: {  	s11 =	simm.s32 $0x1100;
	[dreg:$0x7] =	wrdreg s10  }
0xb: {  	s12 =	simm.s32 $0x200;
	[dreg:$0x8] =	wrdreg s11  }
0xc: {  	s13 =	simm.s32 $0x1180;
	[dreg:$0x9] =	wrdreg s12  }
0xd: {  	s14 =	simm.s32 $0x280;
	[dreg:$0xa] =	wrdreg s13  }
0xe: {  	s15 =	simm.s32 $0x1200;
	[dreg:$0xb] =	wrdreg s14  }
0xf: {  	s16 =	simm.s32 $0x300;
	[dreg:$0xc] =	wrdreg s15  }
0x10: {  	s18 =	simm.s32 $0x1280;
	[dreg:$0xd] =	wrdreg s16  }
0x11: {  	s19 =	simm.s32 $0x380;
	[dreg:$0xe] =	wrdreg s18  }
0x12: {  	s6 =	sadd.s32 $0x165800, s5;
	[dreg:$0xf] =	wrdreg s19  }
0x13: {  	s20 =	simm.s32 $0x1300;
	[smem:$0x7E7] =	sst s6  }
0x14: {  	s21 =	simm.s32 $0x400;
	[dreg:$0x10] =	wrdreg s20  }
0x15: {  	s22 =	simm.s32 $0x1380;
	[dreg:$0x11] =	wrdreg s21  }
0x16: {  	s24 =	simm.s32 $0x480;
	s25 =	simm.s32 $0x1400;
	[dreg:$0x12] =	wrdreg s22  }
0x17: {  	s26 =	simm.s32 $0x500;
	s28 =	simm.s32 $0xD80;
	[dreg:$0x13] =	wrdreg s24  }
0x18: {  	s29 =	simm.s32 $0x1D00;
	s30 =	simm.s32 $0xE00;
	[dreg:$0x14] =	wrdreg s25  }
0x19: {  	s31 =	simm.s32 $0x1D80;
	[dreg:$0x15] =	wrdreg s26;
	s10 =	simm.s32 $0x580  }
0x1a: {  	s4 =	sadd.s32 $0x117600, s5;
	s11 =	simm.s32 $0x1500;
	[dreg:$0x17] =	wrdreg s10  }
0x1b: {  	p0 =	sne.s32 s17, $0xF;
	s13 =	simm.s32 $0x600;
	[dreg:$0x18] =	wrdreg s11  }
0x1c: {  	s23 =	ssub.s32 $0x2, s0;
	s14 =	simm.s32 $0x1580;
	[dreg:$0x19] =	wrdreg s13  }
0x1d: {  	s1 =	sshrl.u32 s1, $0x3;
	s15 =	simm.s32 $0x680;
	[dreg:$0x1a] =	wrdreg s14  }
0x1e: {  	s1 =	sadd.s32 s1, s5;
	s18 =	simm.s32 $0x1600;
	[dreg:$0x1b] =	wrdreg s15  }
0x1f: {  	s5 =	sadd.s32 $0x168200, s5;
	s20 =	simm.s32 $0x700;
	[dreg:$0x1c] =	wrdreg s18  }
0x20: {  	s7 =	sshrl.u32 s23, $0x1;
	s21 =	simm.s32 $0x1680;
	[dreg:$0x1d] =	wrdreg s20  }
0x21: {  	s8 =	smul.u32 $0x54000, s17;
	s22 =	simm.s32 $0x780;
	[dreg:$0x1e] =	wrdreg s21  }
0x22: {  	s12 =	sshll.u32 s17, $0x6;
	s25 =	simm.s32 $0x800;
	[dreg:$0x1f] =	wrdreg s22  }
0x23: {  	s19 =	smul.u32 $0x27100, s0;
	s26 =	simm.s32 $0x1780;
	[smem:$0x7EA] =	sst s25  }
0x24: {  	s0 =	smul.u32 $0x138800, s0;
	s1 =	sadd.s32 $0xEF600, s1;
	[smem:$0x7EB] =	sst s26  }
0x25: {  	s6 =	ssub.s32 s23, s7;
	s7 =	simm.s32 $0x1480;
	[dreg:$0x3] =	wrdreg s1  }
0x26: {  	s24 =	sor.u32 $0x1C03, s12;
	s23 =	simm.s32 $0x1700;
	[dreg:$0x16] =	wrdreg s7  }
0x27: {  	s10 =	smul.u32 $0x2700, s17;
	s11 =	simm.s32 $0x1800;
	[smem:$0x7E9] =	sst s23  }
0x28: {  	s12 =	simm.s32 $0x900;
	s13 =	simm.s32 $0x1880;
	[smem:$0x7ED] =	sst s11  }
0x29: {  	s15 =	simm.s32 $0x980;
	s18 =	simm.s32 $0x1900;
	[smem:$0x7EF] =	sst s12  }
0x2a: {  	s20 =	simm.s32 $0x1980;
	s21 =	simm.s32 $0xA80;
	[smem:$0x7F1] =	sst s13  }
0x2b: {  	s22 =	simm.s32 $0x1A00;
	s25 =	simm.s32 $0x1A80;
	[smem:$0x7F3] =	sst s15  }
0x2c: {  	s9 =	sshrl.u32 s8, $0x2;
	s0 =	sshrl.u32 s0, $0x3;
	[smem:$0x7F4] =	sst s18  }
0x2d: {  	s14 =	smax.u32 s6, $0x1;
	s11 =	simm.s32 $0x3;
	[smem:$0x7F6] =	sst s20  }
0x2e: {  	s12 =	simm.s32 $0x80;
	s13 =	simm.s32 $0x2000;
	[smem:$0x7F7] =	sst s21  }
0x2f: {  	s15 =	simm.s32 $0x1;
	[smem:$0x7F8] =	sst s22;
	s23 =	simm.s32 $0xB00  }
0x30: {  	[smem:$0x7FA] =	sst s25;
	s18 =	simm.s32 $0x1B00;
	s20 =	simm.s32 $0x1B80  }
0x31: {  	s21 =	simm.s32 $0xC80;
	s22 =	simm.s32 $0x1C00;
	s1 =	simm.s32 $0xE80  }
0x32: {  	s25 =	simm.s32 $0x0;
	[smem:$0x7FD] =	sst s24;
	s7 =	sadd.s32 s9, s2  }
0x33: {  	s9 =	smul.u32 $0x4E000, s17;
	s0 =	sadd.s32 s5, s0;
	[smem:$0x7F0] =	sst s14  }
0x34: {  	s14 =	simm.s32 $0x6000;
	[smem:$0x7F9] =	sst s23;
	s23 =	simm.s32 $0xD00  }
0x35: {  	s0 =	sadd.s32 $0x27000, s0;
	s16 =	sshrl.u32 s9, $0x2;
	s9 =	sadd.s32 s10, s19  }
0x36: {  	s10 =	simm.s32 $0x880;
	[smem:$0x7EE] =	sst s0;
	s19 =	simm.s32 $0xA00  }
0x37: {  	s8 =	sadd.s32 s16, s2;
	s9 =	sadd.s32 s5, s9;
	[smem:$0x7EC] =	sst s10  }
0x38: {  	s16 =	sshrl.u32 s7, $0x3;
	[smem:$0x7F5] =	sst s19;
	s19 =	simm.s32 $0xC00  }
0x39: {  	s5 =	simm.s32 $0xF00;
	s7 =	simm.s32 $0x1E80;
	[smem:$0x7E8] =	sst s9  }
0x3a: {  	s10 =	simm.s32 $0x1F80;
	s9 =	sadd.s32 $0x138000, s2;
	[smem:$0x7F2] =	sst s16  }
0x3b: {  	s16 =	simm.s32 $0x2;
	s26 =	sshrl.u32 s8, $0x3;
	s8 =	simm.s32 $0xF80  }
0x3c: {  	[smem:$0x7FB] =	sst s26;
	s0 =	sshrl.u32 @!p0 s9, $0x3;
	s26 =	simm.s32 $0x1C80  }
0x3d: {  	s9 =	simm.s32 $0x1F00;
	[smem:$0x7FC] =	sst s0;
	s0 =	simm.s32 $0x1E00  }
.LBB2_1:
0x3e: {  	s6 =	sld [smem:$0x7E7]  }
0x3f: {  	s17 =	sld [smem:$0x7F2];
	_ =	sdelay $0x1  }
0x40: {  	[smem:$0x7E6] =	sst s25  }
0x41: {  	[spmem:s17], [sflag:s24] =	dma.local [hbm:s6], $0x2A00  }
0x42: {  	_ =	swait.ge [sflag:s11], $0x2A00  }
0x43: {  	[sflag:s11] =	ssyncset.done $0x0  }
0x44: {  	[sflag:s11] =	ssyncadd.s32 $0xFFFFD600  }
0x45: {  	[bflag:$0x0] =	sbarrier.arrive $0xFFFF  }
0x46: {  	s17 =	rddreg [dreg:$0x3]  }
0x47: {  	s6 =	sadd.s32 $0x0, s17  }
0x48: {  	[tilespmem:s3], [sflag:$0x3] =	stream.linear.gather [hbm4b:s6+s3], $0x2000, $0x38;
	[tilespmem:$0x1F000] =	vst v63  }
0x49: {  	_ =	swait.ge [sflag:s11], $0x2000  }
0x4a: {  	[sflag:s11] =	ssyncset.done $0x0  }
0x4b: {  	[sflag:s11] =	ssyncadd.s32 $0xFFFFE000  }
0x4c: {  	[tilespmem:s13], [sflag:$0x1] =	stream.indirect.gather [hbm4b:s4+s12], $0x80, s3, s12, $0xb8;
	[tilespmem:$0x1F000] =	vst v63  }
0x4d: {  	_ = 	snop  }
0x4e: {  	[tilespmem:s14], [sflag:$0x2] =	stream.indirect.gather [hbm4b:s4+s12], $0x80, s12, s12, $0xb8;
	[tilespmem:$0x1F000] =	vst v63  }
0x4f: {  	_ =	swait.ge [sflag:s15], $0x4000  }
0x50: {  	[sflag:s15] =	ssyncset.done $0x0  }
0x51: {  	s24 =	rddreg [dreg:$0x4];
	[sflag:s15] =	ssyncadd.s32 $0xFFFFC000  }
0x52: {  	[spmem:s2] =	stream.indirect.scatter.add.f32 [tilespmem:s13], [sflag:$0x3], $0x80, s24, s12, $0xb8;
	[tilespmem:$0x1F000] =	vst v63  }
0x53: {  	_ =	swait.ge [sflag:s11], $0x4000  }
0x54: {  	[sflag:s11] =	ssyncset.done $0x0  }
0x55: {  	s25 =	rddreg [dreg:$0x5];
	[sflag:s11] =	ssyncadd.s32 $0xFFFFC000  }
0x56: {  	[tilespmem:s13], [sflag:$0x1] =	stream.indirect.gather [hbm4b:s4+s12], $0x80, s25, s12, $0xb8;
	[tilespmem:$0x1F000] =	vst v63  }
0x57: {  	_ =	swait.ge [sflag:s16], $0x4000  }
0x58: {  	[sflag:s16] =	ssyncset.done $0x0  }
0x59: {  	s17 =	rddreg [dreg:$0x6];
	[sflag:s16] =	ssyncadd.s32 $0xFFFFC000  }
0x5a: {  	[spmem:s2] =	stream.indirect.scatter.add.f32 [tilespmem:s14], [sflag:$0x3], $0x80, s17, s12, $0xb8;
	[tilespmem:$0x1F000] =	vst v63  }
0x5b: {  	_ =	swait.ge [sflag:s11], $0x4000  }
0x5c: {  	[sflag:s11] =	ssyncset.done $0x0  }
0x5d: {  	s24 =	rddreg [dreg:$0x7];
	[sflag:s11] =	ssyncadd.s32 $0xFFFFC000  }
0x5e: {  	[tilespmem:s14], [sflag:$0x2] =	stream.indirect.gather [hbm4b:s4+s12], $0x80, s24, s12, $0xb8;
	[tilespmem:$0x1F000] =	vst v63  }
0x5f: {  	_ =	swait.ge [sflag:s15], $0x4000  }
0x60: {  	[sflag:s15] =	ssyncset.done $0x0  }
0x61: {  	s25 =	rddreg [dreg:$0x8];
	[sflag:s15] =	ssyncadd.s32 $0xFFFFC000  }
0x62: {  	[spmem:s2] =	stream.indirect.scatter.add.f32 [tilespmem:s13], [sflag:$0x3], $0x80, s25, s12, $0xb8;
	[tilespmem:$0x1F000] =	vst v63  }
0x63: {  	_ =	swait.ge [sflag:s11], $0x4000  }
0x64: {  	[sflag:s11] =	ssyncset.done $0x0  }
0x65: {  	s17 =	rddreg [dreg:$0x9];
	[sflag:s11] =	ssyncadd.s32 $0xFFFFC000  }
0x66: {  	[tilespmem:s13], [sflag:$0x1] =	stream.indirect.gather [hbm4b:s4+s12], $0x80, s17, s12, $0xb8;
	[tilespmem:$0x1F000] =	vst v63  }
0x67: {  	_ =	swait.ge [sflag:s16], $0x4000  }
0x68: {  	[sflag:s16] =	ssyncset.done $0x0  }
0x69: {  	s24 =	rddreg [dreg:$0xa];
	[sflag:s16] =	ssyncadd.s32 $0xFFFFC000  }
0x6a: {  	[spmem:s2] =	stream.indirect.scatter.add.f32 [tilespmem:s14], [sflag:$0x3], $0x80, s24, s12, $0xb8;
	[tilespmem:$0x1F000] =	vst v63  }
0x6b: {  	_ =	swait.ge [sflag:s11], $0x4000  }
0x6c: {  	[sflag:s11] =	ssyncset.done $0x0  }
0x6d: {  	s25 =	rddreg [dreg:$0xb];
	[sflag:s11] =	ssyncadd.s32 $0xFFFFC000  }
0x6e: {  	[tilespmem:s14], [sflag:$0x2] =	stream.indirect.gather [hbm4b:s4+s12], $0x80, s25, s12, $0xb8;
	[tilespmem:$0x1F000] =	vst v63  }
0x6f: {  	_ =	swait.ge [sflag:s15], $0x4000  }
0x70: {  	[sflag:s15] =	ssyncset.done $0x0  }
0x71: {  	s17 =	rddreg [dreg:$0xc];
	[sflag:s15] =	ssyncadd.s32 $0xFFFFC000  }
0x72: {  	[spmem:s2] =	stream.indirect.scatter.add.f32 [tilespmem:s13], [sflag:$0x3], $0x80, s17, s12, $0xb8;
	[tilespmem:$0x1F000] =	vst v63  }
0x73: {  	_ =	swait.ge [sflag:s11], $0x4000  }
0x74: {  	[sflag:s11] =	ssyncset.done $0x0  }
0x75: {  	s24 =	rddreg [dreg:$0xd];
	[sflag:s11] =	ssyncadd.s32 $0xFFFFC000  }
0x76: {  	[tilespmem:s13], [sflag:$0x1] =	stream.indirect.gather [hbm4b:s4+s12], $0x80, s24, s12, $0xb8;
	[tilespmem:$0x1F000] =	vst v63  }
0x77: {  	_ =	swait.ge [sflag:s16], $0x4000  }
0x78: {  	[sflag:s16] =	ssyncset.done $0x0  }
0x79: {  	s25 =	rddreg [dreg:$0xe];
	[sflag:s16] =	ssyncadd.s32 $0xFFFFC000  }
0x7a: {  	[spmem:s2] =	stream.indirect.scatter.add.f32 [tilespmem:s14], [sflag:$0x3], $0x80, s25, s12, $0xb8;
	[tilespmem:$0x1F000] =	vst v63  }
0x7b: {  	_ =	swait.ge [sflag:s11], $0x4000  }
0x7c: {  	[sflag:s11] =	ssyncset.done $0x0  }
0x7d: {  	s17 =	rddreg [dreg:$0xf];
	[sflag:s11] =	ssyncadd.s32 $0xFFFFC000  }
0x7e: {  	[tilespmem:s14], [sflag:$0x2] =	stream.indirect.gather [hbm4b:s4+s12], $0x80, s17, s12, $0xb8;
	[tilespmem:$0x1F000] =	vst v63  }
0x7f: {  	_ =	swait.ge [sflag:s15], $0x4000  }
0x80: {  	[sflag:s15] =	ssyncset.done $0x0  }
0x81: {  	s24 =	rddreg [dreg:$0x10];
	[sflag:s15] =	ssyncadd.s32 $0xFFFFC000  }
0x82: {  	[spmem:s2] =	stream.indirect.scatter.add.f32 [tilespmem:s13], [sflag:$0x3], $0x80, s24, s12, $0xb8;
	[tilespmem:$0x1F000] =	vst v63  }
0x83: {  	_ =	swait.ge [sflag:s11], $0x4000  }
0x84: {  	[sflag:s11] =	ssyncset.done $0x0  }
0x85: {  	s25 =	rddreg [dreg:$0x11];
	[sflag:s11] =	ssyncadd.s32 $0xFFFFC000  }
0x86: {  	[tilespmem:s13], [sflag:$0x1] =	stream.indirect.gather [hbm4b:s4+s12], $0x80, s25, s12, $0xb8;
	[tilespmem:$0x1F000] =	vst v63  }
0x87: {  	_ =	swait.ge [sflag:s16], $0x4000  }
0x88: {  	[sflag:s16] =	ssyncset.done $0x0  }
0x89: {  	s17 =	rddreg [dreg:$0x12];
	[sflag:s16] =	ssyncadd.s32 $0xFFFFC000  }
0x8a: {  	[spmem:s2] =	stream.indirect.scatter.add.f32 [tilespmem:s14], [sflag:$0x3], $0x80, s17, s12, $0xb8;
	[tilespmem:$0x1F000] =	vst v63  }
0x8b: {  	_ =	swait.ge [sflag:s11], $0x4000  }
0x8c: {  	[sflag:s11] =	ssyncset.done $0x0  }
0x8d: {  	s24 =	rddreg [dreg:$0x13];
	[sflag:s11] =	ssyncadd.s32 $0xFFFFC000  }
0x8e: {  	[tilespmem:s14], [sflag:$0x2] =	stream.indirect.gather [hbm4b:s4+s12], $0x80, s24, s12, $0xb8;
	[tilespmem:$0x1F000] =	vst v63  }
0x8f: {  	_ =	swait.ge [sflag:s15], $0x4000  }
0x90: {  	[sflag:s15] =	ssyncset.done $0x0  }
0x91: {  	s25 =	rddreg [dreg:$0x14];
	[sflag:s15] =	ssyncadd.s32 $0xFFFFC000  }
0x92: {  	[spmem:s2] =	stream.indirect.scatter.add.f32 [tilespmem:s13], [sflag:$0x3], $0x80, s25, s12, $0xb8;
	[tilespmem:$0x1F000] =	vst v63  }
0x93: {  	_ =	swait.ge [sflag:s11], $0x4000  }
0x94: {  	[sflag:s11] =	ssyncset.done $0x0  }
0x95: {  	s17 =	rddreg [dreg:$0x15];
	[sflag:s11] =	ssyncadd.s32 $0xFFFFC000  }
0x96: {  	[tilespmem:s13], [sflag:$0x1] =	stream.indirect.gather [hbm4b:s4+s12], $0x80, s17, s12, $0xb8;
	[tilespmem:$0x1F000] =	vst v63  }
0x97: {  	_ =	swait.ge [sflag:s16], $0x4000  }
0x98: {  	[sflag:s16] =	ssyncset.done $0x0  }
0x99: {  	s24 =	rddreg [dreg:$0x16];
	[sflag:s16] =	ssyncadd.s32 $0xFFFFC000  }
0x9a: {  	[spmem:s2] =	stream.indirect.scatter.add.f32 [tilespmem:s14], [sflag:$0x3], $0x80, s24, s12, $0xb8;
	[tilespmem:$0x1F000] =	vst v63  }
0x9b: {  	_ =	swait.ge [sflag:s11], $0x4000  }
0x9c: {  	[sflag:s11] =	ssyncset.done $0x0  }
0x9d: {  	s25 =	rddreg [dreg:$0x17];
	[sflag:s11] =	ssyncadd.s32 $0xFFFFC000  }
0x9e: {  	[tilespmem:s14], [sflag:$0x2] =	stream.indirect.gather [hbm4b:s4+s12], $0x80, s25, s12, $0xb8;
	[tilespmem:$0x1F000] =	vst v63  }
0x9f: {  	_ =	swait.ge [sflag:s15], $0x4000  }
0xa0: {  	[sflag:s15] =	ssyncset.done $0x0  }
0xa1: {  	s17 =	rddreg [dreg:$0x18];
	[sflag:s15] =	ssyncadd.s32 $0xFFFFC000  }
0xa2: {  	[spmem:s2] =	stream.indirect.scatter.add.f32 [tilespmem:s13], [sflag:$0x3], $0x80, s17, s12, $0xb8;
	[tilespmem:$0x1F000] =	vst v63  }
0xa3: {  	_ =	swait.ge [sflag:s11], $0x4000  }
0xa4: {  	[sflag:s11] =	ssyncset.done $0x0  }
0xa5: {  	s24 =	rddreg [dreg:$0x19];
	[sflag:s11] =	ssyncadd.s32 $0xFFFFC000  }
0xa6: {  	[tilespmem:s13], [sflag:$0x1] =	stream.indirect.gather [hbm4b:s4+s12], $0x80, s24, s12, $0xb8;
	[tilespmem:$0x1F000] =	vst v63  }
0xa7: {  	_ =	swait.ge [sflag:s16], $0x4000  }
0xa8: {  	[sflag:s16] =	ssyncset.done $0x0  }
0xa9: {  	s25 =	rddreg [dreg:$0x1a];
	[sflag:s16] =	ssyncadd.s32 $0xFFFFC000  }
0xaa: {  	[spmem:s2] =	stream.indirect.scatter.add.f32 [tilespmem:s14], [sflag:$0x3], $0x80, s25, s12, $0xb8;
	[tilespmem:$0x1F000] =	vst v63  }
0xab: {  	_ =	swait.ge [sflag:s11], $0x4000  }
0xac: {  	[sflag:s11] =	ssyncset.done $0x0  }
0xad: {  	s17 =	rddreg [dreg:$0x1b];
	[sflag:s11] =	ssyncadd.s32 $0xFFFFC000  }
0xae: {  	[tilespmem:s14], [sflag:$0x2] =	stream.indirect.gather [hbm4b:s4+s12], $0x80, s17, s12, $0xb8;
	[tilespmem:$0x1F000] =	vst v63  }
0xaf: {  	_ =	swait.ge [sflag:s15], $0x4000  }
0xb0: {  	[sflag:s15] =	ssyncset.done $0x0  }
0xb1: {  	s24 =	rddreg [dreg:$0x1c];
	[sflag:s15] =	ssyncadd.s32 $0xFFFFC000  }
0xb2: {  	[spmem:s2] =	stream.indirect.scatter.add.f32 [tilespmem:s13], [sflag:$0x3], $0x80, s24, s12, $0xb8;
	[tilespmem:$0x1F000] =	vst v63  }
0xb3: {  	_ =	swait.ge [sflag:s11], $0x4000  }
0xb4: {  	[sflag:s11] =	ssyncset.done $0x0  }
0xb5: {  	s25 =	rddreg [dreg:$0x1d];
	[sflag:s11] =	ssyncadd.s32 $0xFFFFC000  }
0xb6: {  	[tilespmem:s13], [sflag:$0x1] =	stream.indirect.gather [hbm4b:s4+s12], $0x80, s25, s12, $0xb8;
	[tilespmem:$0x1F000] =	vst v63  }
0xb7: {  	_ =	swait.ge [sflag:s16], $0x4000  }
0xb8: {  	[sflag:s16] =	ssyncset.done $0x0  }
0xb9: {  	s17 =	rddreg [dreg:$0x1e];
	[sflag:s16] =	ssyncadd.s32 $0xFFFFC000  }
0xba: {  	[spmem:s2] =	stream.indirect.scatter.add.f32 [tilespmem:s14], [sflag:$0x3], $0x80, s17, s12, $0xb8;
	[tilespmem:$0x1F000] =	vst v63  }
0xbb: {  	_ =	swait.ge [sflag:s11], $0x4000  }
0xbc: {  	[sflag:s11] =	ssyncset.done $0x0  }
0xbd: {  	s24 =	rddreg [dreg:$0x1f];
	[sflag:s11] =	ssyncadd.s32 $0xFFFFC000  }
0xbe: {  	[tilespmem:s14], [sflag:$0x2] =	stream.indirect.gather [hbm4b:s4+s12], $0x80, s24, s12, $0xb8;
	[tilespmem:$0x1F000] =	vst v63  }
0xbf: {  	_ =	swait.ge [sflag:s15], $0x4000  }
0xc0: {  	s25 =	sld [smem:$0x7E9]  }
0xc1: {  	[sflag:s15] =	ssyncset.done $0x0  }
0xc2: {  	[sflag:s15] =	ssyncadd.s32 $0xFFFFC000  }
0xc3: {  	[spmem:s2] =	stream.indirect.scatter.add.f32 [tilespmem:s13], [sflag:$0x3], $0x80, s25, s12, $0xb8;
	[tilespmem:$0x1F000] =	vst v63  }
0xc4: {  	_ =	swait.ge [sflag:s11], $0x4000  }
0xc5: {  	s17 =	sld [smem:$0x7EA]  }
0xc6: {  	[sflag:s11] =	ssyncset.done $0x0  }
0xc7: {  	[sflag:s11] =	ssyncadd.s32 $0xFFFFC000  }
0xc8: {  	[tilespmem:s13], [sflag:$0x1] =	stream.indirect.gather [hbm4b:s4+s12], $0x80, s17, s12, $0xb8;
	[tilespmem:$0x1F000] =	vst v63  }
0xc9: {  	_ =	swait.ge [sflag:s16], $0x4000  }
0xca: {  	s24 =	sld [smem:$0x7EB]  }
0xcb: {  	[sflag:s16] =	ssyncset.done $0x0  }
0xcc: {  	[sflag:s16] =	ssyncadd.s32 $0xFFFFC000  }
0xcd: {  	[spmem:s2] =	stream.indirect.scatter.add.f32 [tilespmem:s14], [sflag:$0x3], $0x80, s24, s12, $0xb8;
	[tilespmem:$0x1F000] =	vst v63  }
0xce: {  	_ =	swait.ge [sflag:s11], $0x4000  }
0xcf: {  	s25 =	sld [smem:$0x7EC]  }
0xd0: {  	[sflag:s11] =	ssyncset.done $0x0  }
0xd1: {  	[sflag:s11] =	ssyncadd.s32 $0xFFFFC000  }
0xd2: {  	[tilespmem:s14], [sflag:$0x2] =	stream.indirect.gather [hbm4b:s4+s12], $0x80, s25, s12, $0xb8;
	[tilespmem:$0x1F000] =	vst v63  }
0xd3: {  	_ =	swait.ge [sflag:s15], $0x4000  }
0xd4: {  	s17 =	sld [smem:$0x7ED]  }
0xd5: {  	[sflag:s15] =	ssyncset.done $0x0  }
0xd6: {  	[sflag:s15] =	ssyncadd.s32 $0xFFFFC000  }
0xd7: {  	[spmem:s2] =	stream.indirect.scatter.add.f32 [tilespmem:s13], [sflag:$0x3], $0x80, s17, s12, $0xb8;
	[tilespmem:$0x1F000] =	vst v63  }
0xd8: {  	_ =	swait.ge [sflag:s11], $0x4000  }
0xd9: {  	s24 =	sld [smem:$0x7EF]  }
0xda: {  	[sflag:s11] =	ssyncset.done $0x0  }
0xdb: {  	[sflag:s11] =	ssyncadd.s32 $0xFFFFC000  }
0xdc: {  	[tilespmem:s13], [sflag:$0x1] =	stream.indirect.gather [hbm4b:s4+s12], $0x80, s24, s12, $0xb8;
	[tilespmem:$0x1F000] =	vst v63  }
0xdd: {  	_ =	swait.ge [sflag:s16], $0x4000  }
0xde: {  	s25 =	sld [smem:$0x7F1]  }
0xdf: {  	[sflag:s16] =	ssyncset.done $0x0  }
0xe0: {  	[sflag:s16] =	ssyncadd.s32 $0xFFFFC000  }
0xe1: {  	[spmem:s2] =	stream.indirect.scatter.add.f32 [tilespmem:s14], [sflag:$0x3], $0x80, s25, s12, $0xb8;
	[tilespmem:$0x1F000] =	vst v63  }
0xe2: {  	_ =	swait.ge [sflag:s11], $0x4000  }
0xe3: {  	s17 =	sld [smem:$0x7F3]  }
0xe4: {  	[sflag:s11] =	ssyncset.done $0x0  }
0xe5: {  	[sflag:s11] =	ssyncadd.s32 $0xFFFFC000  }
0xe6: {  	[tilespmem:s14], [sflag:$0x2] =	stream.indirect.gather [hbm4b:s4+s12], $0x80, s17, s12, $0xb8;
	[tilespmem:$0x1F000] =	vst v63  }
0xe7: {  	_ =	swait.ge [sflag:s15], $0x4000  }
0xe8: {  	s24 =	sld [smem:$0x7F4]  }
0xe9: {  	[sflag:s15] =	ssyncset.done $0x0  }
0xea: {  	[sflag:s15] =	ssyncadd.s32 $0xFFFFC000  }
0xeb: {  	[spmem:s2] =	stream.indirect.scatter.add.f32 [tilespmem:s13], [sflag:$0x3], $0x80, s24, s12, $0xb8;
	[tilespmem:$0x1F000] =	vst v63  }
0xec: {  	_ =	swait.ge [sflag:s11], $0x4000  }
0xed: {  	s25 =	sld [smem:$0x7F5]  }
0xee: {  	[sflag:s11] =	ssyncset.done $0x0  }
0xef: {  	[sflag:s11] =	ssyncadd.s32 $0xFFFFC000  }
0xf0: {  	[tilespmem:s13], [sflag:$0x1] =	stream.indirect.gather [hbm4b:s4+s12], $0x80, s25, s12, $0xb8;
	[tilespmem:$0x1F000] =	vst v63  }
0xf1: {  	_ =	swait.ge [sflag:s16], $0x4000  }
0xf2: {  	s17 =	sld [smem:$0x7F6]  }
0xf3: {  	[sflag:s16] =	ssyncset.done $0x0  }
0xf4: {  	[sflag:s16] =	ssyncadd.s32 $0xFFFFC000  }
0xf5: {  	[spmem:s2] =	stream.indirect.scatter.add.f32 [tilespmem:s14], [sflag:$0x3], $0x80, s17, s12, $0xb8;
	[tilespmem:$0x1F000] =	vst v63  }
0xf6: {  	_ =	swait.ge [sflag:s11], $0x4000  }
0xf7: {  	s24 =	sld [smem:$0x7F7]  }
0xf8: {  	[sflag:s11] =	ssyncset.done $0x0  }
0xf9: {  	[sflag:s11] =	ssyncadd.s32 $0xFFFFC000  }
0xfa: {  	[tilespmem:s14], [sflag:$0x2] =	stream.indirect.gather [hbm4b:s4+s12], $0x80, s24, s12, $0xb8;
	[tilespmem:$0x1F000] =	vst v63  }
0xfb: {  	_ =	swait.ge [sflag:s15], $0x4000  }
0xfc: {  	s25 =	sld [smem:$0x7F8]  }
0xfd: {  	[sflag:s15] =	ssyncset.done $0x0  }
0xfe: {  	[sflag:s15] =	ssyncadd.s32 $0xFFFFC000  }
0xff: {  	[spmem:s2] =	stream.indirect.scatter.add.f32 [tilespmem:s13], [sflag:$0x3], $0x80, s25, s12, $0xb8;
	[tilespmem:$0x1F000] =	vst v63  }
0x100: {  	_ =	swait.ge [sflag:s11], $0x4000  }
0x101: {  	s17 =	sld [smem:$0x7F9]  }
0x102: {  	[sflag:s11] =	ssyncset.done $0x0  }
0x103: {  	[sflag:s11] =	ssyncadd.s32 $0xFFFFC000  }
0x104: {  	[tilespmem:s13], [sflag:$0x1] =	stream.indirect.gather [hbm4b:s4+s12], $0x80, s17, s12, $0xb8;
	[tilespmem:$0x1F000] =	vst v63  }
0x105: {  	_ =	swait.ge [sflag:s16], $0x4000  }
0x106: {  	s24 =	sld [smem:$0x7FA]  }
0x107: {  	[sflag:s16] =	ssyncset.done $0x0  }
0x108: {  	[sflag:s16] =	ssyncadd.s32 $0xFFFFC000  }
0x109: {  	[spmem:s2] =	stream.indirect.scatter.add.f32 [tilespmem:s14], [sflag:$0x3], $0x80, s24, s12, $0xb8;
	[tilespmem:$0x1F000] =	vst v63  }
0x10a: {  	_ =	swait.ge [sflag:s11], $0x4000  }
0x10b: {  	[sflag:s11] =	ssyncset.done $0x0  }
0x10c: {  	s25 =	simm.s32 $0xB80;
	[sflag:s11] =	ssyncadd.s32 $0xFFFFC000  }
0x10d: {  	[tilespmem:s14], [sflag:$0x2] =	stream.indirect.gather [hbm4b:s4+s12], $0x80, s25, s12, $0xb8;
	[tilespmem:$0x1F000] =	vst v63  }
0x10e: {  	_ =	swait.ge [sflag:s15], $0x4000  }
0x10f: {  	[sflag:s15] =	ssyncset.done $0x0  }
0x110: {  	[sflag:s15] =	ssyncadd.s32 $0xFFFFC000  }
0x111: {  	[spmem:s2] =	stream.indirect.scatter.add.f32 [tilespmem:s13], [sflag:$0x3], $0x80, s18, s12, $0xb8;
	[tilespmem:$0x1F000] =	vst v63  }
0x112: {  	_ =	swait.ge [sflag:s11], $0x4000  }
0x113: {  	[sflag:s11] =	ssyncset.done $0x0  }
0x114: {  	[sflag:s11] =	ssyncadd.s32 $0xFFFFC000  }
0x115: {  	[tilespmem:s13], [sflag:$0x1] =	stream.indirect.gather [hbm4b:s4+s12], $0x80, s19, s12, $0xb8;
	[tilespmem:$0x1F000] =	vst v63  }
0x116: {  	_ =	swait.ge [sflag:s16], $0x4000  }
0x117: {  	[sflag:s16] =	ssyncset.done $0x0  }
0x118: {  	[sflag:s16] =	ssyncadd.s32 $0xFFFFC000  }
0x119: {  	[spmem:s2] =	stream.indirect.scatter.add.f32 [tilespmem:s14], [sflag:$0x3], $0x80, s20, s12, $0xb8;
	[tilespmem:$0x1F000] =	vst v63  }
0x11a: {  	_ =	swait.ge [sflag:s11], $0x4000  }
0x11b: {  	[sflag:s11] =	ssyncset.done $0x0  }
0x11c: {  	[sflag:s11] =	ssyncadd.s32 $0xFFFFC000  }
0x11d: {  	[tilespmem:s14], [sflag:$0x2] =	stream.indirect.gather [hbm4b:s4+s12], $0x80, s21, s12, $0xb8;
	[tilespmem:$0x1F000] =	vst v63  }
0x11e: {  	_ =	swait.ge [sflag:s15], $0x4000  }
0x11f: {  	[sflag:s15] =	ssyncset.done $0x0  }
0x120: {  	[sflag:s15] =	ssyncadd.s32 $0xFFFFC000  }
0x121: {  	[spmem:s2] =	stream.indirect.scatter.add.f32 [tilespmem:s13], [sflag:$0x3], $0x80, s22, s12, $0xb8;
	[tilespmem:$0x1F000] =	vst v63  }
0x122: {  	_ =	swait.ge [sflag:s11], $0x4000  }
0x123: {  	[sflag:s11] =	ssyncset.done $0x0  }
0x124: {  	[sflag:s11] =	ssyncadd.s32 $0xFFFFC000  }
0x125: {  	[tilespmem:s13], [sflag:$0x1] =	stream.indirect.gather [hbm4b:s4+s12], $0x80, s23, s12, $0xb8;
	[tilespmem:$0x1F000] =	vst v63  }
0x126: {  	_ =	swait.ge [sflag:s16], $0x4000  }
0x127: {  	[sflag:s16] =	ssyncset.done $0x0  }
0x128: {  	[sflag:s16] =	ssyncadd.s32 $0xFFFFC000  }
0x129: {  	[spmem:s2] =	stream.indirect.scatter.add.f32 [tilespmem:s14], [sflag:$0x3], $0x80, s26, s12, $0xb8;
	[tilespmem:$0x1F000] =	vst v63  }
0x12a: {  	_ =	swait.ge [sflag:s11], $0x4000  }
0x12b: {  	[sflag:s11] =	ssyncset.done $0x0  }
0x12c: {  	[sflag:s11] =	ssyncadd.s32 $0xFFFFC000  }
0x12d: {  	[tilespmem:s14], [sflag:$0x2] =	stream.indirect.gather [hbm4b:s4+s12], $0x80, s28, s12, $0xb8;
	[tilespmem:$0x1F000] =	vst v63  }
0x12e: {  	_ =	swait.ge [sflag:s15], $0x4000  }
0x12f: {  	[sflag:s15] =	ssyncset.done $0x0  }
0x130: {  	[sflag:s15] =	ssyncadd.s32 $0xFFFFC000  }
0x131: {  	[spmem:s2] =	stream.indirect.scatter.add.f32 [tilespmem:s13], [sflag:$0x3], $0x80, s29, s12, $0xb8;
	[tilespmem:$0x1F000] =	vst v63  }
0x132: {  	_ =	swait.ge [sflag:s11], $0x4000  }
0x133: {  	[sflag:s11] =	ssyncset.done $0x0  }
0x134: {  	[sflag:s11] =	ssyncadd.s32 $0xFFFFC000  }
0x135: {  	[tilespmem:s13], [sflag:$0x1] =	stream.indirect.gather [hbm4b:s4+s12], $0x80, s30, s12, $0xb8;
	[tilespmem:$0x1F000] =	vst v63  }
0x136: {  	_ =	swait.ge [sflag:s16], $0x4000  }
0x137: {  	[sflag:s16] =	ssyncset.done $0x0  }
0x138: {  	[sflag:s16] =	ssyncadd.s32 $0xFFFFC000  }
0x139: {  	[spmem:s2] =	stream.indirect.scatter.add.f32 [tilespmem:s14], [sflag:$0x3], $0x80, s31, s12, $0xb8;
	[tilespmem:$0x1F000] =	vst v63  }
0x13a: {  	_ =	swait.ge [sflag:s11], $0x4000  }
0x13b: {  	[sflag:s11] =	ssyncset.done $0x0  }
0x13c: {  	[sflag:s11] =	ssyncadd.s32 $0xFFFFC000  }
0x13d: {  	[tilespmem:s14], [sflag:$0x2] =	stream.indirect.gather [hbm4b:s4+s12], $0x80, s1, s12, $0xb8;
	[tilespmem:$0x1F000] =	vst v63  }
0x13e: {  	_ =	swait.ge [sflag:s15], $0x4000  }
0x13f: {  	[sflag:s15] =	ssyncset.done $0x0  }
0x140: {  	[sflag:s15] =	ssyncadd.s32 $0xFFFFC000  }
0x141: {  	[spmem:s2] =	stream.indirect.scatter.add.f32 [tilespmem:s13], [sflag:$0x3], $0x80, s0, s12, $0xb8;
	[tilespmem:$0x1F000] =	vst v63  }
0x142: {  	_ =	swait.ge [sflag:s11], $0x4000  }
0x143: {  	[sflag:s11] =	ssyncset.done $0x0  }
0x144: {  	[sflag:s11] =	ssyncadd.s32 $0xFFFFC000  }
0x145: {  	[tilespmem:s13], [sflag:$0x1] =	stream.indirect.gather [hbm4b:s4+s12], $0x80, s5, s12, $0xb8;
	[tilespmem:$0x1F000] =	vst v63  }
0x146: {  	_ =	swait.ge [sflag:s16], $0x4000  }
0x147: {  	[sflag:s16] =	ssyncset.done $0x0  }
0x148: {  	[sflag:s16] =	ssyncadd.s32 $0xFFFFC000  }
0x149: {  	[spmem:s2] =	stream.indirect.scatter.add.f32 [tilespmem:s14], [sflag:$0x3], $0x80, s7, s12, $0xb8;
	[tilespmem:$0x1F000] =	vst v63  }
0x14a: {  	_ =	swait.ge [sflag:s11], $0x4000  }
0x14b: {  	[sflag:s11] =	ssyncset.done $0x0  }
0x14c: {  	[sflag:s11] =	ssyncadd.s32 $0xFFFFC000  }
0x14d: {  	[tilespmem:s14], [sflag:$0x2] =	stream.indirect.gather [hbm4b:s4+s12], $0x80, s8, s12, $0xb8;
	[tilespmem:$0x1F000] =	vst v63  }
0x14e: {  	_ =	swait.ge [sflag:s15], $0x4000  }
0x14f: {  	[sflag:s15] =	ssyncset.done $0x0  }
0x150: {  	[sflag:s15] =	ssyncadd.s32 $0xFFFFC000  }
0x151: {  	[spmem:s2] =	stream.indirect.scatter.add.f32 [tilespmem:s13], [sflag:$0x3], $0x80, s9, s12, $0xb8;
	[tilespmem:$0x1F000] =	vst v63  }
0x152: {  	_ =	swait.ge [sflag:s11], $0x4000  }
0x153: {  	[sflag:s11] =	ssyncset.done $0x0  }
0x154: {  	[sflag:s11] =	ssyncadd.s32 $0xFFFFC000  }
0x155: {  	_ =	swait.ge [sflag:s16], $0x4000  }
0x156: {  	[sflag:s16] =	ssyncset.done $0x0  }
0x157: {  	[sflag:s16] =	ssyncadd.s32 $0xFFFFC000  }
0x158: {  	[spmem:s2] =	stream.indirect.scatter.add.f32 [tilespmem:s14], [sflag:$0x3], $0x80, s10, s12, $0xb8;
	[tilespmem:$0x1F000] =	vst v63  }
0x159: {  	s6 =	simm.s32 $0x800;
	_ =	swait.ge [sflag:s11], $0x4000  }
0x15a: {  	s25 =	simm.s32 $0x400;
	s24 =	rddreg [dreg:$0x3];
	[sflag:s11] =	ssyncset.done $0x0  }
.LBB2_2:
0x15b: {  	[sflag:s11] =	ssyncadd.s32 $0xFFFFC000;
	s24 =	sadd.s32 s25, s24  }
0x15c: {  	[tilespmem:s3], [sflag:$0x3] =	stream.linear.gather [hbm4b:s24+s3], $0x2000, $0x38;
	[tilespmem:$0x1F000] =	vst v63  }
0x15d: {  	_ =	swait.ge [sflag:s11], $0x2000  }
0x15e: {  	[sflag:s11] =	ssyncset.done $0x0  }
0x15f: {  	[sflag:s11] =	ssyncadd.s32 $0xFFFFE000  }
0x160: {  	[tilespmem:s13], [sflag:$0x1] =	stream.indirect.gather [hbm4b:s4+s12], $0x80, s3, s12, $0xb8;
	[tilespmem:$0x1F000] =	vst v63  }
0x161: {  	_ = 	snop  }
0x162: {  	[tilespmem:s14], [sflag:$0x2] =	stream.indirect.gather [hbm4b:s4+s12], $0x80, s12, s12, $0xb8;
	[tilespmem:$0x1F000] =	vst v63  }
0x163: {  	_ =	swait.ge [sflag:s15], $0x4000  }
0x164: {  	[sflag:s15] =	ssyncset.done $0x0  }
0x165: {  	s24 =	rddreg [dreg:$0x4];
	[sflag:s15] =	ssyncadd.s32 $0xFFFFC000  }
0x166: {  	[spmem:s2] =	stream.indirect.scatter.add.f32 [tilespmem:s13], [sflag:$0x3], $0x80, s24, s12, $0xb8;
	[tilespmem:$0x1F000] =	vst v63  }
0x167: {  	_ =	swait.ge [sflag:s11], $0x4000  }
0x168: {  	[sflag:s11] =	ssyncset.done $0x0  }
0x169: {  	s24 =	rddreg [dreg:$0x5];
	[sflag:s11] =	ssyncadd.s32 $0xFFFFC000  }
0x16a: {  	[tilespmem:s13], [sflag:$0x1] =	stream.indirect.gather [hbm4b:s4+s12], $0x80, s24, s12, $0xb8;
	[tilespmem:$0x1F000] =	vst v63  }
0x16b: {  	_ =	swait.ge [sflag:s16], $0x4000  }
0x16c: {  	[sflag:s16] =	ssyncset.done $0x0  }
0x16d: {  	s24 =	rddreg [dreg:$0x6];
	[sflag:s16] =	ssyncadd.s32 $0xFFFFC000  }
0x16e: {  	[spmem:s2] =	stream.indirect.scatter.add.f32 [tilespmem:s14], [sflag:$0x3], $0x80, s24, s12, $0xb8;
	[tilespmem:$0x1F000] =	vst v63  }
0x16f: {  	_ =	swait.ge [sflag:s11], $0x4000  }
0x170: {  	[sflag:s11] =	ssyncset.done $0x0  }
0x171: {  	s24 =	rddreg [dreg:$0x7];
	[sflag:s11] =	ssyncadd.s32 $0xFFFFC000  }
0x172: {  	[tilespmem:s14], [sflag:$0x2] =	stream.indirect.gather [hbm4b:s4+s12], $0x80, s24, s12, $0xb8;
	[tilespmem:$0x1F000] =	vst v63  }
0x173: {  	_ =	swait.ge [sflag:s15], $0x4000  }
0x174: {  	[sflag:s15] =	ssyncset.done $0x0  }
0x175: {  	s24 =	rddreg [dreg:$0x8];
	[sflag:s15] =	ssyncadd.s32 $0xFFFFC000  }
0x176: {  	[spmem:s2] =	stream.indirect.scatter.add.f32 [tilespmem:s13], [sflag:$0x3], $0x80, s24, s12, $0xb8;
	[tilespmem:$0x1F000] =	vst v63  }
0x177: {  	_ =	swait.ge [sflag:s11], $0x4000  }
0x178: {  	[sflag:s11] =	ssyncset.done $0x0  }
0x179: {  	s24 =	rddreg [dreg:$0x9];
	[sflag:s11] =	ssyncadd.s32 $0xFFFFC000  }
0x17a: {  	[tilespmem:s13], [sflag:$0x1] =	stream.indirect.gather [hbm4b:s4+s12], $0x80, s24, s12, $0xb8;
	[tilespmem:$0x1F000] =	vst v63  }
0x17b: {  	_ =	swait.ge [sflag:s16], $0x4000  }
0x17c: {  	[sflag:s16] =	ssyncset.done $0x0  }
0x17d: {  	s24 =	rddreg [dreg:$0xa];
	[sflag:s16] =	ssyncadd.s32 $0xFFFFC000  }
0x17e: {  	[spmem:s2] =	stream.indirect.scatter.add.f32 [tilespmem:s14], [sflag:$0x3], $0x80, s24, s12, $0xb8;
	[tilespmem:$0x1F000] =	vst v63  }
0x17f: {  	_ =	swait.ge [sflag:s11], $0x4000  }
0x180: {  	[sflag:s11] =	ssyncset.done $0x0  }
0x181: {  	s24 =	rddreg [dreg:$0xb];
	[sflag:s11] =	ssyncadd.s32 $0xFFFFC000  }
0x182: {  	[tilespmem:s14], [sflag:$0x2] =	stream.indirect.gather [hbm4b:s4+s12], $0x80, s24, s12, $0xb8;
	[tilespmem:$0x1F000] =	vst v63  }
0x183: {  	_ =	swait.ge [sflag:s15], $0x4000  }
0x184: {  	[sflag:s15] =	ssyncset.done $0x0  }
0x185: {  	s24 =	rddreg [dreg:$0xc];
	[sflag:s15] =	ssyncadd.s32 $0xFFFFC000  }
0x186: {  	[spmem:s2] =	stream.indirect.scatter.add.f32 [tilespmem:s13], [sflag:$0x3], $0x80, s24, s12, $0xb8;
	[tilespmem:$0x1F000] =	vst v63  }
0x187: {  	_ =	swait.ge [sflag:s11], $0x4000  }
0x188: {  	[sflag:s11] =	ssyncset.done $0x0  }
0x189: {  	s24 =	rddreg [dreg:$0xd];
	[sflag:s11] =	ssyncadd.s32 $0xFFFFC000  }
0x18a: {  	[tilespmem:s13], [sflag:$0x1] =	stream.indirect.gather [hbm4b:s4+s12], $0x80, s24, s12, $0xb8;
	[tilespmem:$0x1F000] =	vst v63  }
0x18b: {  	_ =	swait.ge [sflag:s16], $0x4000  }
0x18c: {  	[sflag:s16] =	ssyncset.done $0x0  }
0x18d: {  	s24 =	rddreg [dreg:$0xe];
	[sflag:s16] =	ssyncadd.s32 $0xFFFFC000  }
0x18e: {  	[spmem:s2] =	stream.indirect.scatter.add.f32 [tilespmem:s14], [sflag:$0x3], $0x80, s24, s12, $0xb8;
	[tilespmem:$0x1F000] =	vst v63  }
0x18f: {  	_ =	swait.ge [sflag:s11], $0x4000  }
0x190: {  	[sflag:s11] =	ssyncset.done $0x0  }
0x191: {  	s24 =	rddreg [dreg:$0xf];
	[sflag:s11] =	ssyncadd.s32 $0xFFFFC000  }
0x192: {  	[tilespmem:s14], [sflag:$0x2] =	stream.indirect.gather [hbm4b:s4+s12], $0x80, s24, s12, $0xb8;
	[tilespmem:$0x1F000] =	vst v63  }
0x193: {  	_ =	swait.ge [sflag:s15], $0x4000  }
0x194: {  	[sflag:s15] =	ssyncset.done $0x0  }
0x195: {  	s24 =	rddreg [dreg:$0x10];
	[sflag:s15] =	ssyncadd.s32 $0xFFFFC000  }
0x196: {  	[spmem:s2] =	stream.indirect.scatter.add.f32 [tilespmem:s13], [sflag:$0x3], $0x80, s24, s12, $0xb8;
	[tilespmem:$0x1F000] =	vst v63  }
0x197: {  	_ =	swait.ge [sflag:s11], $0x4000  }
0x198: {  	[sflag:s11] =	ssyncset.done $0x0  }
0x199: {  	s24 =	rddreg [dreg:$0x11];
	[sflag:s11] =	ssyncadd.s32 $0xFFFFC000  }
0x19a: {  	[tilespmem:s13], [sflag:$0x1] =	stream.indirect.gather [hbm4b:s4+s12], $0x80, s24, s12, $0xb8;
	[tilespmem:$0x1F000] =	vst v63  }
0x19b: {  	_ =	swait.ge [sflag:s16], $0x4000  }
0x19c: {  	[sflag:s16] =	ssyncset.done $0x0  }
0x19d: {  	s24 =	rddreg [dreg:$0x12];
	[sflag:s16] =	ssyncadd.s32 $0xFFFFC000  }
0x19e: {  	[spmem:s2] =	stream.indirect.scatter.add.f32 [tilespmem:s14], [sflag:$0x3], $0x80, s24, s12, $0xb8;
	[tilespmem:$0x1F000] =	vst v63  }
0x19f: {  	_ =	swait.ge [sflag:s11], $0x4000  }
0x1a0: {  	[sflag:s11] =	ssyncset.done $0x0  }
0x1a1: {  	s24 =	rddreg [dreg:$0x13];
	[sflag:s11] =	ssyncadd.s32 $0xFFFFC000  }
0x1a2: {  	[tilespmem:s14], [sflag:$0x2] =	stream.indirect.gather [hbm4b:s4+s12], $0x80, s24, s12, $0xb8;
	[tilespmem:$0x1F000] =	vst v63  }
0x1a3: {  	_ =	swait.ge [sflag:s15], $0x4000  }
0x1a4: {  	[sflag:s15] =	ssyncset.done $0x0  }
0x1a5: {  	s24 =	rddreg [dreg:$0x14];
	[sflag:s15] =	ssyncadd.s32 $0xFFFFC000  }
0x1a6: {  	[spmem:s2] =	stream.indirect.scatter.add.f32 [tilespmem:s13], [sflag:$0x3], $0x80, s24, s12, $0xb8;
	[tilespmem:$0x1F000] =	vst v63  }
0x1a7: {  	_ =	swait.ge [sflag:s11], $0x4000  }
0x1a8: {  	[sflag:s11] =	ssyncset.done $0x0  }
0x1a9: {  	s24 =	rddreg [dreg:$0x15];
	[sflag:s11] =	ssyncadd.s32 $0xFFFFC000  }
0x1aa: {  	[tilespmem:s13], [sflag:$0x1] =	stream.indirect.gather [hbm4b:s4+s12], $0x80, s24, s12, $0xb8;
	[tilespmem:$0x1F000] =	vst v63  }
0x1ab: {  	_ =	swait.ge [sflag:s16], $0x4000  }
0x1ac: {  	[sflag:s16] =	ssyncset.done $0x0  }
0x1ad: {  	s24 =	rddreg [dreg:$0x16];
	[sflag:s16] =	ssyncadd.s32 $0xFFFFC000  }
0x1ae: {  	[spmem:s2] =	stream.indirect.scatter.add.f32 [tilespmem:s14], [sflag:$0x3], $0x80, s24, s12, $0xb8;
	[tilespmem:$0x1F000] =	vst v63  }
0x1af: {  	_ =	swait.ge [sflag:s11], $0x4000  }
0x1b0: {  	[sflag:s11] =	ssyncset.done $0x0  }
0x1b1: {  	s24 =	rddreg [dreg:$0x17];
	[sflag:s11] =	ssyncadd.s32 $0xFFFFC000  }
0x1b2: {  	[tilespmem:s14], [sflag:$0x2] =	stream.indirect.gather [hbm4b:s4+s12], $0x80, s24, s12, $0xb8;
	[tilespmem:$0x1F000] =	vst v63  }
0x1b3: {  	_ =	swait.ge [sflag:s15], $0x4000  }
0x1b4: {  	[sflag:s15] =	ssyncset.done $0x0  }
0x1b5: {  	s24 =	rddreg [dreg:$0x18];
	[sflag:s15] =	ssyncadd.s32 $0xFFFFC000  }
0x1b6: {  	[spmem:s2] =	stream.indirect.scatter.add.f32 [tilespmem:s13], [sflag:$0x3], $0x80, s24, s12, $0xb8;
	[tilespmem:$0x1F000] =	vst v63  }
0x1b7: {  	_ =	swait.ge [sflag:s11], $0x4000  }
0x1b8: {  	[sflag:s11] =	ssyncset.done $0x0  }
0x1b9: {  	s24 =	rddreg [dreg:$0x19];
	[sflag:s11] =	ssyncadd.s32 $0xFFFFC000  }
0x1ba: {  	[tilespmem:s13], [sflag:$0x1] =	stream.indirect.gather [hbm4b:s4+s12], $0x80, s24, s12, $0xb8;
	[tilespmem:$0x1F000] =	vst v63  }
0x1bb: {  	_ =	swait.ge [sflag:s16], $0x4000  }
0x1bc: {  	[sflag:s16] =	ssyncset.done $0x0  }
0x1bd: {  	s24 =	rddreg [dreg:$0x1a];
	[sflag:s16] =	ssyncadd.s32 $0xFFFFC000  }
0x1be: {  	[spmem:s2] =	stream.indirect.scatter.add.f32 [tilespmem:s14], [sflag:$0x3], $0x80, s24, s12, $0xb8;
	[tilespmem:$0x1F000] =	vst v63  }
0x1bf: {  	_ =	swait.ge [sflag:s11], $0x4000  }
0x1c0: {  	[sflag:s11] =	ssyncset.done $0x0  }
0x1c1: {  	s24 =	rddreg [dreg:$0x1b];
	[sflag:s11] =	ssyncadd.s32 $0xFFFFC000  }
0x1c2: {  	[tilespmem:s14], [sflag:$0x2] =	stream.indirect.gather [hbm4b:s4+s12], $0x80, s24, s12, $0xb8;
	[tilespmem:$0x1F000] =	vst v63  }
0x1c3: {  	_ =	swait.ge [sflag:s15], $0x4000  }
0x1c4: {  	[sflag:s15] =	ssyncset.done $0x0  }
0x1c5: {  	s24 =	rddreg [dreg:$0x1c];
	[sflag:s15] =	ssyncadd.s32 $0xFFFFC000  }
0x1c6: {  	[spmem:s2] =	stream.indirect.scatter.add.f32 [tilespmem:s13], [sflag:$0x3], $0x80, s24, s12, $0xb8;
	[tilespmem:$0x1F000] =	vst v63  }
0x1c7: {  	_ =	swait.ge [sflag:s11], $0x4000  }
0x1c8: {  	[sflag:s11] =	ssyncset.done $0x0  }
0x1c9: {  	s24 =	rddreg [dreg:$0x1d];
	[sflag:s11] =	ssyncadd.s32 $0xFFFFC000  }
0x1ca: {  	[tilespmem:s13], [sflag:$0x1] =	stream.indirect.gather [hbm4b:s4+s12], $0x80, s24, s12, $0xb8;
	[tilespmem:$0x1F000] =	vst v63  }
0x1cb: {  	_ =	swait.ge [sflag:s16], $0x4000  }
0x1cc: {  	[sflag:s16] =	ssyncset.done $0x0  }
0x1cd: {  	s24 =	rddreg [dreg:$0x1e];
	[sflag:s16] =	ssyncadd.s32 $0xFFFFC000  }
0x1ce: {  	[spmem:s2] =	stream.indirect.scatter.add.f32 [tilespmem:s14], [sflag:$0x3], $0x80, s24, s12, $0xb8;
	[tilespmem:$0x1F000] =	vst v63  }
0x1cf: {  	_ =	swait.ge [sflag:s11], $0x4000  }
0x1d0: {  	[sflag:s11] =	ssyncset.done $0x0  }
0x1d1: {  	s24 =	rddreg [dreg:$0x1f];
	[sflag:s11] =	ssyncadd.s32 $0xFFFFC000  }
0x1d2: {  	[tilespmem:s14], [sflag:$0x2] =	stream.indirect.gather [hbm4b:s4+s12], $0x80, s24, s12, $0xb8;
	[tilespmem:$0x1F000] =	vst v63  }
0x1d3: {  	_ =	swait.ge [sflag:s15], $0x4000  }
0x1d4: {  	s24 =	sld [smem:$0x7E9]  }
0x1d5: {  	[sflag:s15] =	ssyncset.done $0x0  }
0x1d6: {  	[sflag:s15] =	ssyncadd.s32 $0xFFFFC000  }
0x1d7: {  	[spmem:s2] =	stream.indirect.scatter.add.f32 [tilespmem:s13], [sflag:$0x3], $0x80, s24, s12, $0xb8;
	[tilespmem:$0x1F000] =	vst v63  }
0x1d8: {  	_ =	swait.ge [sflag:s11], $0x4000  }
0x1d9: {  	s24 =	sld [smem:$0x7EA]  }
0x1da: {  	[sflag:s11] =	ssyncset.done $0x0  }
0x1db: {  	[sflag:s11] =	ssyncadd.s32 $0xFFFFC000  }
0x1dc: {  	[tilespmem:s13], [sflag:$0x1] =	stream.indirect.gather [hbm4b:s4+s12], $0x80, s24, s12, $0xb8;
	[tilespmem:$0x1F000] =	vst v63  }
0x1dd: {  	_ =	swait.ge [sflag:s16], $0x4000  }
0x1de: {  	s24 =	sld [smem:$0x7EB]  }
0x1df: {  	[sflag:s16] =	ssyncset.done $0x0  }
0x1e0: {  	[sflag:s16] =	ssyncadd.s32 $0xFFFFC000  }
0x1e1: {  	[spmem:s2] =	stream.indirect.scatter.add.f32 [tilespmem:s14], [sflag:$0x3], $0x80, s24, s12, $0xb8;
	[tilespmem:$0x1F000] =	vst v63  }
0x1e2: {  	_ =	swait.ge [sflag:s11], $0x4000  }
0x1e3: {  	s24 =	sld [smem:$0x7EC]  }
0x1e4: {  	[sflag:s11] =	ssyncset.done $0x0  }
0x1e5: {  	[sflag:s11] =	ssyncadd.s32 $0xFFFFC000  }
0x1e6: {  	[tilespmem:s14], [sflag:$0x2] =	stream.indirect.gather [hbm4b:s4+s12], $0x80, s24, s12, $0xb8;
	[tilespmem:$0x1F000] =	vst v63  }
0x1e7: {  	_ =	swait.ge [sflag:s15], $0x4000  }
0x1e8: {  	s24 =	sld [smem:$0x7ED]  }
0x1e9: {  	[sflag:s15] =	ssyncset.done $0x0  }
0x1ea: {  	[sflag:s15] =	ssyncadd.s32 $0xFFFFC000  }
0x1eb: {  	[spmem:s2] =	stream.indirect.scatter.add.f32 [tilespmem:s13], [sflag:$0x3], $0x80, s24, s12, $0xb8;
	[tilespmem:$0x1F000] =	vst v63  }
0x1ec: {  	_ =	swait.ge [sflag:s11], $0x4000  }
0x1ed: {  	s24 =	sld [smem:$0x7EF]  }
0x1ee: {  	[sflag:s11] =	ssyncset.done $0x0  }
0x1ef: {  	[sflag:s11] =	ssyncadd.s32 $0xFFFFC000  }
0x1f0: {  	[tilespmem:s13], [sflag:$0x1] =	stream.indirect.gather [hbm4b:s4+s12], $0x80, s24, s12, $0xb8;
	[tilespmem:$0x1F000] =	vst v63  }
0x1f1: {  	_ =	swait.ge [sflag:s16], $0x4000  }
0x1f2: {  	s24 =	sld [smem:$0x7F1]  }
0x1f3: {  	[sflag:s16] =	ssyncset.done $0x0  }
0x1f4: {  	[sflag:s16] =	ssyncadd.s32 $0xFFFFC000  }
0x1f5: {  	[spmem:s2] =	stream.indirect.scatter.add.f32 [tilespmem:s14], [sflag:$0x3], $0x80, s24, s12, $0xb8;
	[tilespmem:$0x1F000] =	vst v63  }
0x1f6: {  	_ =	swait.ge [sflag:s11], $0x4000  }
0x1f7: {  	s24 =	sld [smem:$0x7F3]  }
0x1f8: {  	[sflag:s11] =	ssyncset.done $0x0  }
0x1f9: {  	[sflag:s11] =	ssyncadd.s32 $0xFFFFC000  }
0x1fa: {  	[tilespmem:s14], [sflag:$0x2] =	stream.indirect.gather [hbm4b:s4+s12], $0x80, s24, s12, $0xb8;
	[tilespmem:$0x1F000] =	vst v63  }
0x1fb: {  	_ =	swait.ge [sflag:s15], $0x4000  }
0x1fc: {  	s24 =	sld [smem:$0x7F4]  }
0x1fd: {  	[sflag:s15] =	ssyncset.done $0x0  }
0x1fe: {  	[sflag:s15] =	ssyncadd.s32 $0xFFFFC000  }
0x1ff: {  	[spmem:s2] =	stream.indirect.scatter.add.f32 [tilespmem:s13], [sflag:$0x3], $0x80, s24, s12, $0xb8;
	[tilespmem:$0x1F000] =	vst v63  }
0x200: {  	_ =	swait.ge [sflag:s11], $0x4000  }
0x201: {  	s24 =	sld [smem:$0x7F5]  }
0x202: {  	[sflag:s11] =	ssyncset.done $0x0  }
0x203: {  	[sflag:s11] =	ssyncadd.s32 $0xFFFFC000  }
0x204: {  	[tilespmem:s13], [sflag:$0x1] =	stream.indirect.gather [hbm4b:s4+s12], $0x80, s24, s12, $0xb8;
	[tilespmem:$0x1F000] =	vst v63  }
0x205: {  	_ =	swait.ge [sflag:s16], $0x4000  }
0x206: {  	s24 =	sld [smem:$0x7F6]  }
0x207: {  	[sflag:s16] =	ssyncset.done $0x0  }
0x208: {  	[sflag:s16] =	ssyncadd.s32 $0xFFFFC000  }
0x209: {  	[spmem:s2] =	stream.indirect.scatter.add.f32 [tilespmem:s14], [sflag:$0x3], $0x80, s24, s12, $0xb8;
	[tilespmem:$0x1F000] =	vst v63  }
0x20a: {  	_ =	swait.ge [sflag:s11], $0x4000  }
0x20b: {  	s24 =	sld [smem:$0x7F7]  }
0x20c: {  	[sflag:s11] =	ssyncset.done $0x0  }
0x20d: {  	[sflag:s11] =	ssyncadd.s32 $0xFFFFC000  }
0x20e: {  	[tilespmem:s14], [sflag:$0x2] =	stream.indirect.gather [hbm4b:s4+s12], $0x80, s24, s12, $0xb8;
	[tilespmem:$0x1F000] =	vst v63  }
0x20f: {  	_ =	swait.ge [sflag:s15], $0x4000  }
0x210: {  	s24 =	sld [smem:$0x7F8]  }
0x211: {  	[sflag:s15] =	ssyncset.done $0x0  }
0x212: {  	[sflag:s15] =	ssyncadd.s32 $0xFFFFC000  }
0x213: {  	[spmem:s2] =	stream.indirect.scatter.add.f32 [tilespmem:s13], [sflag:$0x3], $0x80, s24, s12, $0xb8;
	[tilespmem:$0x1F000] =	vst v63  }
0x214: {  	_ =	swait.ge [sflag:s11], $0x4000  }
0x215: {  	s24 =	sld [smem:$0x7F9]  }
0x216: {  	[sflag:s11] =	ssyncset.done $0x0  }
0x217: {  	[sflag:s11] =	ssyncadd.s32 $0xFFFFC000  }
0x218: {  	[tilespmem:s13], [sflag:$0x1] =	stream.indirect.gather [hbm4b:s4+s12], $0x80, s24, s12, $0xb8;
	[tilespmem:$0x1F000] =	vst v63  }
0x219: {  	_ =	swait.ge [sflag:s16], $0x4000  }
0x21a: {  	s24 =	sld [smem:$0x7FA]  }
0x21b: {  	[sflag:s16] =	ssyncset.done $0x0  }
0x21c: {  	[sflag:s16] =	ssyncadd.s32 $0xFFFFC000  }
0x21d: {  	[spmem:s2] =	stream.indirect.scatter.add.f32 [tilespmem:s14], [sflag:$0x3], $0x80, s24, s12, $0xb8;
	[tilespmem:$0x1F000] =	vst v63  }
0x21e: {  	_ =	swait.ge [sflag:s11], $0x4000  }
0x21f: {  	[sflag:s11] =	ssyncset.done $0x0  }
0x220: {  	s24 =	simm.s32 $0xB80;
	[sflag:s11] =	ssyncadd.s32 $0xFFFFC000  }
0x221: {  	[tilespmem:s14], [sflag:$0x2] =	stream.indirect.gather [hbm4b:s4+s12], $0x80, s24, s12, $0xb8;
	[tilespmem:$0x1F000] =	vst v63  }
0x222: {  	_ =	swait.ge [sflag:s15], $0x4000  }
0x223: {  	[sflag:s15] =	ssyncset.done $0x0  }
0x224: {  	[sflag:s15] =	ssyncadd.s32 $0xFFFFC000  }
0x225: {  	[spmem:s2] =	stream.indirect.scatter.add.f32 [tilespmem:s13], [sflag:$0x3], $0x80, s18, s12, $0xb8;
	[tilespmem:$0x1F000] =	vst v63  }
0x226: {  	_ =	swait.ge [sflag:s11], $0x4000  }
0x227: {  	[sflag:s11] =	ssyncset.done $0x0  }
0x228: {  	[sflag:s11] =	ssyncadd.s32 $0xFFFFC000  }
0x229: {  	[tilespmem:s13], [sflag:$0x1] =	stream.indirect.gather [hbm4b:s4+s12], $0x80, s19, s12, $0xb8;
	[tilespmem:$0x1F000] =	vst v63  }
0x22a: {  	_ =	swait.ge [sflag:s16], $0x4000  }
0x22b: {  	[sflag:s16] =	ssyncset.done $0x0  }
0x22c: {  	[sflag:s16] =	ssyncadd.s32 $0xFFFFC000  }
0x22d: {  	[spmem:s2] =	stream.indirect.scatter.add.f32 [tilespmem:s14], [sflag:$0x3], $0x80, s20, s12, $0xb8;
	[tilespmem:$0x1F000] =	vst v63  }
0x22e: {  	_ =	swait.ge [sflag:s11], $0x4000  }
0x22f: {  	[sflag:s11] =	ssyncset.done $0x0  }
0x230: {  	[sflag:s11] =	ssyncadd.s32 $0xFFFFC000  }
0x231: {  	[tilespmem:s14], [sflag:$0x2] =	stream.indirect.gather [hbm4b:s4+s12], $0x80, s21, s12, $0xb8;
	[tilespmem:$0x1F000] =	vst v63  }
0x232: {  	_ =	swait.ge [sflag:s15], $0x4000  }
0x233: {  	[sflag:s15] =	ssyncset.done $0x0  }
0x234: {  	[sflag:s15] =	ssyncadd.s32 $0xFFFFC000  }
0x235: {  	[spmem:s2] =	stream.indirect.scatter.add.f32 [tilespmem:s13], [sflag:$0x3], $0x80, s22, s12, $0xb8;
	[tilespmem:$0x1F000] =	vst v63  }
0x236: {  	_ =	swait.ge [sflag:s11], $0x4000  }
0x237: {  	[sflag:s11] =	ssyncset.done $0x0  }
0x238: {  	[sflag:s11] =	ssyncadd.s32 $0xFFFFC000  }
0x239: {  	[tilespmem:s13], [sflag:$0x1] =	stream.indirect.gather [hbm4b:s4+s12], $0x80, s23, s12, $0xb8;
	[tilespmem:$0x1F000] =	vst v63  }
0x23a: {  	_ =	swait.ge [sflag:s16], $0x4000  }
0x23b: {  	[sflag:s16] =	ssyncset.done $0x0  }
0x23c: {  	[sflag:s16] =	ssyncadd.s32 $0xFFFFC000  }
0x23d: {  	[spmem:s2] =	stream.indirect.scatter.add.f32 [tilespmem:s14], [sflag:$0x3], $0x80, s26, s12, $0xb8;
	[tilespmem:$0x1F000] =	vst v63  }
0x23e: {  	_ =	swait.ge [sflag:s11], $0x4000  }
0x23f: {  	[sflag:s11] =	ssyncset.done $0x0  }
0x240: {  	[sflag:s11] =	ssyncadd.s32 $0xFFFFC000  }
0x241: {  	[tilespmem:s14], [sflag:$0x2] =	stream.indirect.gather [hbm4b:s4+s12], $0x80, s28, s12, $0xb8;
	[tilespmem:$0x1F000] =	vst v63  }
0x242: {  	_ =	swait.ge [sflag:s15], $0x4000  }
0x243: {  	[sflag:s15] =	ssyncset.done $0x0  }
0x244: {  	[sflag:s15] =	ssyncadd.s32 $0xFFFFC000  }
0x245: {  	[spmem:s2] =	stream.indirect.scatter.add.f32 [tilespmem:s13], [sflag:$0x3], $0x80, s29, s12, $0xb8;
	[tilespmem:$0x1F000] =	vst v63  }
0x246: {  	_ =	swait.ge [sflag:s11], $0x4000  }
0x247: {  	[sflag:s11] =	ssyncset.done $0x0  }
0x248: {  	[sflag:s11] =	ssyncadd.s32 $0xFFFFC000  }
0x249: {  	[tilespmem:s13], [sflag:$0x1] =	stream.indirect.gather [hbm4b:s4+s12], $0x80, s30, s12, $0xb8;
	[tilespmem:$0x1F000] =	vst v63  }
0x24a: {  	_ =	swait.ge [sflag:s16], $0x4000  }
0x24b: {  	[sflag:s16] =	ssyncset.done $0x0  }
0x24c: {  	[sflag:s16] =	ssyncadd.s32 $0xFFFFC000  }
0x24d: {  	[spmem:s2] =	stream.indirect.scatter.add.f32 [tilespmem:s14], [sflag:$0x3], $0x80, s31, s12, $0xb8;
	[tilespmem:$0x1F000] =	vst v63  }
0x24e: {  	_ =	swait.ge [sflag:s11], $0x4000  }
0x24f: {  	[sflag:s11] =	ssyncset.done $0x0  }
0x250: {  	[sflag:s11] =	ssyncadd.s32 $0xFFFFC000  }
0x251: {  	[tilespmem:s14], [sflag:$0x2] =	stream.indirect.gather [hbm4b:s4+s12], $0x80, s1, s12, $0xb8;
	[tilespmem:$0x1F000] =	vst v63  }
0x252: {  	_ =	swait.ge [sflag:s15], $0x4000  }
0x253: {  	[sflag:s15] =	ssyncset.done $0x0  }
0x254: {  	[sflag:s15] =	ssyncadd.s32 $0xFFFFC000  }
0x255: {  	[spmem:s2] =	stream.indirect.scatter.add.f32 [tilespmem:s13], [sflag:$0x3], $0x80, s0, s12, $0xb8;
	[tilespmem:$0x1F000] =	vst v63  }
0x256: {  	_ =	swait.ge [sflag:s11], $0x4000  }
0x257: {  	[sflag:s11] =	ssyncset.done $0x0  }
0x258: {  	[sflag:s11] =	ssyncadd.s32 $0xFFFFC000  }
0x259: {  	[tilespmem:s13], [sflag:$0x1] =	stream.indirect.gather [hbm4b:s4+s12], $0x80, s5, s12, $0xb8;
	[tilespmem:$0x1F000] =	vst v63  }
0x25a: {  	_ =	swait.ge [sflag:s16], $0x4000  }
0x25b: {  	[sflag:s16] =	ssyncset.done $0x0  }
0x25c: {  	[sflag:s16] =	ssyncadd.s32 $0xFFFFC000  }
0x25d: {  	[spmem:s2] =	stream.indirect.scatter.add.f32 [tilespmem:s14], [sflag:$0x3], $0x80, s7, s12, $0xb8;
	[tilespmem:$0x1F000] =	vst v63  }
0x25e: {  	_ =	swait.ge [sflag:s11], $0x4000  }
0x25f: {  	[sflag:s11] =	ssyncset.done $0x0  }
0x260: {  	[sflag:s11] =	ssyncadd.s32 $0xFFFFC000  }
0x261: {  	[tilespmem:s14], [sflag:$0x2] =	stream.indirect.gather [hbm4b:s4+s12], $0x80, s8, s12, $0xb8;
	[tilespmem:$0x1F000] =	vst v63  }
0x262: {  	_ =	swait.ge [sflag:s15], $0x4000  }
0x263: {  	[sflag:s15] =	ssyncset.done $0x0  }
0x264: {  	[sflag:s15] =	ssyncadd.s32 $0xFFFFC000  }
0x265: {  	[spmem:s2] =	stream.indirect.scatter.add.f32 [tilespmem:s13], [sflag:$0x3], $0x80, s9, s12, $0xb8;
	[tilespmem:$0x1F000] =	vst v63  }
0x266: {  	_ =	swait.ge [sflag:s11], $0x4000  }
0x267: {  	[sflag:s11] =	ssyncset.done $0x0  }
0x268: {  	[sflag:s11] =	ssyncadd.s32 $0xFFFFC000  }
0x269: {  	p1 =	sne.s32 s6, $0x1000;
	_ =	swait.ge [sflag:s16], $0x4000  }
.Ltmp0:
0x26a: {  	[sflag:s16] =	ssyncset.done $0x0;
	(pc) =	sbr.rel @p1 .LBB2_2-.Ltmp0, $4  }
0x26b: {  	[sflag:s16] =	ssyncadd.s32 $0xFFFFC000  }
0x26c: {  	[spmem:s2] =	stream.indirect.scatter.add.f32 [tilespmem:s14], [sflag:$0x3], $0x80, s10, s12, $0xb8;
	[tilespmem:$0x1F000] =	vst v63  }
0x26d: {  	s17 =	smov.u32 s6;
	s6 =	sadd.s32 $0x400, s6;
	_ =	swait.ge [sflag:s11], $0x4000  }
0x26e: {  	s25 =	smov.u32 s17;
	s24 =	rddreg [dreg:$0x3];
	[sflag:s11] =	ssyncset.done $0x0  }
0x26f: {  	s6 =	sadd.s32 s25, s24;
	[sflag:s11] =	ssyncadd.s32 $0xFFFFC000  }
0x270: {  	[tilespmem:s3], [sflag:$0x3] =	stream.linear.gather [hbm4b:s6+s3], $0x2000, $0x38;
	[tilespmem:$0x1F000] =	vst v63  }
0x271: {  	_ =	swait.ge [sflag:s11], $0x2000  }
0x272: {  	[sflag:s11] =	ssyncset.done $0x0  }
0x273: {  	[sflag:s11] =	ssyncadd.s32 $0xFFFFE000  }
0x274: {  	[tilespmem:s13], [sflag:$0x1] =	stream.indirect.gather [hbm4b:s4+s12], $0x80, s3, s12, $0xb8;
	[tilespmem:$0x1F000] =	vst v63  }
0x275: {  	_ = 	snop  }
0x276: {  	[tilespmem:s14], [sflag:$0x2] =	stream.indirect.gather [hbm4b:s4+s12], $0x80, s12, s12, $0xb8;
	[tilespmem:$0x1F000] =	vst v63  }
0x277: {  	_ =	swait.ge [sflag:s15], $0x4000  }
0x278: {  	[sflag:s15] =	ssyncset.done $0x0  }
0x279: {  	s17 =	rddreg [dreg:$0x4];
	[sflag:s15] =	ssyncadd.s32 $0xFFFFC000  }
0x27a: {  	[spmem:s2] =	stream.indirect.scatter.add.f32 [tilespmem:s13], [sflag:$0x3], $0x80, s17, s12, $0xb8;
	[tilespmem:$0x1F000] =	vst v63  }
0x27b: {  	_ =	swait.ge [sflag:s11], $0x4000  }
0x27c: {  	[sflag:s11] =	ssyncset.done $0x0  }
0x27d: {  	s24 =	rddreg [dreg:$0x5];
	[sflag:s11] =	ssyncadd.s32 $0xFFFFC000  }
0x27e: {  	[tilespmem:s13], [sflag:$0x1] =	stream.indirect.gather [hbm4b:s4+s12], $0x80, s24, s12, $0xb8;
	[tilespmem:$0x1F000] =	vst v63  }
0x27f: {  	_ =	swait.ge [sflag:s16], $0x4000  }
0x280: {  	[sflag:s16] =	ssyncset.done $0x0  }
0x281: {  	s25 =	rddreg [dreg:$0x6];
	[sflag:s16] =	ssyncadd.s32 $0xFFFFC000  }
0x282: {  	[spmem:s2] =	stream.indirect.scatter.add.f32 [tilespmem:s14], [sflag:$0x3], $0x80, s25, s12, $0xb8;
	[tilespmem:$0x1F000] =	vst v63  }
0x283: {  	_ =	swait.ge [sflag:s11], $0x4000  }
0x284: {  	[sflag:s11] =	ssyncset.done $0x0  }
0x285: {  	s17 =	rddreg [dreg:$0x7];
	[sflag:s11] =	ssyncadd.s32 $0xFFFFC000  }
0x286: {  	[tilespmem:s14], [sflag:$0x2] =	stream.indirect.gather [hbm4b:s4+s12], $0x80, s17, s12, $0xb8;
	[tilespmem:$0x1F000] =	vst v63  }
0x287: {  	_ =	swait.ge [sflag:s15], $0x4000  }
0x288: {  	[sflag:s15] =	ssyncset.done $0x0  }
0x289: {  	s24 =	rddreg [dreg:$0x8];
	[sflag:s15] =	ssyncadd.s32 $0xFFFFC000  }
0x28a: {  	[spmem:s2] =	stream.indirect.scatter.add.f32 [tilespmem:s13], [sflag:$0x3], $0x80, s24, s12, $0xb8;
	[tilespmem:$0x1F000] =	vst v63  }
0x28b: {  	_ =	swait.ge [sflag:s11], $0x4000  }
0x28c: {  	[sflag:s11] =	ssyncset.done $0x0  }
0x28d: {  	s25 =	rddreg [dreg:$0x9];
	[sflag:s11] =	ssyncadd.s32 $0xFFFFC000  }
0x28e: {  	[tilespmem:s13], [sflag:$0x1] =	stream.indirect.gather [hbm4b:s4+s12], $0x80, s25, s12, $0xb8;
	[tilespmem:$0x1F000] =	vst v63  }
0x28f: {  	_ =	swait.ge [sflag:s16], $0x4000  }
0x290: {  	[sflag:s16] =	ssyncset.done $0x0  }
0x291: {  	s17 =	rddreg [dreg:$0xa];
	[sflag:s16] =	ssyncadd.s32 $0xFFFFC000  }
0x292: {  	[spmem:s2] =	stream.indirect.scatter.add.f32 [tilespmem:s14], [sflag:$0x3], $0x80, s17, s12, $0xb8;
	[tilespmem:$0x1F000] =	vst v63  }
0x293: {  	_ =	swait.ge [sflag:s11], $0x4000  }
0x294: {  	[sflag:s11] =	ssyncset.done $0x0  }
0x295: {  	s24 =	rddreg [dreg:$0xb];
	[sflag:s11] =	ssyncadd.s32 $0xFFFFC000  }
0x296: {  	[tilespmem:s14], [sflag:$0x2] =	stream.indirect.gather [hbm4b:s4+s12], $0x80, s24, s12, $0xb8;
	[tilespmem:$0x1F000] =	vst v63  }
0x297: {  	_ =	swait.ge [sflag:s15], $0x4000  }
0x298: {  	[sflag:s15] =	ssyncset.done $0x0  }
0x299: {  	s25 =	rddreg [dreg:$0xc];
	[sflag:s15] =	ssyncadd.s32 $0xFFFFC000  }
0x29a: {  	[spmem:s2] =	stream.indirect.scatter.add.f32 [tilespmem:s13], [sflag:$0x3], $0x80, s25, s12, $0xb8;
	[tilespmem:$0x1F000] =	vst v63  }
0x29b: {  	_ =	swait.ge [sflag:s11], $0x4000  }
0x29c: {  	[sflag:s11] =	ssyncset.done $0x0  }
0x29d: {  	s17 =	rddreg [dreg:$0xd];
	[sflag:s11] =	ssyncadd.s32 $0xFFFFC000  }
0x29e: {  	[tilespmem:s13], [sflag:$0x1] =	stream.indirect.gather [hbm4b:s4+s12], $0x80, s17, s12, $0xb8;
	[tilespmem:$0x1F000] =	vst v63  }
0x29f: {  	_ =	swait.ge [sflag:s16], $0x4000  }
0x2a0: {  	[sflag:s16] =	ssyncset.done $0x0  }
0x2a1: {  	s24 =	rddreg [dreg:$0xe];
	[sflag:s16] =	ssyncadd.s32 $0xFFFFC000  }
0x2a2: {  	[spmem:s2] =	stream.indirect.scatter.add.f32 [tilespmem:s14], [sflag:$0x3], $0x80, s24, s12, $0xb8;
	[tilespmem:$0x1F000] =	vst v63  }
0x2a3: {  	_ =	swait.ge [sflag:s11], $0x4000  }
0x2a4: {  	[sflag:s11] =	ssyncset.done $0x0  }
0x2a5: {  	s25 =	rddreg [dreg:$0xf];
	[sflag:s11] =	ssyncadd.s32 $0xFFFFC000  }
0x2a6: {  	[tilespmem:s14], [sflag:$0x2] =	stream.indirect.gather [hbm4b:s4+s12], $0x80, s25, s12, $0xb8;
	[tilespmem:$0x1F000] =	vst v63  }
0x2a7: {  	_ =	swait.ge [sflag:s15], $0x4000  }
0x2a8: {  	[sflag:s15] =	ssyncset.done $0x0  }
0x2a9: {  	s17 =	rddreg [dreg:$0x10];
	[sflag:s15] =	ssyncadd.s32 $0xFFFFC000  }
0x2aa: {  	[spmem:s2] =	stream.indirect.scatter.add.f32 [tilespmem:s13], [sflag:$0x3], $0x80, s17, s12, $0xb8;
	[tilespmem:$0x1F000] =	vst v63  }
0x2ab: {  	_ =	swait.ge [sflag:s11], $0x4000  }
0x2ac: {  	[sflag:s11] =	ssyncset.done $0x0  }
0x2ad: {  	s24 =	rddreg [dreg:$0x11];
	[sflag:s11] =	ssyncadd.s32 $0xFFFFC000  }
0x2ae: {  	[tilespmem:s13], [sflag:$0x1] =	stream.indirect.gather [hbm4b:s4+s12], $0x80, s24, s12, $0xb8;
	[tilespmem:$0x1F000] =	vst v63  }
0x2af: {  	_ =	swait.ge [sflag:s16], $0x4000  }
0x2b0: {  	[sflag:s16] =	ssyncset.done $0x0  }
0x2b1: {  	s25 =	rddreg [dreg:$0x12];
	[sflag:s16] =	ssyncadd.s32 $0xFFFFC000  }
0x2b2: {  	[spmem:s2] =	stream.indirect.scatter.add.f32 [tilespmem:s14], [sflag:$0x3], $0x80, s25, s12, $0xb8;
	[tilespmem:$0x1F000] =	vst v63  }
0x2b3: {  	_ =	swait.ge [sflag:s11], $0x4000  }
0x2b4: {  	[sflag:s11] =	ssyncset.done $0x0  }
0x2b5: {  	s17 =	rddreg [dreg:$0x13];
	[sflag:s11] =	ssyncadd.s32 $0xFFFFC000  }
0x2b6: {  	[tilespmem:s14], [sflag:$0x2] =	stream.indirect.gather [hbm4b:s4+s12], $0x80, s17, s12, $0xb8;
	[tilespmem:$0x1F000] =	vst v63  }
0x2b7: {  	_ =	swait.ge [sflag:s15], $0x4000  }
0x2b8: {  	[sflag:s15] =	ssyncset.done $0x0  }
0x2b9: {  	s24 =	rddreg [dreg:$0x14];
	[sflag:s15] =	ssyncadd.s32 $0xFFFFC000  }
0x2ba: {  	[spmem:s2] =	stream.indirect.scatter.add.f32 [tilespmem:s13], [sflag:$0x3], $0x80, s24, s12, $0xb8;
	[tilespmem:$0x1F000] =	vst v63  }
0x2bb: {  	_ =	swait.ge [sflag:s11], $0x4000  }
0x2bc: {  	[sflag:s11] =	ssyncset.done $0x0  }
0x2bd: {  	s25 =	rddreg [dreg:$0x15];
	[sflag:s11] =	ssyncadd.s32 $0xFFFFC000  }
0x2be: {  	[tilespmem:s13], [sflag:$0x1] =	stream.indirect.gather [hbm4b:s4+s12], $0x80, s25, s12, $0xb8;
	[tilespmem:$0x1F000] =	vst v63  }
0x2bf: {  	_ =	swait.ge [sflag:s16], $0x4000  }
0x2c0: {  	[sflag:s16] =	ssyncset.done $0x0  }
0x2c1: {  	s17 =	rddreg [dreg:$0x16];
	[sflag:s16] =	ssyncadd.s32 $0xFFFFC000  }
0x2c2: {  	[spmem:s2] =	stream.indirect.scatter.add.f32 [tilespmem:s14], [sflag:$0x3], $0x80, s17, s12, $0xb8;
	[tilespmem:$0x1F000] =	vst v63  }
0x2c3: {  	_ =	swait.ge [sflag:s11], $0x4000  }
0x2c4: {  	[sflag:s11] =	ssyncset.done $0x0  }
0x2c5: {  	s24 =	rddreg [dreg:$0x17];
	[sflag:s11] =	ssyncadd.s32 $0xFFFFC000  }
0x2c6: {  	[tilespmem:s14], [sflag:$0x2] =	stream.indirect.gather [hbm4b:s4+s12], $0x80, s24, s12, $0xb8;
	[tilespmem:$0x1F000] =	vst v63  }
0x2c7: {  	_ =	swait.ge [sflag:s15], $0x4000  }
0x2c8: {  	[sflag:s15] =	ssyncset.done $0x0  }
0x2c9: {  	s25 =	rddreg [dreg:$0x18];
	[sflag:s15] =	ssyncadd.s32 $0xFFFFC000  }
0x2ca: {  	[spmem:s2] =	stream.indirect.scatter.add.f32 [tilespmem:s13], [sflag:$0x3], $0x80, s25, s12, $0xb8;
	[tilespmem:$0x1F000] =	vst v63  }
0x2cb: {  	_ =	swait.ge [sflag:s11], $0x4000  }
0x2cc: {  	[sflag:s11] =	ssyncset.done $0x0  }
0x2cd: {  	s17 =	rddreg [dreg:$0x19];
	[sflag:s11] =	ssyncadd.s32 $0xFFFFC000  }
0x2ce: {  	[tilespmem:s13], [sflag:$0x1] =	stream.indirect.gather [hbm4b:s4+s12], $0x80, s17, s12, $0xb8;
	[tilespmem:$0x1F000] =	vst v63  }
0x2cf: {  	_ =	swait.ge [sflag:s16], $0x4000  }
0x2d0: {  	[sflag:s16] =	ssyncset.done $0x0  }
0x2d1: {  	s24 =	rddreg [dreg:$0x1a];
	[sflag:s16] =	ssyncadd.s32 $0xFFFFC000  }
0x2d2: {  	[spmem:s2] =	stream.indirect.scatter.add.f32 [tilespmem:s14], [sflag:$0x3], $0x80, s24, s12, $0xb8;
	[tilespmem:$0x1F000] =	vst v63  }
0x2d3: {  	_ =	swait.ge [sflag:s11], $0x4000  }
0x2d4: {  	[sflag:s11] =	ssyncset.done $0x0  }
0x2d5: {  	s25 =	rddreg [dreg:$0x1b];
	[sflag:s11] =	ssyncadd.s32 $0xFFFFC000  }
0x2d6: {  	[tilespmem:s14], [sflag:$0x2] =	stream.indirect.gather [hbm4b:s4+s12], $0x80, s25, s12, $0xb8;
	[tilespmem:$0x1F000] =	vst v63  }
0x2d7: {  	_ =	swait.ge [sflag:s15], $0x4000  }
0x2d8: {  	[sflag:s15] =	ssyncset.done $0x0  }
0x2d9: {  	s17 =	rddreg [dreg:$0x1c];
	[sflag:s15] =	ssyncadd.s32 $0xFFFFC000  }
0x2da: {  	[spmem:s2] =	stream.indirect.scatter.add.f32 [tilespmem:s13], [sflag:$0x3], $0x80, s17, s12, $0xb8;
	[tilespmem:$0x1F000] =	vst v63  }
0x2db: {  	_ =	swait.ge [sflag:s11], $0x4000  }
0x2dc: {  	[sflag:s11] =	ssyncset.done $0x0  }
0x2dd: {  	s24 =	rddreg [dreg:$0x1d];
	[sflag:s11] =	ssyncadd.s32 $0xFFFFC000  }
0x2de: {  	[tilespmem:s13], [sflag:$0x1] =	stream.indirect.gather [hbm4b:s4+s12], $0x80, s24, s12, $0xb8;
	[tilespmem:$0x1F000] =	vst v63  }
0x2df: {  	_ =	swait.ge [sflag:s16], $0x4000  }
0x2e0: {  	[sflag:s16] =	ssyncset.done $0x0  }
0x2e1: {  	s25 =	rddreg [dreg:$0x1e];
	[sflag:s16] =	ssyncadd.s32 $0xFFFFC000  }
0x2e2: {  	[spmem:s2] =	stream.indirect.scatter.add.f32 [tilespmem:s14], [sflag:$0x3], $0x80, s25, s12, $0xb8;
	[tilespmem:$0x1F000] =	vst v63  }
0x2e3: {  	_ =	swait.ge [sflag:s11], $0x4000  }
0x2e4: {  	[sflag:s11] =	ssyncset.done $0x0  }
0x2e5: {  	s17 =	rddreg [dreg:$0x1f];
	[sflag:s11] =	ssyncadd.s32 $0xFFFFC000  }
0x2e6: {  	[tilespmem:s14], [sflag:$0x2] =	stream.indirect.gather [hbm4b:s4+s12], $0x80, s17, s12, $0xb8;
	[tilespmem:$0x1F000] =	vst v63  }
0x2e7: {  	_ =	swait.ge [sflag:s15], $0x4000  }
0x2e8: {  	s24 =	sld [smem:$0x7E9]  }
0x2e9: {  	[sflag:s15] =	ssyncset.done $0x0  }
0x2ea: {  	[sflag:s15] =	ssyncadd.s32 $0xFFFFC000  }
0x2eb: {  	[spmem:s2] =	stream.indirect.scatter.add.f32 [tilespmem:s13], [sflag:$0x3], $0x80, s24, s12, $0xb8;
	[tilespmem:$0x1F000] =	vst v63  }
0x2ec: {  	_ =	swait.ge [sflag:s11], $0x4000  }
0x2ed: {  	s25 =	sld [smem:$0x7EA]  }
0x2ee: {  	[sflag:s11] =	ssyncset.done $0x0  }
0x2ef: {  	[sflag:s11] =	ssyncadd.s32 $0xFFFFC000  }
0x2f0: {  	[tilespmem:s13], [sflag:$0x1] =	stream.indirect.gather [hbm4b:s4+s12], $0x80, s25, s12, $0xb8;
	[tilespmem:$0x1F000] =	vst v63  }
0x2f1: {  	_ =	swait.ge [sflag:s16], $0x4000  }
0x2f2: {  	s17 =	sld [smem:$0x7EB]  }
0x2f3: {  	[sflag:s16] =	ssyncset.done $0x0  }
0x2f4: {  	[sflag:s16] =	ssyncadd.s32 $0xFFFFC000  }
0x2f5: {  	[spmem:s2] =	stream.indirect.scatter.add.f32 [tilespmem:s14], [sflag:$0x3], $0x80, s17, s12, $0xb8;
	[tilespmem:$0x1F000] =	vst v63  }
0x2f6: {  	_ =	swait.ge [sflag:s11], $0x4000  }
0x2f7: {  	s24 =	sld [smem:$0x7EC]  }
0x2f8: {  	[sflag:s11] =	ssyncset.done $0x0  }
0x2f9: {  	[sflag:s11] =	ssyncadd.s32 $0xFFFFC000  }
0x2fa: {  	[tilespmem:s14], [sflag:$0x2] =	stream.indirect.gather [hbm4b:s4+s12], $0x80, s24, s12, $0xb8;
	[tilespmem:$0x1F000] =	vst v63  }
0x2fb: {  	_ =	swait.ge [sflag:s15], $0x4000  }
0x2fc: {  	s25 =	sld [smem:$0x7ED]  }
0x2fd: {  	[sflag:s15] =	ssyncset.done $0x0  }
0x2fe: {  	[sflag:s15] =	ssyncadd.s32 $0xFFFFC000  }
0x2ff: {  	[spmem:s2] =	stream.indirect.scatter.add.f32 [tilespmem:s13], [sflag:$0x3], $0x80, s25, s12, $0xb8;
	[tilespmem:$0x1F000] =	vst v63  }
0x300: {  	_ =	swait.ge [sflag:s11], $0x4000  }
0x301: {  	s17 =	sld [smem:$0x7EF]  }
0x302: {  	[sflag:s11] =	ssyncset.done $0x0  }
0x303: {  	[sflag:s11] =	ssyncadd.s32 $0xFFFFC000  }
0x304: {  	[tilespmem:s13], [sflag:$0x1] =	stream.indirect.gather [hbm4b:s4+s12], $0x80, s17, s12, $0xb8;
	[tilespmem:$0x1F000] =	vst v63  }
0x305: {  	_ =	swait.ge [sflag:s16], $0x4000  }
0x306: {  	s24 =	sld [smem:$0x7F1]  }
0x307: {  	[sflag:s16] =	ssyncset.done $0x0  }
0x308: {  	[sflag:s16] =	ssyncadd.s32 $0xFFFFC000  }
0x309: {  	[spmem:s2] =	stream.indirect.scatter.add.f32 [tilespmem:s14], [sflag:$0x3], $0x80, s24, s12, $0xb8;
	[tilespmem:$0x1F000] =	vst v63  }
0x30a: {  	_ =	swait.ge [sflag:s11], $0x4000  }
0x30b: {  	s25 =	sld [smem:$0x7F3]  }
0x30c: {  	[sflag:s11] =	ssyncset.done $0x0  }
0x30d: {  	[sflag:s11] =	ssyncadd.s32 $0xFFFFC000  }
0x30e: {  	[tilespmem:s14], [sflag:$0x2] =	stream.indirect.gather [hbm4b:s4+s12], $0x80, s25, s12, $0xb8;
	[tilespmem:$0x1F000] =	vst v63  }
0x30f: {  	_ =	swait.ge [sflag:s15], $0x4000  }
0x310: {  	s17 =	sld [smem:$0x7F4]  }
0x311: {  	[sflag:s15] =	ssyncset.done $0x0  }
0x312: {  	[sflag:s15] =	ssyncadd.s32 $0xFFFFC000  }
0x313: {  	[spmem:s2] =	stream.indirect.scatter.add.f32 [tilespmem:s13], [sflag:$0x3], $0x80, s17, s12, $0xb8;
	[tilespmem:$0x1F000] =	vst v63  }
0x314: {  	_ =	swait.ge [sflag:s11], $0x4000  }
0x315: {  	s24 =	sld [smem:$0x7F5]  }
0x316: {  	[sflag:s11] =	ssyncset.done $0x0  }
0x317: {  	[sflag:s11] =	ssyncadd.s32 $0xFFFFC000  }
0x318: {  	[tilespmem:s13], [sflag:$0x1] =	stream.indirect.gather [hbm4b:s4+s12], $0x80, s24, s12, $0xb8;
	[tilespmem:$0x1F000] =	vst v63  }
0x319: {  	_ =	swait.ge [sflag:s16], $0x4000  }
0x31a: {  	s25 =	sld [smem:$0x7F6]  }
0x31b: {  	[sflag:s16] =	ssyncset.done $0x0  }
0x31c: {  	[sflag:s16] =	ssyncadd.s32 $0xFFFFC000  }
0x31d: {  	[spmem:s2] =	stream.indirect.scatter.add.f32 [tilespmem:s14], [sflag:$0x3], $0x80, s25, s12, $0xb8;
	[tilespmem:$0x1F000] =	vst v63  }
0x31e: {  	_ =	swait.ge [sflag:s11], $0x4000  }
0x31f: {  	s17 =	sld [smem:$0x7F7]  }
0x320: {  	[sflag:s11] =	ssyncset.done $0x0  }
0x321: {  	[sflag:s11] =	ssyncadd.s32 $0xFFFFC000  }
0x322: {  	[tilespmem:s14], [sflag:$0x2] =	stream.indirect.gather [hbm4b:s4+s12], $0x80, s17, s12, $0xb8;
	[tilespmem:$0x1F000] =	vst v63  }
0x323: {  	_ =	swait.ge [sflag:s15], $0x4000  }
0x324: {  	s24 =	sld [smem:$0x7F8]  }
0x325: {  	[sflag:s15] =	ssyncset.done $0x0  }
0x326: {  	[sflag:s15] =	ssyncadd.s32 $0xFFFFC000  }
0x327: {  	[spmem:s2] =	stream.indirect.scatter.add.f32 [tilespmem:s13], [sflag:$0x3], $0x80, s24, s12, $0xb8;
	[tilespmem:$0x1F000] =	vst v63  }
0x328: {  	_ =	swait.ge [sflag:s11], $0x4000  }
0x329: {  	s25 =	sld [smem:$0x7F9]  }
0x32a: {  	[sflag:s11] =	ssyncset.done $0x0  }
0x32b: {  	[sflag:s11] =	ssyncadd.s32 $0xFFFFC000  }
0x32c: {  	[tilespmem:s13], [sflag:$0x1] =	stream.indirect.gather [hbm4b:s4+s12], $0x80, s25, s12, $0xb8;
	[tilespmem:$0x1F000] =	vst v63  }
0x32d: {  	_ =	swait.ge [sflag:s16], $0x4000  }
0x32e: {  	s17 =	sld [smem:$0x7FA]  }
0x32f: {  	[sflag:s16] =	ssyncset.done $0x0  }
0x330: {  	[sflag:s16] =	ssyncadd.s32 $0xFFFFC000  }
0x331: {  	[spmem:s2] =	stream.indirect.scatter.add.f32 [tilespmem:s14], [sflag:$0x3], $0x80, s17, s12, $0xb8;
	[tilespmem:$0x1F000] =	vst v63  }
0x332: {  	_ =	swait.ge [sflag:s11], $0x4000  }
0x333: {  	[sflag:s11] =	ssyncset.done $0x0  }
0x334: {  	s24 =	simm.s32 $0xB80;
	[sflag:s11] =	ssyncadd.s32 $0xFFFFC000  }
0x335: {  	[tilespmem:s14], [sflag:$0x2] =	stream.indirect.gather [hbm4b:s4+s12], $0x80, s24, s12, $0xb8;
	[tilespmem:$0x1F000] =	vst v63  }
0x336: {  	_ =	swait.ge [sflag:s15], $0x4000  }
0x337: {  	[sflag:s15] =	ssyncset.done $0x0  }
0x338: {  	[sflag:s15] =	ssyncadd.s32 $0xFFFFC000  }
0x339: {  	[spmem:s2] =	stream.indirect.scatter.add.f32 [tilespmem:s13], [sflag:$0x3], $0x80, s18, s12, $0xb8;
	[tilespmem:$0x1F000] =	vst v63  }
0x33a: {  	_ =	swait.ge [sflag:s11], $0x4000  }
0x33b: {  	[sflag:s11] =	ssyncset.done $0x0  }
0x33c: {  	[sflag:s11] =	ssyncadd.s32 $0xFFFFC000  }
0x33d: {  	[tilespmem:s13], [sflag:$0x1] =	stream.indirect.gather [hbm4b:s4+s12], $0x80, s19, s12, $0xb8;
	[tilespmem:$0x1F000] =	vst v63  }
0x33e: {  	_ =	swait.ge [sflag:s16], $0x4000  }
0x33f: {  	[sflag:s16] =	ssyncset.done $0x0  }
0x340: {  	[sflag:s16] =	ssyncadd.s32 $0xFFFFC000  }
0x341: {  	[spmem:s2] =	stream.indirect.scatter.add.f32 [tilespmem:s14], [sflag:$0x3], $0x80, s20, s12, $0xb8;
	[tilespmem:$0x1F000] =	vst v63  }
0x342: {  	_ =	swait.ge [sflag:s11], $0x4000  }
0x343: {  	[sflag:s11] =	ssyncset.done $0x0  }
0x344: {  	[sflag:s11] =	ssyncadd.s32 $0xFFFFC000  }
0x345: {  	[tilespmem:s14], [sflag:$0x2] =	stream.indirect.gather [hbm4b:s4+s12], $0x80, s21, s12, $0xb8;
	[tilespmem:$0x1F000] =	vst v63  }
0x346: {  	_ =	swait.ge [sflag:s15], $0x4000  }
0x347: {  	[sflag:s15] =	ssyncset.done $0x0  }
0x348: {  	[sflag:s15] =	ssyncadd.s32 $0xFFFFC000  }
0x349: {  	[spmem:s2] =	stream.indirect.scatter.add.f32 [tilespmem:s13], [sflag:$0x3], $0x80, s22, s12, $0xb8;
	[tilespmem:$0x1F000] =	vst v63  }
0x34a: {  	_ =	swait.ge [sflag:s11], $0x4000  }
0x34b: {  	[sflag:s11] =	ssyncset.done $0x0  }
0x34c: {  	[sflag:s11] =	ssyncadd.s32 $0xFFFFC000  }
0x34d: {  	[tilespmem:s13], [sflag:$0x1] =	stream.indirect.gather [hbm4b:s4+s12], $0x80, s23, s12, $0xb8;
	[tilespmem:$0x1F000] =	vst v63  }
0x34e: {  	_ =	swait.ge [sflag:s16], $0x4000  }
0x34f: {  	[sflag:s16] =	ssyncset.done $0x0  }
0x350: {  	[sflag:s16] =	ssyncadd.s32 $0xFFFFC000  }
0x351: {  	[spmem:s2] =	stream.indirect.scatter.add.f32 [tilespmem:s14], [sflag:$0x3], $0x80, s26, s12, $0xb8;
	[tilespmem:$0x1F000] =	vst v63  }
0x352: {  	_ =	swait.ge [sflag:s11], $0x4000  }
0x353: {  	[sflag:s11] =	ssyncset.done $0x0  }
0x354: {  	[sflag:s11] =	ssyncadd.s32 $0xFFFFC000  }
0x355: {  	[tilespmem:s14], [sflag:$0x2] =	stream.indirect.gather [hbm4b:s4+s12], $0x80, s28, s12, $0xb8;
	[tilespmem:$0x1F000] =	vst v63  }
0x356: {  	_ =	swait.ge [sflag:s15], $0x4000  }
0x357: {  	[sflag:s15] =	ssyncset.done $0x0  }
0x358: {  	[sflag:s15] =	ssyncadd.s32 $0xFFFFC000  }
0x359: {  	[spmem:s2] =	stream.indirect.scatter.add.f32 [tilespmem:s13], [sflag:$0x3], $0x80, s29, s12, $0xb8;
	[tilespmem:$0x1F000] =	vst v63  }
0x35a: {  	_ =	swait.ge [sflag:s11], $0x4000  }
0x35b: {  	[sflag:s11] =	ssyncset.done $0x0  }
0x35c: {  	[sflag:s11] =	ssyncadd.s32 $0xFFFFC000  }
0x35d: {  	[tilespmem:s13], [sflag:$0x1] =	stream.indirect.gather [hbm4b:s4+s12], $0x80, s30, s12, $0xb8;
	[tilespmem:$0x1F000] =	vst v63  }
0x35e: {  	_ =	swait.ge [sflag:s16], $0x4000  }
0x35f: {  	[sflag:s16] =	ssyncset.done $0x0  }
0x360: {  	[sflag:s16] =	ssyncadd.s32 $0xFFFFC000  }
0x361: {  	[spmem:s2] =	stream.indirect.scatter.add.f32 [tilespmem:s14], [sflag:$0x3], $0x80, s31, s12, $0xb8;
	[tilespmem:$0x1F000] =	vst v63  }
0x362: {  	_ =	swait.ge [sflag:s11], $0x4000  }
0x363: {  	[sflag:s11] =	ssyncset.done $0x0  }
0x364: {  	[sflag:s11] =	ssyncadd.s32 $0xFFFFC000  }
0x365: {  	[tilespmem:s14], [sflag:$0x2] =	stream.indirect.gather [hbm4b:s4+s12], $0x80, s1, s12, $0xb8;
	[tilespmem:$0x1F000] =	vst v63  }
0x366: {  	_ =	swait.ge [sflag:s15], $0x4000  }
0x367: {  	[sflag:s15] =	ssyncset.done $0x0  }
0x368: {  	[sflag:s15] =	ssyncadd.s32 $0xFFFFC000  }
0x369: {  	[spmem:s2] =	stream.indirect.scatter.add.f32 [tilespmem:s13], [sflag:$0x3], $0x80, s0, s12, $0xb8;
	[tilespmem:$0x1F000] =	vst v63  }
0x36a: {  	_ =	swait.ge [sflag:s11], $0x4000  }
0x36b: {  	[sflag:s11] =	ssyncset.done $0x0  }
0x36c: {  	[sflag:s11] =	ssyncadd.s32 $0xFFFFC000  }
0x36d: {  	[tilespmem:s13], [sflag:$0x1] =	stream.indirect.gather [hbm4b:s4+s12], $0x80, s5, s12, $0xb8;
	[tilespmem:$0x1F000] =	vst v63  }
0x36e: {  	_ =	swait.ge [sflag:s16], $0x4000  }
0x36f: {  	[sflag:s16] =	ssyncset.done $0x0  }
0x370: {  	[sflag:s16] =	ssyncadd.s32 $0xFFFFC000  }
0x371: {  	[spmem:s2] =	stream.indirect.scatter.add.f32 [tilespmem:s14], [sflag:$0x3], $0x80, s7, s12, $0xb8;
	[tilespmem:$0x1F000] =	vst v63  }
0x372: {  	_ =	swait.ge [sflag:s11], $0x4000  }
0x373: {  	[sflag:s11] =	ssyncset.done $0x0  }
0x374: {  	[sflag:s11] =	ssyncadd.s32 $0xFFFFC000  }
0x375: {  	[tilespmem:s14], [sflag:$0x2] =	stream.indirect.gather [hbm4b:s4+s12], $0x80, s8, s12, $0xb8;
	[tilespmem:$0x1F000] =	vst v63  }
0x376: {  	_ =	swait.ge [sflag:s15], $0x4000  }
0x377: {  	[sflag:s15] =	ssyncset.done $0x0  }
0x378: {  	[sflag:s15] =	ssyncadd.s32 $0xFFFFC000  }
0x379: {  	[spmem:s2] =	stream.indirect.scatter.add.f32 [tilespmem:s13], [sflag:$0x3], $0x80, s9, s12, $0xb8;
	[tilespmem:$0x1F000] =	vst v63  }
0x37a: {  	_ =	swait.ge [sflag:s11], $0x4000  }
0x37b: {  	[sflag:s11] =	ssyncset.done $0x0  }
0x37c: {  	[sflag:s11] =	ssyncadd.s32 $0xFFFFC000  }
0x37d: {  	_ =	swait.ge [sflag:s16], $0x4000  }
0x37e: {  	[sflag:s16] =	ssyncset.done $0x0  }
0x37f: {  	[sflag:s16] =	ssyncadd.s32 $0xFFFFC000  }
0x380: {  	[spmem:s2] =	stream.indirect.scatter.add.f32 [tilespmem:s14], [sflag:$0x3], $0x80, s10, s12, $0xb8;
	[tilespmem:$0x1F000] =	vst v63  }
0x381: {  	_ =	swait.ge [sflag:s11], $0x4000  }
0x382: {  	[sflag:s11] =	ssyncset.done $0x0  }
0x383: {  	[sflag:s11] =	ssyncadd.s32 $0xFFFFC000  }
0x384: {  	[bflag:$0x0] =	sbarrier.arrive $0xFFFF  }
0x385: {  	s24 =	sld [smem:$0x7FD]  }
0x386: {  	s25 =	sld [smem:$0x7E8]  }
0x387: {  	s17 =	sld [smem:$0x7FB];
	_ =	sdelay $0x2  }
0x388: {  	[hbm:s25], [sflag:s24] =	dma.local [spmem:s17], $0x2700  }
0x389: {  	_ =	swait.ge [sflag:s11], $0x2700  }
0x38a: {  	s6 =	sld [smem:$0x7EE]  }
0x38b: {  	s17 =	sld [smem:$0x7FC]  }
0x38c: {  	[sflag:s11] =	ssyncset.done $0x0  }
0x38d: {  	[sflag:s11] =	ssyncadd.s32 $0xFFFFD900  }
0x38e: {  	[hbm:s6], [sflag:s24] =	dma.local @!p0 [spmem:s17], $0x100  }
0x38f: {  	s6 =	simm.s32 @!p0 $0x3  }
0x390: {  	_ =	swait.ge @!p0 [sflag:s6], $0x100  }
0x391: {  	s17 =	sld [smem:$0x7E6];
	_ =	sdelay $0x2  }
0x392: {  	s25 =	sadd.s32 $0x1, s17;
	s17 =	sld [smem:$0x7F0];
	_ =	sdelay $0x2  }
0x393: {  	p1 =	sne.s32 s25, s17  }
.Ltmp1:
0x394: {  	_ = 	snop;
	(pc) =	sbr.rel @p1 .LBB2_1-.Ltmp1, $3  }
0x395: {  	_ =	sdelay $0x1  }
0x396: {  	[sflag:s6] =	ssyncset.done @!p0 $0x0  }
0x397: {  	[sflag:s6] =	ssyncadd.s32 @!p0 $0xFFFFFF00  }
0x398: {  	_ =	sfence.sel $0x180000  }
0x399: {  	[bflag:$0x0] =	sbarrier.arrive $0xFFFF  }
0x39a: {  	_ =	strace $0x90000047  }
0x39b: {  	s0 =	stileid.u32;
	[bflag:$0x2] =	sbarrier.arrive $0xFFFF  }
0x39c: {  	p0 =	sne.s32 s0, $0x0;
	s0 =	rddreg [dreg:$0x2]  }
0x39d: {  	s0 =	sadd.s32 @!p0 $0x100000, s0  }
0x39e: {  	[sflag:s0] =	ssyncadd.tile.s32 @!p0 $0x1;
	_ =	shalt  }
.Lfunc_end2:
_tile_overlayer_lowered:
.L_overlay_start_2:
0x39f: {  	(tag) =	ssettag $0x2  }
0x3a0: {  	s0 =	rddreg [dreg:$0x0];
	s2 =	stileid.u32  }
0x3a1: {  	s1 =	rddreg [dreg:$0x1];
	p0 =	sne.s32 s2, $0x0  }
0x3a2: {  	s3 =	rddreg [dreg:$0x2];
	[bflag:$0x3] =	sbarrier.arrive $0xFFFF;
	s2 =	simm.s32 @!p0 $0x1C03  }
0x3a3: {  	[timem:s3], [sflag:s2] =	dma.local @!p0 [hbm:s0], s1  }
0x3a4: {  	s0 =	simm.s32 @!p0 $0x3  }
0x3a5: {  	_ =	swait.ge @!p0 [sflag:s0], s1  }
0x3a6: {  	s1 =	ssub.s32 @!p0 $0x0, s1;
	[sflag:s0] =	ssyncset.done @!p0 $0x0  }
0x3a7: {  	[sflag:s0] =	ssyncadd.s32 @!p0 s1  }
0x3a8: {  	[bflag:$0x3] =	sbarrier.arrive $0xFFFF  }
0x3a9: {  	_ =	shalt  }

</sc_bundles>
